<compile_context>
chip_gen: v7x
topology: tpu7x:2x2x1
jax: 0.10.2.dev20260603
libtpu: 0.0.44.dev20260713+nightly
codegen_flags: <defaults>
</compile_context>

<pallas_src>
import functools

import jax
import jax.numpy as jnp
from jax import lax
from jax.experimental import pallas as pl
from jax.experimental.pallas import tpu as pltpu
from jax.experimental.pallas import tpu_sc as plsc

EPS = 1e-5
K = 16


def _bn(x, g, b):
    m = jnp.mean(x, axis=0)
    v = jnp.var(x, axis=0)
    return (x - m) / jnp.sqrt(v + EPS) * g + b




def _make_fps_kernel(n, rows, cols, ns):
    def _fps_kernel(px_ref, py_ref, pz_ref, pxs_ref, pys_ref, pzs_ref,
                    idx_ref):
        ii = jax.lax.broadcasted_iota(jnp.int32, (rows, cols), 0) * cols + \
            jax.lax.broadcasted_iota(jnp.int32, (rows, cols), 1)
        valid = ii < n
        px = px_ref[...]
        py = py_ref[...]
        pz = pz_ref[...]
        dists0 = jnp.where(valid, jnp.inf, -jnp.inf).astype(jnp.float32)
        idx_ref[0:1, :] = jnp.zeros((1, 1), jnp.int32)

        def body(i, carry):
            dists, last = carry
            lx = pxs_ref[last]
            ly = pys_ref[last]
            lz = pzs_ref[last]
            dx = px - lx
            dy = py - ly
            dz = pz - lz
            d = dx * dx + dy * dy + dz * dz
            dists = jnp.minimum(dists, d)
            m = jnp.max(dists)
            nxt = jnp.min(jnp.where(dists == m, ii, jnp.int32(rows * cols)))
            idx_ref[pl.ds(i, 1), :] = jnp.full((1, 1), nxt, jnp.int32)
            return dists, nxt

        jax.lax.fori_loop(1, ns, body, (dists0, jnp.int32(0)))

    return _fps_kernel


def _fps(pos, n_samples):
    n = pos.shape[0]
    cols = 128
    rows = (n + cols - 1) // cols
    npad = rows * cols
    posp = jnp.pad(pos, ((0, npad - n), (0, 0)))
    px = posp[:, 0].reshape(rows, cols)
    py = posp[:, 1].reshape(rows, cols)
    pz = posp[:, 2].reshape(rows, cols)
    vspec = pl.BlockSpec((rows, cols), lambda: (0, 0))
    sspec = pl.BlockSpec(memory_space=pltpu.SMEM)
    idx = pl.pallas_call(
        _make_fps_kernel(n, rows, cols, n_samples),
        in_specs=[vspec, vspec, vspec, sspec, sspec, sspec],
        out_shape=jax.ShapeDtypeStruct((n_samples, 1), jnp.int32),
    )(px, py, pz, posp[:, 0], posp[:, 1], posp[:, 2])
    return jnp.sort(idx[:, 0])




KNN_R = 256


def _make_knn_kernel(m, mpad, k):
    def _knn_kernel(f_ref, ft_ref, nbr_ref):
        i = pl.program_id(0)
        fb = f_ref[...]
        ft = ft_ref[...]
        sq_blk = jnp.sum(fb * fb, axis=1, keepdims=True)
        sq_all = jnp.sum(ft * ft, axis=0, keepdims=True)
        d = sq_blk + sq_all - 2.0 * jnp.dot(fb, ft,
                                            preferred_element_type=jnp.float32)
        col = jax.lax.broadcasted_iota(jnp.int32, (KNN_R, mpad), 1)
        row = i * KNN_R + jax.lax.broadcasted_iota(jnp.int32, (KNN_R, mpad), 0)
        d = jnp.where((col == row) | (col >= m), jnp.inf, d)
        cols = []
        for _ in range(k):
            mn = jnp.min(d, axis=1, keepdims=True)
            am = jnp.min(jnp.where(d == mn, col, jnp.int32(mpad)), axis=1,
                         keepdims=True)
            cols.append(am)
            d = jnp.where(col == am, jnp.inf, d)
        nbr_ref[...] = jnp.concatenate(cols, axis=1)

    return _knn_kernel


def _knn_nbr(f, k):
    m, c = f.shape
    mpad = (m + KNN_R - 1) // KNN_R * KNN_R
    fp = jnp.pad(f, ((0, mpad - m), (0, 0)))
    nbr = pl.pallas_call(
        _make_knn_kernel(m, mpad, k),
        grid=(mpad // KNN_R,),
        in_specs=[
            pl.BlockSpec((KNN_R, c), lambda i: (i, 0)),
            pl.BlockSpec((c, mpad), lambda i: (0, 0)),
        ],
        out_specs=pl.BlockSpec((KNN_R, k), lambda i: (i, 0)),
        out_shape=jax.ShapeDtypeStruct((mpad, k), jnp.int32),
    )(fp, fp.T)
    return nbr[:m]


def _max_pool_neighbor(x, edge_index, N):
    loop = jnp.arange(N, dtype=jnp.int32)
    src = jnp.concatenate([edge_index[0].astype(jnp.int32), loop])
    dst = jnp.concatenate([edge_index[1].astype(jnp.int32), loop])
    return jax.ops.segment_max(x[src], dst, num_segments=N)




def _mm_kernel(x_ref, w_ref, o_ref):
    o_ref[...] = jnp.dot(x_ref[...], w_ref[...],
                         preferred_element_type=jnp.float32)


def _pallas_matmul(x, w, blk=512):
    n, cin = x.shape
    cout = w.shape[1]
    n_pad = (n + blk - 1) // blk * blk
    xp = jnp.pad(x, ((0, n_pad - n), (0, 0)))
    out = pl.pallas_call(
        _mm_kernel,
        grid=(n_pad // blk,),
        in_specs=[
            pl.BlockSpec((blk, cin), lambda i: (i, 0)),
            pl.BlockSpec((cin, cout), lambda i: (0, 0)),
        ],
        out_specs=pl.BlockSpec((blk, cout), lambda i: (i, 0)),
        out_shape=jax.ShapeDtypeStruct((n_pad, cout), jnp.float32),
    )(xp, w)
    return out[:n]




def _sc_gather3(tab_a, tab_b, tab_p, idx):
    e_total = idx.shape[0]
    info = plsc.get_sparse_core_info()
    nw = info.num_cores * info.num_subcores
    per_w = e_total // nw
    ch = 40
    n_ch = per_w // ch
    assert per_w % ch == 0 and per_w % 8 == 0
    mesh = plsc.VectorSubcoreMesh(core_axis_name="c", subcore_axis_name="s")

    @functools.partial(
        pl.kernel, mesh=mesh,
        out_type=[
            jax.ShapeDtypeStruct((e_total, 256), jnp.float32),
            jax.ShapeDtypeStruct((e_total, 256), jnp.float32),
            jax.ShapeDtypeStruct((e_total, 128), jnp.float32),
        ],
        scratch_types=[
            pltpu.VMEM((ch,), jnp.int32),
            pltpu.VMEM((ch, 256), jnp.float32),
            pltpu.VMEM((ch, 256), jnp.float32),
            pltpu.VMEM((ch, 128), jnp.float32),
            pltpu.SemaphoreType.DMA,
            pltpu.SemaphoreType.DMA,
            pltpu.SemaphoreType.DMA,
        ],
    )
    def gk(ta_hbm, tb_hbm, tp_hbm, idx_hbm, oa_hbm, ob_hbm, op_hbm,
           idx_v, buf_a, buf_b, buf_p, sem_a, sem_b, sem_p):
        wid = lax.axis_index("s") * info.num_cores + lax.axis_index("c")
        base = wid * per_w

        def body(c, _):
            off = base + c * ch
            pltpu.sync_copy(idx_hbm.at[pl.ds(off, ch)], idx_v)
            ca = pltpu.async_copy(ta_hbm.at[idx_v], buf_a, sem_a)
            cb = pltpu.async_copy(tb_hbm.at[idx_v], buf_b, sem_b)
            cp = pltpu.async_copy(tp_hbm.at[idx_v], buf_p, sem_p)
            ca.wait()
            cb.wait()
            cp.wait()
            pltpu.sync_copy(buf_a, oa_hbm.at[pl.ds(off, ch)])
            pltpu.sync_copy(buf_b, ob_hbm.at[pl.ds(off, ch)])
            pltpu.sync_copy(buf_p, op_hbm.at[pl.ds(off, ch)])
            return 0

        lax.fori_loop(0, n_ch, body, 0)

    return gk(tab_a, tab_b, tab_p, idx)



NBM = 40


def _stats_update(i, s_ref, q_ref, val):
    ps = jnp.sum(val, axis=(0, 1), keepdims=False).reshape(1, -1)
    pq = jnp.sum(val * val, axis=(0, 1), keepdims=False).reshape(1, -1)

    @pl.when(i == 0)
    def _():
        s_ref[...] = ps
        q_ref[...] = pq

    @pl.when(i > 0)
    def _():
        s_ref[...] += ps
        q_ref[...] += pq


def _bn_from_stats(u, s, q, g, be, count):
    m = s / count
    v = q / count - m * m
    return (u - m) / jnp.sqrt(v + EPS) * g + be


def _edge_pm_kernel(pos_sg_ref, pos_s_ref, m1_ref, mx_ref, my_ref, mz_ref):
    i = pl.program_id(0)
    pd = jnp.broadcast_to(pos_s_ref[...][None, :, :], (32, NBM, 3))
    p = pd - pos_sg_ref[...]
    outs = [
        jnp.sum(p, axis=(0, 1)).reshape(1, 3),
        jnp.sum(p * p[:, :, 0:1], axis=(0, 1)).reshape(1, 3),
        jnp.sum(p * p[:, :, 1:2], axis=(0, 1)).reshape(1, 3),
        jnp.sum(p * p[:, :, 2:3], axis=(0, 1)).reshape(1, 3),
    ]
    for ref, val in zip((m1_ref, mx_ref, my_ref, mz_ref), outs):
        @pl.when(i == 0)
        def _(ref=ref, val=val):
            ref[...] = val

        @pl.when(i > 0)
        def _(ref=ref, val=val):
            ref[...] += val


def _edge_p2_kernel(pos_sg_ref, pos_s_ref, m1_ref, mx_ref, my_ref, mz_ref,
                    w1_ref, b1_ref, g_ref, be_ref, w2_ref, b2_ref,
                    u2_ref, s_ref, q_ref, *, count):
    i = pl.program_id(0)
    w1 = w1_ref[...]
    b1 = b1_ref[...]
    s1 = jnp.dot(m1_ref[...], w1, preferred_element_type=jnp.float32) \
        + count * b1
    tx = jnp.dot(mx_ref[...], w1, preferred_element_type=jnp.float32)
    ty = jnp.dot(my_ref[...], w1, preferred_element_type=jnp.float32)
    tz = jnp.dot(mz_ref[...], w1, preferred_element_type=jnp.float32)
    q1 = (w1[0:1, :] * tx + w1[1:2, :] * ty + w1[2:3, :] * tz
          + 2.0 * b1 * (s1 - count * b1) + count * b1 * b1)
    pd = jnp.broadcast_to(pos_s_ref[...][None, :, :], (32, NBM, 3))
    p = pd - pos_sg_ref[...]
    u1 = jnp.dot(p.reshape(32 * NBM, 3), w1,
                 preferred_element_type=jnp.float32) + b1
    h = _bn_from_stats(u1.reshape(32, NBM, 256), s1, q1, g_ref[...],
                       be_ref[...], count)
    h = jax.nn.relu(h)
    u2 = jnp.dot(h.reshape(32 * NBM, 256), w2_ref[...],
                 preferred_element_type=jnp.float32) + b2_ref[...]
    u2_ref[...] = u2.reshape(32, NBM, 256)
    _stats_update(i, s_ref, q_ref, u2_ref[...])


def _edge_mid_kernel(u_ref, s_in_ref, q_in_ref, g_ref, be_ref, w_ref, b_ref,
                     u2_ref, s_ref, q_ref, *, count):
    i = pl.program_id(0)
    h = _bn_from_stats(u_ref[...], s_in_ref[...], q_in_ref[...], g_ref[...],
                       be_ref[...], count)
    h = jax.nn.relu(h)
    u2 = jnp.dot(h.reshape(32 * NBM, 256), w_ref[...],
                 preferred_element_type=jnp.float32) + b_ref[...]
    u2_ref[...] = u2.reshape(32, NBM, 256)
    _stats_update(i, s_ref, q_ref, u2_ref[...])


def _edge_a1_kernel(u_ref, s_in_ref, q_in_ref, g_ref, be_ref, a_srcg_ref,
                    a_dst_ref, w_ref, b_ref, v1_ref, delta_ref, s_ref, q_ref,
                    *, count):
    i = pl.program_id(0)
    delta = _bn_from_stats(u_ref[...], s_in_ref[...], q_in_ref[...],
                           g_ref[...], be_ref[...], count)
    delta = jax.nn.relu(delta)
    delta_ref[...] = delta
    ad = jnp.broadcast_to(a_dst_ref[...][None, :, :], (32, NBM, 256))
    gacc = ad - a_srcg_ref[...] + delta
    v1 = jnp.dot(gacc.reshape(32 * NBM, 256), w_ref[...],
                 preferred_element_type=jnp.float32) + b_ref[...]
    v1_ref[...] = v1.reshape(32, NBM, 256)
    _stats_update(i, s_ref, q_ref, v1_ref[...])


def _edge_final_kernel(v2_ref, s_in_ref, q_in_ref, g_ref, be_ref, delta_ref,
                       xval_g_ref, w_ref, out_ref, *, count):
    a = _bn_from_stats(v2_ref[...], s_in_ref[...], q_in_ref[...], g_ref[...],
                       be_ref[...], count)
    a = jax.nn.relu(a)
    mx = jnp.max(a, axis=0, keepdims=True)
    e = jnp.exp(a - mx)
    ssum = jnp.sum(e, axis=0, keepdims=True)
    alpha = e / (ssum + 1e-16)
    msg = alpha * (xval_g_ref[...] + delta_ref[...]) * w_ref[...]
    out_ref[...] = jnp.sum(msg, axis=0)


def _edge_pipeline(pos_s, pos_sg, a_dst, a_srcg, xval_g, w_edge, W_p1, b_p1,
                   g_p1, be_p1, W_p2, b_p2, g_p2, be_p2, W_a1, b_a1, g_a1,
                   be_a1, W_a2, b_a2, g_a2, be_a2):
    M = pos_s.shape[0]
    E = float(32 * M)
    nblk = M // NBM
    grid = (nblk,)
    C = 256

    def espec(c):
        return pl.BlockSpec((32, NBM, c), lambda i: (0, i, 0))

    def nspec(c):
        return pl.BlockSpec((NBM, c), lambda i: (i, 0))

    def wspec(r, c):
        return pl.BlockSpec((r, c), lambda i: (0, 0))

    stat_spec = pl.BlockSpec((1, C), lambda i: (0, 0))
    stat_shape = jax.ShapeDtypeStruct((1, C), jnp.float32)
    eshape = jax.ShapeDtypeStruct((32, M, C), jnp.float32)

    mspec = pl.BlockSpec((1, 3), lambda i: (0, 0))
    mshape = jax.ShapeDtypeStruct((1, 3), jnp.float32)
    m1, mx, my, mz = pl.pallas_call(
        _edge_pm_kernel,
        grid=grid,
        in_specs=[espec(3), nspec(3)],
        out_specs=[mspec, mspec, mspec, mspec],
        out_shape=[mshape, mshape, mshape, mshape],
    )(pos_sg, pos_s)

    u2, s2, q2 = pl.pallas_call(
        functools.partial(_edge_p2_kernel, count=E),
        grid=grid,
        in_specs=[espec(3), nspec(3), mspec, mspec, mspec, mspec,
                  wspec(3, C), wspec(1, C), wspec(1, C), wspec(1, C),
                  wspec(C, C), wspec(1, C)],
        out_specs=[espec(C), stat_spec, stat_spec],
        out_shape=[eshape, stat_shape, stat_shape],
    )(pos_sg, pos_s, m1, mx, my, mz, W_p1, b_p1.reshape(1, C),
      g_p1.reshape(1, C), be_p1.reshape(1, C), W_p2, b_p2.reshape(1, C))

    v1, delta, s3, q3 = pl.pallas_call(
        functools.partial(_edge_a1_kernel, count=E),
        grid=grid,
        in_specs=[espec(C), stat_spec, stat_spec, wspec(1, C), wspec(1, C),
                  espec(C), nspec(C), wspec(C, C), wspec(1, C)],
        out_specs=[espec(C), espec(C), stat_spec, stat_spec],
        out_shape=[eshape, eshape, stat_shape, stat_shape],
    )(u2, s2, q2, g_p2.reshape(1, C), be_p2.reshape(1, C), a_srcg, a_dst,
      W_a1, b_a1.reshape(1, C))

    v2, s4, q4 = pl.pallas_call(
        functools.partial(_edge_mid_kernel, count=E),
        grid=grid,
        in_specs=[espec(C), stat_spec, stat_spec, wspec(1, C), wspec(1, C),
                  wspec(C, C), wspec(1, C)],
        out_specs=[espec(C), stat_spec, stat_spec],
        out_shape=[eshape, stat_shape, stat_shape],
    )(v1, s3, q3, g_a1.reshape(1, C), be_a1.reshape(1, C), W_a2,
      b_a2.reshape(1, C))

    out = pl.pallas_call(
        functools.partial(_edge_final_kernel, count=E),
        grid=grid,
        in_specs=[espec(C), stat_spec, stat_spec, wspec(1, C), wspec(1, C),
                  espec(C), espec(C),
                  pl.BlockSpec((32, NBM, 1), lambda i: (0, i, 0))],
        out_specs=nspec(C),
        out_shape=jax.ShapeDtypeStruct((M, C), jnp.float32),
    )(v2, s4, q4, g_a2.reshape(1, C), be_a2.reshape(1, C), delta, xval_g,
      w_edge[:, :, None])
    return out




def kernel(x, pos, batch, y, edge_index, W_down, b_down, g_down, be_down,
           W_g, b_g, g_g, be_g, t, W_lin, W_src, W_dst, W_p1, b_p1, g_p1,
           be_p1, W_p2, b_p2, g_p2, be_p2, W_a1, b_a1, g_a1, be_a1, W_a2,
           b_a2, g_a2, be_a2, W_up, b_up):
    N = x.shape[0]
    h = jax.nn.relu(_bn(_pallas_matmul(x, W_down) + b_down, g_down, be_down))
    h = _max_pool_neighbor(h, edge_index, N)
    idx = _fps(pos, N // 2)
    x_s = h[idx]
    pos_s = pos[idx]
    M = x_s.shape[0]

    emb = jax.nn.relu(_bn(x_s @ W_g + b_g, g_g, be_g))
    soft_nbr = _knn_nbr(emb, K)
    hard_nbr = _knn_nbr(pos_s, K)
    noise = jax.random.uniform(jax.random.key(42), emb.shape,
                               dtype=emb.dtype) * 1e-4
    embn = emb + noise

    src = jnp.concatenate([soft_nbr.T, hard_nbr.T], axis=0)

    diff = embn[soft_nbr.T] - embn[None, :, :]
    dist = jnp.sqrt(jnp.sum(diff * diff, axis=2) + 1e-12)
    p = jnp.exp(-t[0] * dist)
    w_edge = jnp.concatenate([p, jnp.ones((16, M), p.dtype)], axis=0)

    xv3 = _pallas_matmul(x_s, jnp.concatenate([W_lin, W_src, W_dst], axis=1))
    x_val = xv3[:, :256]
    a_src = xv3[:, 256:512]
    a_dst = xv3[:, 512:]

    pos_pad = jnp.pad(pos_s, ((0, 0), (0, 125)))
    ag_f, xg_f, pg_f = _sc_gather3(a_src, x_val, pos_pad, src.reshape(-1))
    a_srcg = ag_f.reshape(32, M, 256)
    xval_g = xg_f.reshape(32, M, 256)
    pos_sg = pg_f.reshape(32, M, 128)[:, :, :3]

    out = _edge_pipeline(pos_s, pos_sg, a_dst, a_srcg, xval_g, w_edge,
                         W_p1, b_p1, g_p1, be_p1, W_p2, b_p2, g_p2, be_p2,
                         W_a1, b_a1, g_a1, be_a1, W_a2, b_a2, g_a2, be_a2)
    out = _pallas_matmul(out, W_up) + b_up
    return out + x_s

# --- scband reference (transcript-rebuilt; emitter-appended) ---
"""Pipeline reference for scband-enc-block-23673859735701 (READ-ONLY COPY).

The authoritative reference and input builder live on the scoring server;
editing this copy changes nothing except your own understanding.
"""

import jax, jax.numpy as jnp
import numpy as np

N_NODES = 10000
E_EDGES = 160000
C_IN = 128
C_OUT = 256
K = 16
EPS = 1e-5

def _bn(x, g, b):
    m = jnp.mean(x, axis=0)
    v = jnp.var(x, axis=0)
    return (x - m) / jnp.sqrt(v + EPS) * g + b

def _mlp2(x, W1, b1, g1, be1, W2, b2, g2, be2):
    h = jax.nn.relu(_bn(x @ W1 + b1, g1, be1))
    return jax.nn.relu(_bn(h @ W2 + b2, g2, be2))

def _fps(pos, n_samples):
    pos = jax.lax.stop_gradient(pos)
    N = pos.shape[0]
    def body(i, state):
        dists, idxs, last = state
        d = jnp.sum((pos - pos[last]) ** 2, axis=1)
        dists = jnp.minimum(dists, d)
        nxt = jnp.argmax(dists).astype(jnp.int32)
        return (dists, idxs.at[i].set(nxt), nxt)
    dists0 = jnp.full((N,), jnp.inf, dtype=pos.dtype)
    idxs0 = jnp.zeros((n_samples,), dtype=jnp.int32)
    _, idxs, _ = jax.lax.fori_loop(1, n_samples, body, (dists0, idxs0, jnp.int32(0)))
    return jnp.sort(idxs)

def _knn_edges(feat, k):
    f = jax.lax.stop_gradient(feat)
    N = f.shape[0]
    sq = jnp.sum(f * f, axis=1)
    d = sq[:, None] + sq[None, :] - 2.0 * (f @ f.T)
    d = jnp.where(jnp.eye(N, dtype=bool), jnp.inf, d)
    _, nbr = jax.lax.top_k(-d, k)
    src = nbr.reshape(-1).astype(jnp.int32)
    dst = jnp.repeat(jnp.arange(N, dtype=jnp.int32), k)
    return jnp.stack([src, dst], axis=0)

def _max_pool_neighbor(x, edge_index, N):
    loop = jnp.arange(N, dtype=jnp.int32)
    src = jnp.concatenate([edge_index[0].astype(jnp.int32), loop])
    dst = jnp.concatenate([edge_index[1].astype(jnp.int32), loop])
    return jax.ops.segment_max(x[src], dst, num_segments=N)

def _seg_softmax(logits, seg, num):
    m = jax.ops.segment_max(logits, seg, num_segments=num)
    e = jnp.exp(logits - m[seg])
    s = jax.ops.segment_sum(e, seg, num_segments=num)
    return e / (s[seg] + 1e-16)

def _forward(x, pos, batch, y, edge_index, W_down, b_down, g_down, be_down, W_g, b_g, g_g, be_g, t, W_lin, W_src, W_dst, W_p1, b_p1, g_p1, be_p1, W_p2, b_p2, g_p2, be_p2, W_a1, b_a1, g_a1, be_a1, W_a2, b_a2, g_a2, be_a2, W_up, b_up):
    N = x.shape[0]
    # PointTrans_Layer_down: down MLP (Linear+BN+ReLU), max_pool_neighbor_x, fps subsampling
    h = jax.nn.relu(_bn(x @ W_down + b_down, g_down, be_down))
    h = _max_pool_neighbor(h, edge_index, N)
    idx = _fps(pos, N // 2)
    x_s = h[idx]
    pos_s = pos[idx]
    M = x_s.shape[0]
    # generate_graph: emb MLP, KNNGraph on pos, knn_graph on emb, soft edge weights
    emb = jax.nn.relu(_bn(x_s @ W_g + b_g, g_g, be_g))
    hard_edges = _knn_edges(pos_s, K)
    soft_edges = _knn_edges(emb, K)
    noise = jax.random.uniform(jax.random.key(42), emb.shape, dtype=emb.dtype) * 1e-4
    emb = emb + noise
    diff = emb[soft_edges[0]] - emb[soft_edges[1]]
    dist = jnp.sqrt(jnp.sum(diff * diff, axis=1) + 1e-12)
    p = jnp.exp(-t[0] * dist)
    edges_all = jnp.concatenate([soft_edges, hard_edges], axis=1)
    w_edge = jnp.concatenate([p, jnp.ones((hard_edges.shape[1],), dtype=p.dtype)])
    # PointTransformerConv (super: soft edges weighted by p)
    src, dst = edges_all[0], edges_all[1]
    x_val = x_s @ W_lin
    a_src = (x_s @ W_src)[src]
    a_dst = (x_s @ W_dst)[dst]
    delta = _mlp2(pos_s[dst] - pos_s[src], W_p1, b_p1, g_p1, be_p1, W_p2, b_p2, g_p2, be_p2)
    alpha = _mlp2(a_dst - a_src + delta, W_a1, b_a1, g_a1, be_a1, W_a2, b_a2, g_a2, be_a2)
    alpha = _seg_softmax(alpha, dst, M)
    msg = alpha * (x_val[src] + delta) * w_edge[:, None]
    out = jax.ops.segment_sum(msg, dst, num_segments=M)
    out = out @ W_up + b_up
    return out + x_s

def setup_inputs(seed: int = 0):
    key = jax.random.key(seed)
    ks = jax.random.split(key, 40)
    def w(i, shape, scale=0.05):
        return jax.random.normal(ks[i], shape, dtype=jnp.float32) * scale
    inp = {}
    inp["x"] = jax.random.normal(ks[0], (N_NODES, C_IN), dtype=jnp.float32)
    inp["pos"] = jax.random.uniform(ks[1], (N_NODES, 3), dtype=jnp.float32) * 10.0
    inp["batch"] = jnp.zeros((N_NODES,), dtype=jnp.int32)
    inp["y"] = jax.random.randint(ks[2], (N_NODES,), 0, 20, dtype=jnp.int32)
    inp["edge_index"] = jax.random.randint(ks[3], (2, E_EDGES), 0, N_NODES, dtype=jnp.int32)
    inp["W_down"] = w(4, (C_IN, C_OUT)); inp["b_down"] = jnp.zeros((C_OUT,), jnp.float32)
    inp["g_down"] = jnp.ones((C_OUT,), jnp.float32); inp["be_down"] = jnp.zeros((C_OUT,), jnp.float32)
    inp["W_g"] = w(5, (C_OUT, 20)); inp["b_g"] = jnp.zeros((20,), jnp.float32)
    inp["g_g"] = jnp.ones((20,), jnp.float32); inp["be_g"] = jnp.zeros((20,), jnp.float32)
    inp["t"] = jnp.ones((1,), jnp.float32)
    inp["W_lin"] = w(6, (C_OUT, C_OUT)); inp["W_src"] = w(7, (C_OUT, C_OUT)); inp["W_dst"] = w(8, (C_OUT, C_OUT))
    inp["W_p1"] = w(9, (3, C_OUT)); inp["b_p1"] = jnp.zeros((C_OUT,), jnp.float32)
    inp["g_p1"] = jnp.ones((C_OUT,), jnp.float32); inp["be_p1"] = jnp.zeros((C_OUT,), jnp.float32)
    inp["W_p2"] = w(10, (C_OUT, C_OUT)); inp["b_p2"] = jnp.zeros((C_OUT,), jnp.float32)
    inp["g_p2"] = jnp.ones((C_OUT,), jnp.float32); inp["be_p2"] = jnp.zeros((C_OUT,), jnp.float32)
    inp["W_a1"] = w(11, (C_OUT, C_OUT)); inp["b_a1"] = jnp.zeros((C_OUT,), jnp.float32)
    inp["g_a1"] = jnp.ones((C_OUT,), jnp.float32); inp["be_a1"] = jnp.zeros((C_OUT,), jnp.float32)
    inp["W_a2"] = w(12, (C_OUT, C_OUT)); inp["b_a2"] = jnp.zeros((C_OUT,), jnp.float32)
    inp["g_a2"] = jnp.ones((C_OUT,), jnp.float32); inp["be_a2"] = jnp.zeros((C_OUT,), jnp.float32)
    inp["W_up"] = w(13, (C_OUT, C_OUT)); inp["b_up"] = jnp.zeros((C_OUT,), jnp.float32)
    return inp

_ORDER = ["x","pos","batch","y","edge_index","W_down","b_down","g_down","be_down","W_g","b_g","g_g","be_g","t","W_lin","W_src","W_dst","W_p1","b_p1","g_p1","be_p1","W_p2","b_p2","g_p2","be_p2","W_a1","b_a1","g_a1","be_a1","W_a2","b_a2","g_a2","be_a2","W_up","b_up"]

def reference(x, pos, batch, y, edge_index, W_down, b_down, g_down, be_down, W_g, b_g, g_g, be_g, t, W_lin, W_src, W_dst, W_p1, b_p1, g_p1, be_p1, W_p2, b_p2, g_p2, be_p2, W_a1, b_a1, g_a1, be_a1, W_a2, b_a2, g_a2, be_a2, W_up, b_up):
    return _forward(x, pos, batch, y, edge_index, W_down, b_down, g_down, be_down, W_g, b_g, g_g, be_g, t, W_lin, W_src, W_dst, W_p1, b_p1, g_p1, be_p1, W_p2, b_p2, g_p2, be_p2, W_a1, b_a1, g_a1, be_a1, W_a2, b_a2, g_a2, be_a2, W_up, b_up)

if __name__ == "__main__":
    import jax
    _d = setup_inputs()
    print(jax.jit(kernel)(*tuple(_d.values())))

</pallas_src>

<mosaic_0001>
#map = affine_map<(d0, d1) -> (0, 0)>
#map1 = affine_map<(d0, d1) -> (0)>
module attributes {stable_mosaic.version = 14 : i64} {
  func.func @gk(%arg0: i32, %arg1: i32, %arg2: memref<5000x256xf32, #tpu.memory_space<hbm>>, %arg3: memref<5000x256xf32, #tpu.memory_space<hbm>>, %arg4: memref<5000x128xf32, #tpu.memory_space<hbm>>, %arg5: memref<160000xi32, #tpu.memory_space<hbm>>, %arg6: memref<160000x256xf32, #tpu.memory_space<hbm>>, %arg7: memref<160000x256xf32, #tpu.memory_space<hbm>>, %arg8: memref<160000x128xf32, #tpu.memory_space<hbm>>, %arg9: memref<40xi32, #tpu.memory_space<vmem>>, %arg10: memref<40x256xf32, #tpu.memory_space<vmem>>, %arg11: memref<40x256xf32, #tpu.memory_space<vmem>>, %arg12: memref<40x128xf32, #tpu.memory_space<vmem>>, %arg13: memref<!tpu.dma_semaphore, #tpu.memory_space<semaphore_mem>>, %arg14: memref<!tpu.dma_semaphore, #tpu.memory_space<semaphore_mem>>, %arg15: memref<!tpu.dma_semaphore, #tpu.memory_space<semaphore_mem>>) attributes {dimension_semantics = [#tpu.dimension_semantics<core_parallel>, #tpu.dimension_semantics<subcore_parallel>], iteration_bounds = array<i64: 2, 16>, scalar_prefetch = 0 : i64, scratch_operands = 7 : i64, tpu.core_type = #tpu.core_type<sc_vector_subcore>, window_params = [{transform_indices = #map}, {transform_indices = #map}, {transform_indices = #map}, {transform_indices = #map1}, {transform_indices = #map}, {transform_indices = #map}, {transform_indices = #map}]} {
    %mul3A = arith.constant 2 : i32
    %mul3A_0 = arith.muli %arg1, %mul3A : i32
    %add3A = arith.addi %mul3A_0, %arg0 : i32
    %mul3A_1 = arith.constant 5000 : i32
    %mul3A_2 = arith.muli %add3A, %mul3A_1 : i32
    %scan3A = arith.constant 0 : i32
    %scan3A_3 = arith.constant 0 : i32
    %scan3A_4 = arith.constant 125 : i32
    %scan3A_5 = arith.addi %scan3A_3, %scan3A_4 : i32
    %scan3A_6 = arith.constant 1 : i32
    %scan3A_7 = scf.for %scan3A_9 = %scan3A_3 to %scan3A_5 step %scan3A_6 iter_args(%scan3A_10 = %scan3A) -> (i32)  : i32 {
      %mul3A_11 = arith.constant 40 : i32
      %mul3A_12 = arith.muli %scan3A_9, %mul3A_11 : i32
      %add3A_13 = arith.addi %mul3A_2, %mul3A_12 : i32
      "tpu.region"() ({
        %run_scoped3A = tpu.sem_alloc : memref<!tpu.dma_semaphore, #tpu.memory_space<semaphore_mem>>
        %dma_start3A_31 = tpu.memref_slice %arg5[%add3A_13] : memref<160000xi32, #tpu.memory_space<hbm>> -> memref<40xi32, #tpu.memory_space<hbm>>
        %dma_start3A_32 = tpu.memref_slice %arg5[%add3A_13] : memref<160000xi32, #tpu.memory_space<hbm>> -> memref<40xi32, #tpu.memory_space<hbm>>
        tpu.enqueue_dma source(%dma_start3A_32 : memref<40xi32, #tpu.memory_space<hbm>>) target(%arg9 : memref<40xi32, #tpu.memory_space<vmem>>) target_semaphore(%run_scoped3A : memref<!tpu.dma_semaphore, #tpu.memory_space<semaphore_mem>>)
        %dma_wait3A_33 = tpu.memref_slice %arg5[%add3A_13] : memref<160000xi32, #tpu.memory_space<hbm>> -> memref<40xi32, #tpu.memory_space<hbm>>
        %dma_wait3A_34 = tpu.memref_slice %arg5[%add3A_13] : memref<160000xi32, #tpu.memory_space<hbm>> -> memref<40xi32, #tpu.memory_space<hbm>>
        tpu.wait_dma2 semaphore(%run_scoped3A : memref<!tpu.dma_semaphore, #tpu.memory_space<semaphore_mem>>) src(%dma_wait3A_34 : memref<40xi32, #tpu.memory_space<hbm>>) dst(%arg9 : memref<40xi32, #tpu.memory_space<vmem>>)
        tpu.yield
      }) : () -> ()
      %dma_start3A = arith.constant 0 : i32
      %dma_start3A_14 = arith.constant 0 : i32
      %dma_start3A_15 = tpu.memref_slice %arg2[%dma_start3A, %dma_start3A_14] : memref<5000x256xf32, #tpu.memory_space<hbm>> -> memref<5000x256xf32, #tpu.memory_space<hbm>>
      tpu.enqueue_indirect_dma source(%dma_start3A_15 : memref<5000x256xf32, #tpu.memory_space<hbm>>) target(%arg10 : memref<40x256xf32, #tpu.memory_space<vmem>>) offsets(%arg9 : memref<40xi32, #tpu.memory_space<vmem>>) semaphore(%arg13 : memref<!tpu.dma_semaphore, #tpu.memory_space<semaphore_mem>>)
      %dma_start3A_16 = arith.constant 0 : i32
      %dma_start3A_17 = arith.constant 0 : i32
      %dma_start3A_18 = tpu.memref_slice %arg3[%dma_start3A_16, %dma_start3A_17] : memref<5000x256xf32, #tpu.memory_space<hbm>> -> memref<5000x256xf32, #tpu.memory_space<hbm>>
      tpu.enqueue_indirect_dma source(%dma_start3A_18 : memref<5000x256xf32, #tpu.memory_space<hbm>>) target(%arg11 : memref<40x256xf32, #tpu.memory_space<vmem>>) offsets(%arg9 : memref<40xi32, #tpu.memory_space<vmem>>) semaphore(%arg14 : memref<!tpu.dma_semaphore, #tpu.memory_space<semaphore_mem>>)
      %dma_start3A_19 = arith.constant 0 : i32
      %dma_start3A_20 = arith.constant 0 : i32
      %dma_start3A_21 = tpu.memref_slice %arg4[%dma_start3A_19, %dma_start3A_20] : memref<5000x128xf32, #tpu.memory_space<hbm>> -> memref<5000x128xf32, #tpu.memory_space<hbm>>
      tpu.enqueue_indirect_dma source(%dma_start3A_21 : memref<5000x128xf32, #tpu.memory_space<hbm>>) target(%arg12 : memref<40x128xf32, #tpu.memory_space<vmem>>) offsets(%arg9 : memref<40xi32, #tpu.memory_space<vmem>>) semaphore(%arg15 : memref<!tpu.dma_semaphore, #tpu.memory_space<semaphore_mem>>)
      %dma_wait3A = arith.constant 0 : i32
      %dma_wait3A_22 = arith.constant 0 : i32
      %dma_wait3A_23 = tpu.memref_slice %arg2[%dma_wait3A, %dma_wait3A_22] : memref<5000x256xf32, #tpu.memory_space<hbm>> -> memref<5000x256xf32, #tpu.memory_space<hbm>>
      tpu.wait_indirect_dma semaphore(%arg13 : memref<!tpu.dma_semaphore, #tpu.memory_space<semaphore_mem>>) src(%dma_wait3A_23 : memref<5000x256xf32, #tpu.memory_space<hbm>>) dst(%arg10 : memref<40x256xf32, #tpu.memory_space<vmem>>)
      %dma_wait3A_24 = arith.constant 0 : i32
      %dma_wait3A_25 = arith.constant 0 : i32
      %dma_wait3A_26 = tpu.memref_slice %arg3[%dma_wait3A_24, %dma_wait3A_25] : memref<5000x256xf32, #tpu.memory_space<hbm>> -> memref<5000x256xf32, #tpu.memory_space<hbm>>
      tpu.wait_indirect_dma semaphore(%arg14 : memref<!tpu.dma_semaphore, #tpu.memory_space<semaphore_mem>>) src(%dma_wait3A_26 : memref<5000x256xf32, #tpu.memory_space<hbm>>) dst(%arg11 : memref<40x256xf32, #tpu.memory_space<vmem>>)
      %dma_wait3A_27 = arith.constant 0 : i32
      %dma_wait3A_28 = arith.constant 0 : i32
      %dma_wait3A_29 = tpu.memref_slice %arg4[%dma_wait3A_27, %dma_wait3A_28] : memref<5000x128xf32, #tpu.memory_space<hbm>> -> memref<5000x128xf32, #tpu.memory_space<hbm>>
      tpu.wait_indirect_dma semaphore(%arg15 : memref<!tpu.dma_semaphore, #tpu.memory_space<semaphore_mem>>) src(%dma_wait3A_29 : memref<5000x128xf32, #tpu.memory_space<hbm>>) dst(%arg12 : memref<40x128xf32, #tpu.memory_space<vmem>>)
      "tpu.region"() ({
        %run_scoped3A = tpu.sem_alloc : memref<!tpu.dma_semaphore, #tpu.memory_space<semaphore_mem>>
        %dma_start3A_31 = arith.constant 0 : i32
        %dma_start3A_32 = tpu.memref_slice %arg6[%add3A_13, %dma_start3A_31] : memref<160000x256xf32, #tpu.memory_space<hbm>> -> memref<40x256xf32, #tpu.memory_space<hbm>>
        %dma_start3A_33 = arith.constant 0 : i32
        %dma_start3A_34 = tpu.memref_slice %arg6[%add3A_13, %dma_start3A_33] : memref<160000x256xf32, #tpu.memory_space<hbm>> -> memref<40x256xf32, #tpu.memory_space<hbm>>
        tpu.enqueue_dma source(%arg10 : memref<40x256xf32, #tpu.memory_space<vmem>>) target(%dma_start3A_34 : memref<40x256xf32, #tpu.memory_space<hbm>>) target_semaphore(%run_scoped3A : memref<!tpu.dma_semaphore, #tpu.memory_space<semaphore_mem>>)
        %dma_wait3A_35 = arith.constant 0 : i32
        %dma_wait3A_36 = tpu.memref_slice %arg6[%add3A_13, %dma_wait3A_35] : memref<160000x256xf32, #tpu.memory_space<hbm>> -> memref<40x256xf32, #tpu.memory_space<hbm>>
        %dma_wait3A_37 = arith.constant 0 : i32
        %dma_wait3A_38 = tpu.memref_slice %arg6[%add3A_13, %dma_wait3A_37] : memref<160000x256xf32, #tpu.memory_space<hbm>> -> memref<40x256xf32, #tpu.memory_space<hbm>>
        tpu.wait_dma2 semaphore(%run_scoped3A : memref<!tpu.dma_semaphore, #tpu.memory_space<semaphore_mem>>) src(%arg10 : memref<40x256xf32, #tpu.memory_space<vmem>>) dst(%dma_wait3A_38 : memref<40x256xf32, #tpu.memory_space<hbm>>)
        tpu.yield
      }) : () -> ()
      "tpu.region"() ({
        %run_scoped3A = tpu.sem_alloc : memref<!tpu.dma_semaphore, #tpu.memory_space<semaphore_mem>>
        %dma_start3A_31 = arith.constant 0 : i32
        %dma_start3A_32 = tpu.memref_slice %arg7[%add3A_13, %dma_start3A_31] : memref<160000x256xf32, #tpu.memory_space<hbm>> -> memref<40x256xf32, #tpu.memory_space<hbm>>
        %dma_start3A_33 = arith.constant 0 : i32
        %dma_start3A_34 = tpu.memref_slice %arg7[%add3A_13, %dma_start3A_33] : memref<160000x256xf32, #tpu.memory_space<hbm>> -> memref<40x256xf32, #tpu.memory_space<hbm>>
        tpu.enqueue_dma source(%arg11 : memref<40x256xf32, #tpu.memory_space<vmem>>) target(%dma_start3A_34 : memref<40x256xf32, #tpu.memory_space<hbm>>) target_semaphore(%run_scoped3A : memref<!tpu.dma_semaphore, #tpu.memory_space<semaphore_mem>>)
        %dma_wait3A_35 = arith.constant 0 : i32
        %dma_wait3A_36 = tpu.memref_slice %arg7[%add3A_13, %dma_wait3A_35] : memref<160000x256xf32, #tpu.memory_space<hbm>> -> memref<40x256xf32, #tpu.memory_space<hbm>>
        %dma_wait3A_37 = arith.constant 0 : i32
        %dma_wait3A_38 = tpu.memref_slice %arg7[%add3A_13, %dma_wait3A_37] : memref<160000x256xf32, #tpu.memory_space<hbm>> -> memref<40x256xf32, #tpu.memory_space<hbm>>
        tpu.wait_dma2 semaphore(%run_scoped3A : memref<!tpu.dma_semaphore, #tpu.memory_space<semaphore_mem>>) src(%arg11 : memref<40x256xf32, #tpu.memory_space<vmem>>) dst(%dma_wait3A_38 : memref<40x256xf32, #tpu.memory_space<hbm>>)
        tpu.yield
      }) : () -> ()
      "tpu.region"() ({
        %run_scoped3A = tpu.sem_alloc : memref<!tpu.dma_semaphore, #tpu.memory_space<semaphore_mem>>
        %dma_start3A_31 = arith.constant 0 : i32
        %dma_start3A_32 = tpu.memref_slice %arg8[%add3A_13, %dma_start3A_31] : memref<160000x128xf32, #tpu.memory_space<hbm>> -> memref<40x128xf32, #tpu.memory_space<hbm>>
        %dma_start3A_33 = arith.constant 0 : i32
        %dma_start3A_34 = tpu.memref_slice %arg8[%add3A_13, %dma_start3A_33] : memref<160000x128xf32, #tpu.memory_space<hbm>> -> memref<40x128xf32, #tpu.memory_space<hbm>>
        tpu.enqueue_dma source(%arg12 : memref<40x128xf32, #tpu.memory_space<vmem>>) target(%dma_start3A_34 : memref<40x128xf32, #tpu.memory_space<hbm>>) target_semaphore(%run_scoped3A : memref<!tpu.dma_semaphore, #tpu.memory_space<semaphore_mem>>)
        %dma_wait3A_35 = arith.constant 0 : i32
        %dma_wait3A_36 = tpu.memref_slice %arg8[%add3A_13, %dma_wait3A_35] : memref<160000x128xf32, #tpu.memory_space<hbm>> -> memref<40x128xf32, #tpu.memory_space<hbm>>
        %dma_wait3A_37 = arith.constant 0 : i32
        %dma_wait3A_38 = tpu.memref_slice %arg8[%add3A_13, %dma_wait3A_37] : memref<160000x128xf32, #tpu.memory_space<hbm>> -> memref<40x128xf32, #tpu.memory_space<hbm>>
        tpu.wait_dma2 semaphore(%run_scoped3A : memref<!tpu.dma_semaphore, #tpu.memory_space<semaphore_mem>>) src(%arg12 : memref<40x128xf32, #tpu.memory_space<vmem>>) dst(%dma_wait3A_38 : memref<40x128xf32, #tpu.memory_space<hbm>>)
        tpu.yield
      }) : () -> ()
      %scan3A_30 = arith.constant 0 : i32
      scf.yield %scan3A_30 : i32
    }
    %scan3A_8 = arith.constant 125 : i32
    return
  }
}

module attributes {stable_mosaic.version = 14 : i64} {
  func.func @_mm_kernel(%arg0: i32, %arg1: memref<512x128xf32, #tpu.memory_space<vmem>>, %arg2: memref<128x256xf32, #tpu.memory_space<vmem>>, %arg3: memref<512x256xf32, #tpu.memory_space<vmem>>) attributes {dimension_semantics = [#tpu.dimension_semantics<arbitrary>], iteration_bounds = array<i64: 20>, scalar_prefetch = 0 : i64, scratch_operands = 0 : i64, tpu.core_type = #tpu.core_type<tc>, window_params = [{transform_indices = @transform_0, window_bounds = array<i64: 512, 128>}, {pipeline_mode = #tpu.pipeline_mode<synchronous>, transform_indices = @transform_1, window_bounds = array<i64: 128, 256>}, {transform_indices = @transform_2, window_bounds = array<i64: 512, 256>}]} {
    %get3A = arith.constant 0 : index
    %get3A_0 = arith.constant 0 : index
    %get3A_1 = vector.load %arg1[%get3A, %get3A_0] : memref<512x128xf32, #tpu.memory_space<vmem>>, vector<512x128xf32>
    %get3A_2 = arith.constant 0 : index
    %get3A_3 = arith.constant 0 : index
    %get3A_4 = vector.load %arg2[%get3A_2, %get3A_3] : memref<128x256xf32, #tpu.memory_space<vmem>>, vector<128x256xf32>
    %dot_general3A = arith.constant dense<0.000000e+00> : vector<512x256xf32>
    %dot_general3A_5 = tpu.matmul %get3A_1, %get3A_4, %dot_general3A {dimension_numbers = #tpu.dot_dimension_numbers<[1], [0], [0], [1], [0, 0, 1, 1], [], []>, transpose_lhs_hint = false} : vector<512x128xf32>, vector<128x256xf32>, vector<512x256xf32> -> vector<512x256xf32>
    %swap3A = arith.constant 0 : index
    %swap3A_6 = arith.constant 0 : index
    %swap3A_7 = vector.load %arg3[%swap3A, %swap3A_6] : memref<512x256xf32, #tpu.memory_space<vmem>>, vector<512x256xf32>
    tpu.vector_store %arg3[%swap3A, %swap3A_6], %dot_general3A_5 {strides = array<i32>} : memref<512x256xf32, #tpu.memory_space<vmem>>, vector<512x256xf32>,
    return
  }
  func.func @transform_0(%arg0: i32) -> (i32, i32) {
    %c0_i32 = arith.constant 0 : i32
    %c0_i32_0 = arith.constant 0 : i32
    return %arg0, %c0_i32 : i32, i32
  }
  func.func @transform_1(%arg0: i32) -> (i32, i32) {
    %c0_i32 = arith.constant 0 : i32
    %c0_i32_0 = arith.constant 0 : i32
    %c0_i32_1 = arith.constant 0 : i32
    return %c0_i32, %c0_i32_0 : i32, i32
  }
  func.func @transform_2(%arg0: i32) -> (i32, i32) {
    %c0_i32 = arith.constant 0 : i32
    %c0_i32_0 = arith.constant 0 : i32
    return %arg0, %c0_i32 : i32, i32
  }
}

module attributes {stable_mosaic.version = 14 : i64} {
  func.func @_knn_kernel(%arg0: i32, %arg1: memref<256x3xf32, #tpu.memory_space<vmem>>, %arg2: memref<3x5120xf32, #tpu.memory_space<vmem>>, %arg3: memref<256x16xi32, #tpu.memory_space<vmem>>) attributes {dimension_semantics = [#tpu.dimension_semantics<arbitrary>], iteration_bounds = array<i64: 20>, scalar_prefetch = 0 : i64, scratch_operands = 0 : i64, tpu.core_type = #tpu.core_type<tc>, window_params = [{transform_indices = @transform_0, window_bounds = array<i64: 256, 3>}, {pipeline_mode = #tpu.pipeline_mode<synchronous>, transform_indices = @transform_1, window_bounds = array<i64: 3, 5120>}, {transform_indices = @transform_2, window_bounds = array<i64: 256, 16>}]} {
    %get3A = arith.constant 0 : index
    %get3A_0 = arith.constant 0 : index
    %get3A_1 = vector.load %arg1[%get3A, %get3A_0] : memref<256x3xf32, #tpu.memory_space<vmem>>, vector<256x3xf32>
    %get3A_2 = arith.constant 0 : index
    %get3A_3 = arith.constant 0 : index
    %get3A_4 = vector.load %arg2[%get3A_2, %get3A_3] : memref<3x5120xf32, #tpu.memory_space<vmem>>, vector<3x5120xf32>
    %mul3A = arith.mulf %get3A_1, %get3A_1 : vector<256x3xf32>
    %reduce_sum3A = arith.constant dense<0.000000e+00> : vector<256xf32>
    %reduce_sum3A_5 = vector.multi_reduction <add>, %mul3A, %reduce_sum3A [1] : vector<256x3xf32> to vector<256xf32>
    %broadcast_in_dim3A = vector.shape_cast %reduce_sum3A_5 : vector<256xf32> to vector<256x1xf32>
    %mul3A_6 = arith.mulf %get3A_4, %get3A_4 : vector<3x5120xf32>
    %reduce_sum3A_7 = arith.constant dense<0.000000e+00> : vector<5120xf32>
    %reduce_sum3A_8 = vector.multi_reduction <add>, %mul3A_6, %reduce_sum3A_7 [0] : vector<3x5120xf32> to vector<5120xf32>
    %broadcast_in_dim3A_9 = vector.shape_cast %reduce_sum3A_8 : vector<5120xf32> to vector<1x5120xf32>
    %add3A = vector.broadcast %broadcast_in_dim3A : vector<256x1xf32> to vector<256x5120xf32>
    %add3A_10 = vector.broadcast %broadcast_in_dim3A_9 : vector<1x5120xf32> to vector<256x5120xf32>
    %add3A_11 = arith.addf %add3A, %add3A_10 : vector<256x5120xf32>
    %dot_general3A = arith.constant dense<0.000000e+00> : vector<256x5120xf32>
    %dot_general3A_12 = tpu.matmul %get3A_1, %get3A_4, %dot_general3A {dimension_numbers = #tpu.dot_dimension_numbers<[1], [0], [0], [1], [0, 0, 1, 1], [], []>, transpose_lhs_hint = false} : vector<256x3xf32>, vector<3x5120xf32>, vector<256x5120xf32> -> vector<256x5120xf32>
    %mul3A_13 = arith.constant 2.000000e+00 : f32
    %mul3A_14 = vector.broadcast %mul3A_13 : f32 to vector<256x5120xf32>
    %mul3A_15 = arith.mulf %mul3A_14, %dot_general3A_12 : vector<256x5120xf32>
    %sub3A = arith.subf %add3A_11, %mul3A_15 : vector<256x5120xf32>
    %iota3A = tpu.iota {dimensions = array<i32: 1>} : vector<256x5120xi32>
    %mul3A_16 = arith.constant 256 : i32
    %mul3A_17 = arith.muli %arg0, %mul3A_16 : i32
    %iota3A_18 = tpu.iota {dimensions = array<i32: 0>} : vector<256x5120xi32>
    %add3A_19 = vector.broadcast %mul3A_17 : i32 to vector<256x5120xi32>
    %add3A_20 = arith.addi %add3A_19, %iota3A_18 : vector<256x5120xi32>
    %eq3A = arith.cmpi eq, %iota3A, %add3A_20 : vector<256x5120xi32>
    %ge3A = arith.constant 5000 : i32
    %ge3A_21 = vector.broadcast %ge3A : i32 to vector<256x5120xi32>
    %ge3A_22 = arith.cmpi sge, %iota3A, %ge3A_21 : vector<256x5120xi32>
    %or3A = arith.ori %eq3A, %ge3A_22 : vector<256x5120xi1>
    %jit3A = arith.constant 0x7F800000 : f32
    %broadcast_in_dim3A_23 = vector.broadcast %jit3A : f32 to vector<256x5120xf32>
    %select_n3A = arith.select %or3A, %broadcast_in_dim3A_23, %sub3A : vector<256x5120xi1>, vector<256x5120xf32>
    %reduce_min3A = arith.constant dense<0x7F800000> : vector<256xf32>
    %reduce_min3A_24 = vector.multi_reduction <minimumf>, %select_n3A, %reduce_min3A [1] : vector<256x5120xf32> to vector<256xf32>
    %broadcast_in_dim3A_25 = vector.shape_cast %reduce_min3A_24 : vector<256xf32> to vector<256x1xf32>
    %eq3A_26 = vector.broadcast %broadcast_in_dim3A_25 : vector<256x1xf32> to vector<256x5120xf32>
    %eq3A_27 = arith.cmpf oeq, %select_n3A, %eq3A_26 : vector<256x5120xf32>
    %jit3A_28 = arith.constant 5120 : i32
    %broadcast_in_dim3A_29 = vector.broadcast %jit3A_28 : i32 to vector<256x5120xi32>
    %select_n3A_30 = arith.select %eq3A_27, %iota3A, %broadcast_in_dim3A_29 : vector<256x5120xi1>, vector<256x5120xi32>
    %reduce_min3A_31 = arith.constant dense<2147483647> : vector<256xi32>
    %reduce_min3A_32 = vector.multi_reduction <minsi>, %select_n3A_30, %reduce_min3A_31 [1] : vector<256x5120xi32> to vector<256xi32>
    %broadcast_in_dim3A_33 = vector.shape_cast %reduce_min3A_32 : vector<256xi32> to vector<256x1xi32>
    %eq3A_34 = vector.broadcast %broadcast_in_dim3A_33 : vector<256x1xi32> to vector<256x5120xi32>
    %eq3A_35 = arith.cmpi eq, %iota3A, %eq3A_34 : vector<256x5120xi32>
    %jit3A_36 = arith.constant 0x7F800000 : f32
    %broadcast_in_dim3A_37 = vector.broadcast %jit3A_36 : f32 to vector<256x5120xf32>
    %select_n3A_38 = arith.select %eq3A_35, %broadcast_in_dim3A_37, %select_n3A : vector<256x5120xi1>, vector<256x5120xf32>
    %reduce_min3A_39 = arith.constant dense<0x7F800000> : vector<256xf32>
    %reduce_min3A_40 = vector.multi_reduction <minimumf>, %select_n3A_38, %reduce_min3A_39 [1] : vector<256x5120xf32> to vector<256xf32>
    %broadcast_in_dim3A_41 = vector.shape_cast %reduce_min3A_40 : vector<256xf32> to vector<256x1xf32>
    %eq3A_42 = vector.broadcast %broadcast_in_dim3A_41 : vector<256x1xf32> to vector<256x5120xf32>
    %eq3A_43 = arith.cmpf oeq, %select_n3A_38, %eq3A_42 : vector<256x5120xf32>
    %jit3A_44 = arith.constant 5120 : i32
    %broadcast_in_dim3A_45 = vector.broadcast %jit3A_44 : i32 to vector<256x5120xi32>
    %select_n3A_46 = arith.select %eq3A_43, %iota3A, %broadcast_in_dim3A_45 : vector<256x5120xi1>, vector<256x5120xi32>
    %reduce_min3A_47 = arith.constant dense<2147483647> : vector<256xi32>
    %reduce_min3A_48 = vector.multi_reduction <minsi>, %select_n3A_46, %reduce_min3A_47 [1] : vector<256x5120xi32> to vector<256xi32>
    %broadcast_in_dim3A_49 = vector.shape_cast %reduce_min3A_48 : vector<256xi32> to vector<256x1xi32>
    %eq3A_50 = vector.broadcast %broadcast_in_dim3A_49 : vector<256x1xi32> to vector<256x5120xi32>
    %eq3A_51 = arith.cmpi eq, %iota3A, %eq3A_50 : vector<256x5120xi32>
    %jit3A_52 = arith.constant 0x7F800000 : f32
    %broadcast_in_dim3A_53 = vector.broadcast %jit3A_52 : f32 to vector<256x5120xf32>
    %select_n3A_54 = arith.select %eq3A_51, %broadcast_in_dim3A_53, %select_n3A_38 : vector<256x5120xi1>, vector<256x5120xf32>
    %reduce_min3A_55 = arith.constant dense<0x7F800000> : vector<256xf32>
    %reduce_min3A_56 = vector.multi_reduction <minimumf>, %select_n3A_54, %reduce_min3A_55 [1] : vector<256x5120xf32> to vector<256xf32>
    %broadcast_in_dim3A_57 = vector.shape_cast %reduce_min3A_56 : vector<256xf32> to vector<256x1xf32>
    %eq3A_58 = vector.broadcast %broadcast_in_dim3A_57 : vector<256x1xf32> to vector<256x5120xf32>
    %eq3A_59 = arith.cmpf oeq, %select_n3A_54, %eq3A_58 : vector<256x5120xf32>
    %jit3A_60 = arith.constant 5120 : i32
    %broadcast_in_dim3A_61 = vector.broadcast %jit3A_60 : i32 to vector<256x5120xi32>
    %select_n3A_62 = arith.select %eq3A_59, %iota3A, %broadcast_in_dim3A_61 : vector<256x5120xi1>, vector<256x5120xi32>
    %reduce_min3A_63 = arith.constant dense<2147483647> : vector<256xi32>
    %reduce_min3A_64 = vector.multi_reduction <minsi>, %select_n3A_62, %reduce_min3A_63 [1] : vector<256x5120xi32> to vector<256xi32>
    %broadcast_in_dim3A_65 = vector.shape_cast %reduce_min3A_64 : vector<256xi32> to vector<256x1xi32>
    %eq3A_66 = vector.broadcast %broadcast_in_dim3A_65 : vector<256x1xi32> to vector<256x5120xi32>
    %eq3A_67 = arith.cmpi eq, %iota3A, %eq3A_66 : vector<256x5120xi32>
    %jit3A_68 = arith.constant 0x7F800000 : f32
    %broadcast_in_dim3A_69 = vector.broadcast %jit3A_68 : f32 to vector<256x5120xf32>
    %select_n3A_70 = arith.select %eq3A_67, %broadcast_in_dim3A_69, %select_n3A_54 : vector<256x5120xi1>, vector<256x5120xf32>
    %reduce_min3A_71 = arith.constant dense<0x7F800000> : vector<256xf32>
    %reduce_min3A_72 = vector.multi_reduction <minimumf>, %select_n3A_70, %reduce_min3A_71 [1] : vector<256x5120xf32> to vector<256xf32>
    %broadcast_in_dim3A_73 = vector.shape_cast %reduce_min3A_72 : vector<256xf32> to vector<256x1xf32>
    %eq3A_74 = vector.broadcast %broadcast_in_dim3A_73 : vector<256x1xf32> to vector<256x5120xf32>
    %eq3A_75 = arith.cmpf oeq, %select_n3A_70, %eq3A_74 : vector<256x5120xf32>
    %jit3A_76 = arith.constant 5120 : i32
    %broadcast_in_dim3A_77 = vector.broadcast %jit3A_76 : i32 to vector<256x5120xi32>
    %select_n3A_78 = arith.select %eq3A_75, %iota3A, %broadcast_in_dim3A_77 : vector<256x5120xi1>, vector<256x5120xi32>
    %reduce_min3A_79 = arith.constant dense<2147483647> : vector<256xi32>
    %reduce_min3A_80 = vector.multi_reduction <minsi>, %select_n3A_78, %reduce_min3A_79 [1] : vector<256x5120xi32> to vector<256xi32>
    %broadcast_in_dim3A_81 = vector.shape_cast %reduce_min3A_80 : vector<256xi32> to vector<256x1xi32>
    %eq3A_82 = vector.broadcast %broadcast_in_dim3A_81 : vector<256x1xi32> to vector<256x5120xi32>
    %eq3A_83 = arith.cmpi eq, %iota3A, %eq3A_82 : vector<256x5120xi32>
    %jit3A_84 = arith.constant 0x7F800000 : f32
    %broadcast_in_dim3A_85 = vector.broadcast %jit3A_84 : f32 to vector<256x5120xf32>
    %select_n3A_86 = arith.select %eq3A_83, %broadcast_in_dim3A_85, %select_n3A_70 : vector<256x5120xi1>, vector<256x5120xf32>
    %reduce_min3A_87 = arith.constant dense<0x7F800000> : vector<256xf32>
    %reduce_min3A_88 = vector.multi_reduction <minimumf>, %select_n3A_86, %reduce_min3A_87 [1] : vector<256x5120xf32> to vector<256xf32>
    %broadcast_in_dim3A_89 = vector.shape_cast %reduce_min3A_88 : vector<256xf32> to vector<256x1xf32>
    %eq3A_90 = vector.broadcast %broadcast_in_dim3A_89 : vector<256x1xf32> to vector<256x5120xf32>
    %eq3A_91 = arith.cmpf oeq, %select_n3A_86, %eq3A_90 : vector<256x5120xf32>
    %jit3A_92 = arith.constant 5120 : i32
    %broadcast_in_dim3A_93 = vector.broadcast %jit3A_92 : i32 to vector<256x5120xi32>
    %select_n3A_94 = arith.select %eq3A_91, %iota3A, %broadcast_in_dim3A_93 : vector<256x5120xi1>, vector<256x5120xi32>
    %reduce_min3A_95 = arith.constant dense<2147483647> : vector<256xi32>
    %reduce_min3A_96 = vector.multi_reduction <minsi>, %select_n3A_94, %reduce_min3A_95 [1] : vector<256x5120xi32> to vector<256xi32>
    %broadcast_in_dim3A_97 = vector.shape_cast %reduce_min3A_96 : vector<256xi32> to vector<256x1xi32>
    %eq3A_98 = vector.broadcast %broadcast_in_dim3A_97 : vector<256x1xi32> to vector<256x5120xi32>
    %eq3A_99 = arith.cmpi eq, %iota3A, %eq3A_98 : vector<256x5120xi32>
    %jit3A_100 = arith.constant 0x7F800000 : f32
    %broadcast_in_dim3A_101 = vector.broadcast %jit3A_100 : f32 to vector<256x5120xf32>
    %select_n3A_102 = arith.select %eq3A_99, %broadcast_in_dim3A_101, %select_n3A_86 : vector<256x5120xi1>, vector<256x5120xf32>
    %reduce_min3A_103 = arith.constant dense<0x7F800000> : vector<256xf32>
    %reduce_min3A_104 = vector.multi_reduction <minimumf>, %select_n3A_102, %reduce_min3A_103 [1] : vector<256x5120xf32> to vector<256xf32>
    %broadcast_in_dim3A_105 = vector.shape_cast %reduce_min3A_104 : vector<256xf32> to vector<256x1xf32>
    %eq3A_106 = vector.broadcast %broadcast_in_dim3A_105 : vector<256x1xf32> to vector<256x5120xf32>
    %eq3A_107 = arith.cmpf oeq, %select_n3A_102, %eq3A_106 : vector<256x5120xf32>
    %jit3A_108 = arith.constant 5120 : i32
    %broadcast_in_dim3A_109 = vector.broadcast %jit3A_108 : i32 to vector<256x5120xi32>
    %select_n3A_110 = arith.select %eq3A_107, %iota3A, %broadcast_in_dim3A_109 : vector<256x5120xi1>, vector<256x5120xi32>
    %reduce_min3A_111 = arith.constant dense<2147483647> : vector<256xi32>
    %reduce_min3A_112 = vector.multi_reduction <minsi>, %select_n3A_110, %reduce_min3A_111 [1] : vector<256x5120xi32> to vector<256xi32>
    %broadcast_in_dim3A_113 = vector.shape_cast %reduce_min3A_112 : vector<256xi32> to vector<256x1xi32>
    %eq3A_114 = vector.broadcast %broadcast_in_dim3A_113 : vector<256x1xi32> to vector<256x5120xi32>
    %eq3A_115 = arith.cmpi eq, %iota3A, %eq3A_114 : vector<256x5120xi32>
    %jit3A_116 = arith.constant 0x7F800000 : f32
    %broadcast_in_dim3A_117 = vector.broadcast %jit3A_116 : f32 to vector<256x5120xf32>
    %select_n3A_118 = arith.select %eq3A_115, %broadcast_in_dim3A_117, %select_n3A_102 : vector<256x5120xi1>, vector<256x5120xf32>
    %reduce_min3A_119 = arith.constant dense<0x7F800000> : vector<256xf32>
    %reduce_min3A_120 = vector.multi_reduction <minimumf>, %select_n3A_118, %reduce_min3A_119 [1] : vector<256x5120xf32> to vector<256xf32>
    %broadcast_in_dim3A_121 = vector.shape_cast %reduce_min3A_120 : vector<256xf32> to vector<256x1xf32>
    %eq3A_122 = vector.broadcast %broadcast_in_dim3A_121 : vector<256x1xf32> to vector<256x5120xf32>
    %eq3A_123 = arith.cmpf oeq, %select_n3A_118, %eq3A_122 : vector<256x5120xf32>
    %jit3A_124 = arith.constant 5120 : i32
    %broadcast_in_dim3A_125 = vector.broadcast %jit3A_124 : i32 to vector<256x5120xi32>
    %select_n3A_126 = arith.select %eq3A_123, %iota3A, %broadcast_in_dim3A_125 : vector<256x5120xi1>, vector<256x5120xi32>
    %reduce_min3A_127 = arith.constant dense<2147483647> : vector<256xi32>
    %reduce_min3A_128 = vector.multi_reduction <minsi>, %select_n3A_126, %reduce_min3A_127 [1] : vector<256x5120xi32> to vector<256xi32>
    %broadcast_in_dim3A_129 = vector.shape_cast %reduce_min3A_128 : vector<256xi32> to vector<256x1xi32>
    %eq3A_130 = vector.broadcast %broadcast_in_dim3A_129 : vector<256x1xi32> to vector<256x5120xi32>
    %eq3A_131 = arith.cmpi eq, %iota3A, %eq3A_130 : vector<256x5120xi32>
    %jit3A_132 = arith.constant 0x7F800000 : f32
    %broadcast_in_dim3A_133 = vector.broadcast %jit3A_132 : f32 to vector<256x5120xf32>
    %select_n3A_134 = arith.select %eq3A_131, %broadcast_in_dim3A_133, %select_n3A_118 : vector<256x5120xi1>, vector<256x5120xf32>
    %reduce_min3A_135 = arith.constant dense<0x7F800000> : vector<256xf32>
    %reduce_min3A_136 = vector.multi_reduction <minimumf>, %select_n3A_134, %reduce_min3A_135 [1] : vector<256x5120xf32> to vector<256xf32>
    %broadcast_in_dim3A_137 = vector.shape_cast %reduce_min3A_136 : vector<256xf32> to vector<256x1xf32>
    %eq3A_138 = vector.broadcast %broadcast_in_dim3A_137 : vector<256x1xf32> to vector<256x5120xf32>
    %eq3A_139 = arith.cmpf oeq, %select_n3A_134, %eq3A_138 : vector<256x5120xf32>
    %jit3A_140 = arith.constant 5120 : i32
    %broadcast_in_dim3A_141 = vector.broadcast %jit3A_140 : i32 to vector<256x5120xi32>
    %select_n3A_142 = arith.select %eq3A_139, %iota3A, %broadcast_in_dim3A_141 : vector<256x5120xi1>, vector<256x5120xi32>
    %reduce_min3A_143 = arith.constant dense<2147483647> : vector<256xi32>
    %reduce_min3A_144 = vector.multi_reduction <minsi>, %select_n3A_142, %reduce_min3A_143 [1] : vector<256x5120xi32> to vector<256xi32>
    %broadcast_in_dim3A_145 = vector.shape_cast %reduce_min3A_144 : vector<256xi32> to vector<256x1xi32>
    %eq3A_146 = vector.broadcast %broadcast_in_dim3A_145 : vector<256x1xi32> to vector<256x5120xi32>
    %eq3A_147 = arith.cmpi eq, %iota3A, %eq3A_146 : vector<256x5120xi32>
    %jit3A_148 = arith.constant 0x7F800000 : f32
    %broadcast_in_dim3A_149 = vector.broadcast %jit3A_148 : f32 to vector<256x5120xf32>
    %select_n3A_150 = arith.select %eq3A_147, %broadcast_in_dim3A_149, %select_n3A_134 : vector<256x5120xi1>, vector<256x5120xf32>
    %reduce_min3A_151 = arith.constant dense<0x7F800000> : vector<256xf32>
    %reduce_min3A_152 = vector.multi_reduction <minimumf>, %select_n3A_150, %reduce_min3A_151 [1] : vector<256x5120xf32> to vector<256xf32>
    %broadcast_in_dim3A_153 = vector.shape_cast %reduce_min3A_152 : vector<256xf32> to vector<256x1xf32>
    %eq3A_154 = vector.broadcast %broadcast_in_dim3A_153 : vector<256x1xf32> to vector<256x5120xf32>
    %eq3A_155 = arith.cmpf oeq, %select_n3A_150, %eq3A_154 : vector<256x5120xf32>
    %jit3A_156 = arith.constant 5120 : i32
    %broadcast_in_dim3A_157 = vector.broadcast %jit3A_156 : i32 to vector<256x5120xi32>
    %select_n3A_158 = arith.select %eq3A_155, %iota3A, %broadcast_in_dim3A_157 : vector<256x5120xi1>, vector<256x5120xi32>
    %reduce_min3A_159 = arith.constant dense<2147483647> : vector<256xi32>
    %reduce_min3A_160 = vector.multi_reduction <minsi>, %select_n3A_158, %reduce_min3A_159 [1] : vector<256x5120xi32> to vector<256xi32>
    %broadcast_in_dim3A_161 = vector.shape_cast %reduce_min3A_160 : vector<256xi32> to vector<256x1xi32>
    %eq3A_162 = vector.broadcast %broadcast_in_dim3A_161 : vector<256x1xi32> to vector<256x5120xi32>
    %eq3A_163 = arith.cmpi eq, %iota3A, %eq3A_162 : vector<256x5120xi32>
    %jit3A_164 = arith.constant 0x7F800000 : f32
    %broadcast_in_dim3A_165 = vector.broadcast %jit3A_164 : f32 to vector<256x5120xf32>
    %select_n3A_166 = arith.select %eq3A_163, %broadcast_in_dim3A_165, %select_n3A_150 : vector<256x5120xi1>, vector<256x5120xf32>
    %reduce_min3A_167 = arith.constant dense<0x7F800000> : vector<256xf32>
    %reduce_min3A_168 = vector.multi_reduction <minimumf>, %select_n3A_166, %reduce_min3A_167 [1] : vector<256x5120xf32> to vector<256xf32>
    %broadcast_in_dim3A_169 = vector.shape_cast %reduce_min3A_168 : vector<256xf32> to vector<256x1xf32>
    %eq3A_170 = vector.broadcast %broadcast_in_dim3A_169 : vector<256x1xf32> to vector<256x5120xf32>
    %eq3A_171 = arith.cmpf oeq, %select_n3A_166, %eq3A_170 : vector<256x5120xf32>
    %jit3A_172 = arith.constant 5120 : i32
    %broadcast_in_dim3A_173 = vector.broadcast %jit3A_172 : i32 to vector<256x5120xi32>
    %select_n3A_174 = arith.select %eq3A_171, %iota3A, %broadcast_in_dim3A_173 : vector<256x5120xi1>, vector<256x5120xi32>
    %reduce_min3A_175 = arith.constant dense<2147483647> : vector<256xi32>
    %reduce_min3A_176 = vector.multi_reduction <minsi>, %select_n3A_174, %reduce_min3A_175 [1] : vector<256x5120xi32> to vector<256xi32>
    %broadcast_in_dim3A_177 = vector.shape_cast %reduce_min3A_176 : vector<256xi32> to vector<256x1xi32>
    %eq3A_178 = vector.broadcast %broadcast_in_dim3A_177 : vector<256x1xi32> to vector<256x5120xi32>
    %eq3A_179 = arith.cmpi eq, %iota3A, %eq3A_178 : vector<256x5120xi32>
    %jit3A_180 = arith.constant 0x7F800000 : f32
    %broadcast_in_dim3A_181 = vector.broadcast %jit3A_180 : f32 to vector<256x5120xf32>
    %select_n3A_182 = arith.select %eq3A_179, %broadcast_in_dim3A_181, %select_n3A_166 : vector<256x5120xi1>, vector<256x5120xf32>
    %reduce_min3A_183 = arith.constant dense<0x7F800000> : vector<256xf32>
    %reduce_min3A_184 = vector.multi_reduction <minimumf>, %select_n3A_182, %reduce_min3A_183 [1] : vector<256x5120xf32> to vector<256xf32>
    %broadcast_in_dim3A_185 = vector.shape_cast %reduce_min3A_184 : vector<256xf32> to vector<256x1xf32>
    %eq3A_186 = vector.broadcast %broadcast_in_dim3A_185 : vector<256x1xf32> to vector<256x5120xf32>
    %eq3A_187 = arith.cmpf oeq, %select_n3A_182, %eq3A_186 : vector<256x5120xf32>
    %jit3A_188 = arith.constant 5120 : i32
    %broadcast_in_dim3A_189 = vector.broadcast %jit3A_188 : i32 to vector<256x5120xi32>
    %select_n3A_190 = arith.select %eq3A_187, %iota3A, %broadcast_in_dim3A_189 : vector<256x5120xi1>, vector<256x5120xi32>
    %reduce_min3A_191 = arith.constant dense<2147483647> : vector<256xi32>
    %reduce_min3A_192 = vector.multi_reduction <minsi>, %select_n3A_190, %reduce_min3A_191 [1] : vector<256x5120xi32> to vector<256xi32>
    %broadcast_in_dim3A_193 = vector.shape_cast %reduce_min3A_192 : vector<256xi32> to vector<256x1xi32>
    %eq3A_194 = vector.broadcast %broadcast_in_dim3A_193 : vector<256x1xi32> to vector<256x5120xi32>
    %eq3A_195 = arith.cmpi eq, %iota3A, %eq3A_194 : vector<256x5120xi32>
    %jit3A_196 = arith.constant 0x7F800000 : f32
    %broadcast_in_dim3A_197 = vector.broadcast %jit3A_196 : f32 to vector<256x5120xf32>
    %select_n3A_198 = arith.select %eq3A_195, %broadcast_in_dim3A_197, %select_n3A_182 : vector<256x5120xi1>, vector<256x5120xf32>
    %reduce_min3A_199 = arith.constant dense<0x7F800000> : vector<256xf32>
    %reduce_min3A_200 = vector.multi_reduction <minimumf>, %select_n3A_198, %reduce_min3A_199 [1] : vector<256x5120xf32> to vector<256xf32>
    %broadcast_in_dim3A_201 = vector.shape_cast %reduce_min3A_200 : vector<256xf32> to vector<256x1xf32>
    %eq3A_202 = vector.broadcast %broadcast_in_dim3A_201 : vector<256x1xf32> to vector<256x5120xf32>
    %eq3A_203 = arith.cmpf oeq, %select_n3A_198, %eq3A_202 : vector<256x5120xf32>
    %jit3A_204 = arith.constant 5120 : i32
    %broadcast_in_dim3A_205 = vector.broadcast %jit3A_204 : i32 to vector<256x5120xi32>
    %select_n3A_206 = arith.select %eq3A_203, %iota3A, %broadcast_in_dim3A_205 : vector<256x5120xi1>, vector<256x5120xi32>
    %reduce_min3A_207 = arith.constant dense<2147483647> : vector<256xi32>
    %reduce_min3A_208 = vector.multi_reduction <minsi>, %select_n3A_206, %reduce_min3A_207 [1] : vector<256x5120xi32> to vector<256xi32>
    %broadcast_in_dim3A_209 = vector.shape_cast %reduce_min3A_208 : vector<256xi32> to vector<256x1xi32>
    %eq3A_210 = vector.broadcast %broadcast_in_dim3A_209 : vector<256x1xi32> to vector<256x5120xi32>
    %eq3A_211 = arith.cmpi eq, %iota3A, %eq3A_210 : vector<256x5120xi32>
    %jit3A_212 = arith.constant 0x7F800000 : f32
    %broadcast_in_dim3A_213 = vector.broadcast %jit3A_212 : f32 to vector<256x5120xf32>
    %select_n3A_214 = arith.select %eq3A_211, %broadcast_in_dim3A_213, %select_n3A_198 : vector<256x5120xi1>, vector<256x5120xf32>
    %reduce_min3A_215 = arith.constant dense<0x7F800000> : vector<256xf32>
    %reduce_min3A_216 = vector.multi_reduction <minimumf>, %select_n3A_214, %reduce_min3A_215 [1] : vector<256x5120xf32> to vector<256xf32>
    %broadcast_in_dim3A_217 = vector.shape_cast %reduce_min3A_216 : vector<256xf32> to vector<256x1xf32>
    %eq3A_218 = vector.broadcast %broadcast_in_dim3A_217 : vector<256x1xf32> to vector<256x5120xf32>
    %eq3A_219 = arith.cmpf oeq, %select_n3A_214, %eq3A_218 : vector<256x5120xf32>
    %jit3A_220 = arith.constant 5120 : i32
    %broadcast_in_dim3A_221 = vector.broadcast %jit3A_220 : i32 to vector<256x5120xi32>
    %select_n3A_222 = arith.select %eq3A_219, %iota3A, %broadcast_in_dim3A_221 : vector<256x5120xi1>, vector<256x5120xi32>
    %reduce_min3A_223 = arith.constant dense<2147483647> : vector<256xi32>
    %reduce_min3A_224 = vector.multi_reduction <minsi>, %select_n3A_222, %reduce_min3A_223 [1] : vector<256x5120xi32> to vector<256xi32>
    %broadcast_in_dim3A_225 = vector.shape_cast %reduce_min3A_224 : vector<256xi32> to vector<256x1xi32>
    %eq3A_226 = vector.broadcast %broadcast_in_dim3A_225 : vector<256x1xi32> to vector<256x5120xi32>
    %eq3A_227 = arith.cmpi eq, %iota3A, %eq3A_226 : vector<256x5120xi32>
    %jit3A_228 = arith.constant 0x7F800000 : f32
    %broadcast_in_dim3A_229 = vector.broadcast %jit3A_228 : f32 to vector<256x5120xf32>
    %select_n3A_230 = arith.select %eq3A_227, %broadcast_in_dim3A_229, %select_n3A_214 : vector<256x5120xi1>, vector<256x5120xf32>
    %reduce_min3A_231 = arith.constant dense<0x7F800000> : vector<256xf32>
    %reduce_min3A_232 = vector.multi_reduction <minimumf>, %select_n3A_230, %reduce_min3A_231 [1] : vector<256x5120xf32> to vector<256xf32>
    %broadcast_in_dim3A_233 = vector.shape_cast %reduce_min3A_232 : vector<256xf32> to vector<256x1xf32>
    %eq3A_234 = vector.broadcast %broadcast_in_dim3A_233 : vector<256x1xf32> to vector<256x5120xf32>
    %eq3A_235 = arith.cmpf oeq, %select_n3A_230, %eq3A_234 : vector<256x5120xf32>
    %jit3A_236 = arith.constant 5120 : i32
    %broadcast_in_dim3A_237 = vector.broadcast %jit3A_236 : i32 to vector<256x5120xi32>
    %select_n3A_238 = arith.select %eq3A_235, %iota3A, %broadcast_in_dim3A_237 : vector<256x5120xi1>, vector<256x5120xi32>
    %reduce_min3A_239 = arith.constant dense<2147483647> : vector<256xi32>
    %reduce_min3A_240 = vector.multi_reduction <minsi>, %select_n3A_238, %reduce_min3A_239 [1] : vector<256x5120xi32> to vector<256xi32>
    %broadcast_in_dim3A_241 = vector.shape_cast %reduce_min3A_240 : vector<256xi32> to vector<256x1xi32>
    %eq3A_242 = vector.broadcast %broadcast_in_dim3A_241 : vector<256x1xi32> to vector<256x5120xi32>
    %eq3A_243 = arith.cmpi eq, %iota3A, %eq3A_242 : vector<256x5120xi32>
    %jit3A_244 = arith.constant 0x7F800000 : f32
    %broadcast_in_dim3A_245 = vector.broadcast %jit3A_244 : f32 to vector<256x5120xf32>
    %select_n3A_246 = arith.select %eq3A_243, %broadcast_in_dim3A_245, %select_n3A_230 : vector<256x5120xi1>, vector<256x5120xf32>
    %reduce_min3A_247 = arith.constant dense<0x7F800000> : vector<256xf32>
    %reduce_min3A_248 = vector.multi_reduction <minimumf>, %select_n3A_246, %reduce_min3A_247 [1] : vector<256x5120xf32> to vector<256xf32>
    %broadcast_in_dim3A_249 = vector.shape_cast %reduce_min3A_248 : vector<256xf32> to vector<256x1xf32>
    %eq3A_250 = vector.broadcast %broadcast_in_dim3A_249 : vector<256x1xf32> to vector<256x5120xf32>
    %eq3A_251 = arith.cmpf oeq, %select_n3A_246, %eq3A_250 : vector<256x5120xf32>
    %jit3A_252 = arith.constant 5120 : i32
    %broadcast_in_dim3A_253 = vector.broadcast %jit3A_252 : i32 to vector<256x5120xi32>
    %select_n3A_254 = arith.select %eq3A_251, %iota3A, %broadcast_in_dim3A_253 : vector<256x5120xi1>, vector<256x5120xi32>
    %reduce_min3A_255 = arith.constant dense<2147483647> : vector<256xi32>
    %reduce_min3A_256 = vector.multi_reduction <minsi>, %select_n3A_254, %reduce_min3A_255 [1] : vector<256x5120xi32> to vector<256xi32>
    %broadcast_in_dim3A_257 = vector.shape_cast %reduce_min3A_256 : vector<256xi32> to vector<256x1xi32>
    %eq3A_258 = vector.broadcast %broadcast_in_dim3A_257 : vector<256x1xi32> to vector<256x5120xi32>
    %eq3A_259 = arith.cmpi eq, %iota3A, %eq3A_258 : vector<256x5120xi32>
    %jit3A_260 = arith.constant 0x7F800000 : f32
    %broadcast_in_dim3A_261 = vector.broadcast %jit3A_260 : f32 to vector<256x5120xf32>
    %select_n3A_262 = arith.select %eq3A_259, %broadcast_in_dim3A_261, %select_n3A_246 : vector<256x5120xi1>, vector<256x5120xf32>
    %reduce_min3A_263 = arith.constant dense<0x7F800000> : vector<256xf32>
    %reduce_min3A_264 = vector.multi_reduction <minimumf>, %select_n3A_262, %reduce_min3A_263 [1] : vector<256x5120xf32> to vector<256xf32>
    %broadcast_in_dim3A_265 = vector.shape_cast %reduce_min3A_264 : vector<256xf32> to vector<256x1xf32>
    %eq3A_266 = vector.broadcast %broadcast_in_dim3A_265 : vector<256x1xf32> to vector<256x5120xf32>
    %eq3A_267 = arith.cmpf oeq, %select_n3A_262, %eq3A_266 : vector<256x5120xf32>
    %jit3A_268 = arith.constant 5120 : i32
    %broadcast_in_dim3A_269 = vector.broadcast %jit3A_268 : i32 to vector<256x5120xi32>
    %select_n3A_270 = arith.select %eq3A_267, %iota3A, %broadcast_in_dim3A_269 : vector<256x5120xi1>, vector<256x5120xi32>
    %reduce_min3A_271 = arith.constant dense<2147483647> : vector<256xi32>
    %reduce_min3A_272 = vector.multi_reduction <minsi>, %select_n3A_270, %reduce_min3A_271 [1] : vector<256x5120xi32> to vector<256xi32>
    %broadcast_in_dim3A_273 = vector.shape_cast %reduce_min3A_272 : vector<256xi32> to vector<256x1xi32>
    %concatenate3A = tpu.concatenate %broadcast_in_dim3A_33, %broadcast_in_dim3A_49, %broadcast_in_dim3A_65, %broadcast_in_dim3A_81, %broadcast_in_dim3A_97, %broadcast_in_dim3A_113, %broadcast_in_dim3A_129, %broadcast_in_dim3A_145, %broadcast_in_dim3A_161, %broadcast_in_dim3A_177, %broadcast_in_dim3A_193, %broadcast_in_dim3A_209, %broadcast_in_dim3A_225, %broadcast_in_dim3A_241, %broadcast_in_dim3A_257, %broadcast_in_dim3A_273 in 1 : vector<256x1xi32>, vector<256x1xi32>, vector<256x1xi32>, vector<256x1xi32>, vector<256x1xi32>, vector<256x1xi32>, vector<256x1xi32>, vector<256x1xi32>, vector<256x1xi32>, vector<256x1xi32>, vector<256x1xi32>, vector<256x1xi32>, vector<256x1xi32>, vector<256x1xi32>, vector<256x1xi32>, vector<256x1xi32> -> vector<256x16xi32>
    %swap3A = arith.constant 0 : index
    %swap3A_274 = arith.constant 0 : index
    %swap3A_275 = vector.load %arg3[%swap3A, %swap3A_274] : memref<256x16xi32, #tpu.memory_space<vmem>>, vector<256x16xi32>
    tpu.vector_store %arg3[%swap3A, %swap3A_274], %concatenate3A {strides = array<i32>} : memref<256x16xi32, #tpu.memory_space<vmem>>, vector<256x16xi32>,
    return
  }
  func.func @transform_0(%arg0: i32) -> (i32, i32) {
    %c0_i32 = arith.constant 0 : i32
    %c0_i32_0 = arith.constant 0 : i32
    return %arg0, %c0_i32 : i32, i32
  }
  func.func @transform_1(%arg0: i32) -> (i32, i32) {
    %c0_i32 = arith.constant 0 : i32
    %c0_i32_0 = arith.constant 0 : i32
    %c0_i32_1 = arith.constant 0 : i32
    return %c0_i32, %c0_i32_0 : i32, i32
  }
  func.func @transform_2(%arg0: i32) -> (i32, i32) {
    %c0_i32 = arith.constant 0 : i32
    %c0_i32_0 = arith.constant 0 : i32
    return %arg0, %c0_i32 : i32, i32
  }
}

module attributes {stable_mosaic.version = 14 : i64} {
  func.func @_mm_kernel(%arg0: i32, %arg1: memref<512x256xf32, #tpu.memory_space<vmem>>, %arg2: memref<256x768xf32, #tpu.memory_space<vmem>>, %arg3: memref<512x768xf32, #tpu.memory_space<vmem>>) attributes {dimension_semantics = [#tpu.dimension_semantics<arbitrary>], iteration_bounds = array<i64: 10>, scalar_prefetch = 0 : i64, scratch_operands = 0 : i64, tpu.core_type = #tpu.core_type<tc>, window_params = [{transform_indices = @transform_0, window_bounds = array<i64: 512, 256>}, {pipeline_mode = #tpu.pipeline_mode<synchronous>, transform_indices = @transform_1, window_bounds = array<i64: 256, 768>}, {transform_indices = @transform_2, window_bounds = array<i64: 512, 768>}]} {
    %get3A = arith.constant 0 : index
    %get3A_0 = arith.constant 0 : index
    %get3A_1 = vector.load %arg1[%get3A, %get3A_0] : memref<512x256xf32, #tpu.memory_space<vmem>>, vector<512x256xf32>
    %get3A_2 = arith.constant 0 : index
    %get3A_3 = arith.constant 0 : index
    %get3A_4 = vector.load %arg2[%get3A_2, %get3A_3] : memref<256x768xf32, #tpu.memory_space<vmem>>, vector<256x768xf32>
    %dot_general3A = arith.constant dense<0.000000e+00> : vector<512x768xf32>
    %dot_general3A_5 = tpu.matmul %get3A_1, %get3A_4, %dot_general3A {dimension_numbers = #tpu.dot_dimension_numbers<[1], [0], [0], [1], [0, 0, 1, 1], [], []>, transpose_lhs_hint = false} : vector<512x256xf32>, vector<256x768xf32>, vector<512x768xf32> -> vector<512x768xf32>
    %swap3A = arith.constant 0 : index
    %swap3A_6 = arith.constant 0 : index
    %swap3A_7 = vector.load %arg3[%swap3A, %swap3A_6] : memref<512x768xf32, #tpu.memory_space<vmem>>, vector<512x768xf32>
    tpu.vector_store %arg3[%swap3A, %swap3A_6], %dot_general3A_5 {strides = array<i32>} : memref<512x768xf32, #tpu.memory_space<vmem>>, vector<512x768xf32>,
    return
  }
  func.func @transform_0(%arg0: i32) -> (i32, i32) {
    %c0_i32 = arith.constant 0 : i32
    %c0_i32_0 = arith.constant 0 : i32
    return %arg0, %c0_i32 : i32, i32
  }
  func.func @transform_1(%arg0: i32) -> (i32, i32) {
    %c0_i32 = arith.constant 0 : i32
    %c0_i32_0 = arith.constant 0 : i32
    %c0_i32_1 = arith.constant 0 : i32
    return %c0_i32, %c0_i32_0 : i32, i32
  }
  func.func @transform_2(%arg0: i32) -> (i32, i32) {
    %c0_i32 = arith.constant 0 : i32
    %c0_i32_0 = arith.constant 0 : i32
    return %arg0, %c0_i32 : i32, i32
  }
}

module attributes {stable_mosaic.version = 14 : i64} {
  func.func @_knn_kernel(%arg0: i32, %arg1: memref<256x20xf32, #tpu.memory_space<vmem>>, %arg2: memref<20x5120xf32, #tpu.memory_space<vmem>>, %arg3: memref<256x16xi32, #tpu.memory_space<vmem>>) attributes {dimension_semantics = [#tpu.dimension_semantics<arbitrary>], iteration_bounds = array<i64: 20>, scalar_prefetch = 0 : i64, scratch_operands = 0 : i64, tpu.core_type = #tpu.core_type<tc>, window_params = [{transform_indices = @transform_0, window_bounds = array<i64: 256, 20>}, {pipeline_mode = #tpu.pipeline_mode<synchronous>, transform_indices = @transform_1, window_bounds = array<i64: 20, 5120>}, {transform_indices = @transform_2, window_bounds = array<i64: 256, 16>}]} {
    %get3A = arith.constant 0 : index
    %get3A_0 = arith.constant 0 : index
    %get3A_1 = vector.load %arg1[%get3A, %get3A_0] : memref<256x20xf32, #tpu.memory_space<vmem>>, vector<256x20xf32>
    %get3A_2 = arith.constant 0 : index
    %get3A_3 = arith.constant 0 : index
    %get3A_4 = vector.load %arg2[%get3A_2, %get3A_3] : memref<20x5120xf32, #tpu.memory_space<vmem>>, vector<20x5120xf32>
    %mul3A = arith.mulf %get3A_1, %get3A_1 : vector<256x20xf32>
    %reduce_sum3A = arith.constant dense<0.000000e+00> : vector<256xf32>
    %reduce_sum3A_5 = vector.multi_reduction <add>, %mul3A, %reduce_sum3A [1] : vector<256x20xf32> to vector<256xf32>
    %broadcast_in_dim3A = vector.shape_cast %reduce_sum3A_5 : vector<256xf32> to vector<256x1xf32>
    %mul3A_6 = arith.mulf %get3A_4, %get3A_4 : vector<20x5120xf32>
    %reduce_sum3A_7 = arith.constant dense<0.000000e+00> : vector<5120xf32>
    %reduce_sum3A_8 = vector.multi_reduction <add>, %mul3A_6, %reduce_sum3A_7 [0] : vector<20x5120xf32> to vector<5120xf32>
    %broadcast_in_dim3A_9 = vector.shape_cast %reduce_sum3A_8 : vector<5120xf32> to vector<1x5120xf32>
    %add3A = vector.broadcast %broadcast_in_dim3A : vector<256x1xf32> to vector<256x5120xf32>
    %add3A_10 = vector.broadcast %broadcast_in_dim3A_9 : vector<1x5120xf32> to vector<256x5120xf32>
    %add3A_11 = arith.addf %add3A, %add3A_10 : vector<256x5120xf32>
    %dot_general3A = arith.constant dense<0.000000e+00> : vector<256x5120xf32>
    %dot_general3A_12 = tpu.matmul %get3A_1, %get3A_4, %dot_general3A {dimension_numbers = #tpu.dot_dimension_numbers<[1], [0], [0], [1], [0, 0, 1, 1], [], []>, transpose_lhs_hint = false} : vector<256x20xf32>, vector<20x5120xf32>, vector<256x5120xf32> -> vector<256x5120xf32>
    %mul3A_13 = arith.constant 2.000000e+00 : f32
    %mul3A_14 = vector.broadcast %mul3A_13 : f32 to vector<256x5120xf32>
    %mul3A_15 = arith.mulf %mul3A_14, %dot_general3A_12 : vector<256x5120xf32>
    %sub3A = arith.subf %add3A_11, %mul3A_15 : vector<256x5120xf32>
    %iota3A = tpu.iota {dimensions = array<i32: 1>} : vector<256x5120xi32>
    %mul3A_16 = arith.constant 256 : i32
    %mul3A_17 = arith.muli %arg0, %mul3A_16 : i32
    %iota3A_18 = tpu.iota {dimensions = array<i32: 0>} : vector<256x5120xi32>
    %add3A_19 = vector.broadcast %mul3A_17 : i32 to vector<256x5120xi32>
    %add3A_20 = arith.addi %add3A_19, %iota3A_18 : vector<256x5120xi32>
    %eq3A = arith.cmpi eq, %iota3A, %add3A_20 : vector<256x5120xi32>
    %ge3A = arith.constant 5000 : i32
    %ge3A_21 = vector.broadcast %ge3A : i32 to vector<256x5120xi32>
    %ge3A_22 = arith.cmpi sge, %iota3A, %ge3A_21 : vector<256x5120xi32>
    %or3A = arith.ori %eq3A, %ge3A_22 : vector<256x5120xi1>
    %jit3A = arith.constant 0x7F800000 : f32
    %broadcast_in_dim3A_23 = vector.broadcast %jit3A : f32 to vector<256x5120xf32>
    %select_n3A = arith.select %or3A, %broadcast_in_dim3A_23, %sub3A : vector<256x5120xi1>, vector<256x5120xf32>
    %reduce_min3A = arith.constant dense<0x7F800000> : vector<256xf32>
    %reduce_min3A_24 = vector.multi_reduction <minimumf>, %select_n3A, %reduce_min3A [1] : vector<256x5120xf32> to vector<256xf32>
    %broadcast_in_dim3A_25 = vector.shape_cast %reduce_min3A_24 : vector<256xf32> to vector<256x1xf32>
    %eq3A_26 = vector.broadcast %broadcast_in_dim3A_25 : vector<256x1xf32> to vector<256x5120xf32>
    %eq3A_27 = arith.cmpf oeq, %select_n3A, %eq3A_26 : vector<256x5120xf32>
    %jit3A_28 = arith.constant 5120 : i32
    %broadcast_in_dim3A_29 = vector.broadcast %jit3A_28 : i32 to vector<256x5120xi32>
    %select_n3A_30 = arith.select %eq3A_27, %iota3A, %broadcast_in_dim3A_29 : vector<256x5120xi1>, vector<256x5120xi32>
    %reduce_min3A_31 = arith.constant dense<2147483647> : vector<256xi32>
    %reduce_min3A_32 = vector.multi_reduction <minsi>, %select_n3A_30, %reduce_min3A_31 [1] : vector<256x5120xi32> to vector<256xi32>
    %broadcast_in_dim3A_33 = vector.shape_cast %reduce_min3A_32 : vector<256xi32> to vector<256x1xi32>
    %eq3A_34 = vector.broadcast %broadcast_in_dim3A_33 : vector<256x1xi32> to vector<256x5120xi32>
    %eq3A_35 = arith.cmpi eq, %iota3A, %eq3A_34 : vector<256x5120xi32>
    %jit3A_36 = arith.constant 0x7F800000 : f32
    %broadcast_in_dim3A_37 = vector.broadcast %jit3A_36 : f32 to vector<256x5120xf32>
    %select_n3A_38 = arith.select %eq3A_35, %broadcast_in_dim3A_37, %select_n3A : vector<256x5120xi1>, vector<256x5120xf32>
    %reduce_min3A_39 = arith.constant dense<0x7F800000> : vector<256xf32>
    %reduce_min3A_40 = vector.multi_reduction <minimumf>, %select_n3A_38, %reduce_min3A_39 [1] : vector<256x5120xf32> to vector<256xf32>
    %broadcast_in_dim3A_41 = vector.shape_cast %reduce_min3A_40 : vector<256xf32> to vector<256x1xf32>
    %eq3A_42 = vector.broadcast %broadcast_in_dim3A_41 : vector<256x1xf32> to vector<256x5120xf32>
    %eq3A_43 = arith.cmpf oeq, %select_n3A_38, %eq3A_42 : vector<256x5120xf32>
    %jit3A_44 = arith.constant 5120 : i32
    %broadcast_in_dim3A_45 = vector.broadcast %jit3A_44 : i32 to vector<256x5120xi32>
    %select_n3A_46 = arith.select %eq3A_43, %iota3A, %broadcast_in_dim3A_45 : vector<256x5120xi1>, vector<256x5120xi32>
    %reduce_min3A_47 = arith.constant dense<2147483647> : vector<256xi32>
    %reduce_min3A_48 = vector.multi_reduction <minsi>, %select_n3A_46, %reduce_min3A_47 [1] : vector<256x5120xi32> to vector<256xi32>
    %broadcast_in_dim3A_49 = vector.shape_cast %reduce_min3A_48 : vector<256xi32> to vector<256x1xi32>
    %eq3A_50 = vector.broadcast %broadcast_in_dim3A_49 : vector<256x1xi32> to vector<256x5120xi32>
    %eq3A_51 = arith.cmpi eq, %iota3A, %eq3A_50 : vector<256x5120xi32>
    %jit3A_52 = arith.constant 0x7F800000 : f32
    %broadcast_in_dim3A_53 = vector.broadcast %jit3A_52 : f32 to vector<256x5120xf32>
    %select_n3A_54 = arith.select %eq3A_51, %broadcast_in_dim3A_53, %select_n3A_38 : vector<256x5120xi1>, vector<256x5120xf32>
    %reduce_min3A_55 = arith.constant dense<0x7F800000> : vector<256xf32>
    %reduce_min3A_56 = vector.multi_reduction <minimumf>, %select_n3A_54, %reduce_min3A_55 [1] : vector<256x5120xf32> to vector<256xf32>
    %broadcast_in_dim3A_57 = vector.shape_cast %reduce_min3A_56 : vector<256xf32> to vector<256x1xf32>
    %eq3A_58 = vector.broadcast %broadcast_in_dim3A_57 : vector<256x1xf32> to vector<256x5120xf32>
    %eq3A_59 = arith.cmpf oeq, %select_n3A_54, %eq3A_58 : vector<256x5120xf32>
    %jit3A_60 = arith.constant 5120 : i32
    %broadcast_in_dim3A_61 = vector.broadcast %jit3A_60 : i32 to vector<256x5120xi32>
    %select_n3A_62 = arith.select %eq3A_59, %iota3A, %broadcast_in_dim3A_61 : vector<256x5120xi1>, vector<256x5120xi32>
    %reduce_min3A_63 = arith.constant dense<2147483647> : vector<256xi32>
    %reduce_min3A_64 = vector.multi_reduction <minsi>, %select_n3A_62, %reduce_min3A_63 [1] : vector<256x5120xi32> to vector<256xi32>
    %broadcast_in_dim3A_65 = vector.shape_cast %reduce_min3A_64 : vector<256xi32> to vector<256x1xi32>
    %eq3A_66 = vector.broadcast %broadcast_in_dim3A_65 : vector<256x1xi32> to vector<256x5120xi32>
    %eq3A_67 = arith.cmpi eq, %iota3A, %eq3A_66 : vector<256x5120xi32>
    %jit3A_68 = arith.constant 0x7F800000 : f32
    %broadcast_in_dim3A_69 = vector.broadcast %jit3A_68 : f32 to vector<256x5120xf32>
    %select_n3A_70 = arith.select %eq3A_67, %broadcast_in_dim3A_69, %select_n3A_54 : vector<256x5120xi1>, vector<256x5120xf32>
    %reduce_min3A_71 = arith.constant dense<0x7F800000> : vector<256xf32>
    %reduce_min3A_72 = vector.multi_reduction <minimumf>, %select_n3A_70, %reduce_min3A_71 [1] : vector<256x5120xf32> to vector<256xf32>
    %broadcast_in_dim3A_73 = vector.shape_cast %reduce_min3A_72 : vector<256xf32> to vector<256x1xf32>
    %eq3A_74 = vector.broadcast %broadcast_in_dim3A_73 : vector<256x1xf32> to vector<256x5120xf32>
    %eq3A_75 = arith.cmpf oeq, %select_n3A_70, %eq3A_74 : vector<256x5120xf32>
    %jit3A_76 = arith.constant 5120 : i32
    %broadcast_in_dim3A_77 = vector.broadcast %jit3A_76 : i32 to vector<256x5120xi32>
    %select_n3A_78 = arith.select %eq3A_75, %iota3A, %broadcast_in_dim3A_77 : vector<256x5120xi1>, vector<256x5120xi32>
    %reduce_min3A_79 = arith.constant dense<2147483647> : vector<256xi32>
    %reduce_min3A_80 = vector.multi_reduction <minsi>, %select_n3A_78, %reduce_min3A_79 [1] : vector<256x5120xi32> to vector<256xi32>
    %broadcast_in_dim3A_81 = vector.shape_cast %reduce_min3A_80 : vector<256xi32> to vector<256x1xi32>
    %eq3A_82 = vector.broadcast %broadcast_in_dim3A_81 : vector<256x1xi32> to vector<256x5120xi32>
    %eq3A_83 = arith.cmpi eq, %iota3A, %eq3A_82 : vector<256x5120xi32>
    %jit3A_84 = arith.constant 0x7F800000 : f32
    %broadcast_in_dim3A_85 = vector.broadcast %jit3A_84 : f32 to vector<256x5120xf32>
    %select_n3A_86 = arith.select %eq3A_83, %broadcast_in_dim3A_85, %select_n3A_70 : vector<256x5120xi1>, vector<256x5120xf32>
    %reduce_min3A_87 = arith.constant dense<0x7F800000> : vector<256xf32>
    %reduce_min3A_88 = vector.multi_reduction <minimumf>, %select_n3A_86, %reduce_min3A_87 [1] : vector<256x5120xf32> to vector<256xf32>
    %broadcast_in_dim3A_89 = vector.shape_cast %reduce_min3A_88 : vector<256xf32> to vector<256x1xf32>
    %eq3A_90 = vector.broadcast %broadcast_in_dim3A_89 : vector<256x1xf32> to vector<256x5120xf32>
    %eq3A_91 = arith.cmpf oeq, %select_n3A_86, %eq3A_90 : vector<256x5120xf32>
    %jit3A_92 = arith.constant 5120 : i32
    %broadcast_in_dim3A_93 = vector.broadcast %jit3A_92 : i32 to vector<256x5120xi32>
    %select_n3A_94 = arith.select %eq3A_91, %iota3A, %broadcast_in_dim3A_93 : vector<256x5120xi1>, vector<256x5120xi32>
    %reduce_min3A_95 = arith.constant dense<2147483647> : vector<256xi32>
    %reduce_min3A_96 = vector.multi_reduction <minsi>, %select_n3A_94, %reduce_min3A_95 [1] : vector<256x5120xi32> to vector<256xi32>
    %broadcast_in_dim3A_97 = vector.shape_cast %reduce_min3A_96 : vector<256xi32> to vector<256x1xi32>
    %eq3A_98 = vector.broadcast %broadcast_in_dim3A_97 : vector<256x1xi32> to vector<256x5120xi32>
    %eq3A_99 = arith.cmpi eq, %iota3A, %eq3A_98 : vector<256x5120xi32>
    %jit3A_100 = arith.constant 0x7F800000 : f32
    %broadcast_in_dim3A_101 = vector.broadcast %jit3A_100 : f32 to vector<256x5120xf32>
    %select_n3A_102 = arith.select %eq3A_99, %broadcast_in_dim3A_101, %select_n3A_86 : vector<256x5120xi1>, vector<256x5120xf32>
    %reduce_min3A_103 = arith.constant dense<0x7F800000> : vector<256xf32>
    %reduce_min3A_104 = vector.multi_reduction <minimumf>, %select_n3A_102, %reduce_min3A_103 [1] : vector<256x5120xf32> to vector<256xf32>
    %broadcast_in_dim3A_105 = vector.shape_cast %reduce_min3A_104 : vector<256xf32> to vector<256x1xf32>
    %eq3A_106 = vector.broadcast %broadcast_in_dim3A_105 : vector<256x1xf32> to vector<256x5120xf32>
    %eq3A_107 = arith.cmpf oeq, %select_n3A_102, %eq3A_106 : vector<256x5120xf32>
    %jit3A_108 = arith.constant 5120 : i32
    %broadcast_in_dim3A_109 = vector.broadcast %jit3A_108 : i32 to vector<256x5120xi32>
    %select_n3A_110 = arith.select %eq3A_107, %iota3A, %broadcast_in_dim3A_109 : vector<256x5120xi1>, vector<256x5120xi32>
    %reduce_min3A_111 = arith.constant dense<2147483647> : vector<256xi32>
    %reduce_min3A_112 = vector.multi_reduction <minsi>, %select_n3A_110, %reduce_min3A_111 [1] : vector<256x5120xi32> to vector<256xi32>
    %broadcast_in_dim3A_113 = vector.shape_cast %reduce_min3A_112 : vector<256xi32> to vector<256x1xi32>
    %eq3A_114 = vector.broadcast %broadcast_in_dim3A_113 : vector<256x1xi32> to vector<256x5120xi32>
    %eq3A_115 = arith.cmpi eq, %iota3A, %eq3A_114 : vector<256x5120xi32>
    %jit3A_116 = arith.constant 0x7F800000 : f32
    %broadcast_in_dim3A_117 = vector.broadcast %jit3A_116 : f32 to vector<256x5120xf32>
    %select_n3A_118 = arith.select %eq3A_115, %broadcast_in_dim3A_117, %select_n3A_102 : vector<256x5120xi1>, vector<256x5120xf32>
    %reduce_min3A_119 = arith.constant dense<0x7F800000> : vector<256xf32>
    %reduce_min3A_120 = vector.multi_reduction <minimumf>, %select_n3A_118, %reduce_min3A_119 [1] : vector<256x5120xf32> to vector<256xf32>
    %broadcast_in_dim3A_121 = vector.shape_cast %reduce_min3A_120 : vector<256xf32> to vector<256x1xf32>
    %eq3A_122 = vector.broadcast %broadcast_in_dim3A_121 : vector<256x1xf32> to vector<256x5120xf32>
    %eq3A_123 = arith.cmpf oeq, %select_n3A_118, %eq3A_122 : vector<256x5120xf32>
    %jit3A_124 = arith.constant 5120 : i32
    %broadcast_in_dim3A_125 = vector.broadcast %jit3A_124 : i32 to vector<256x5120xi32>
    %select_n3A_126 = arith.select %eq3A_123, %iota3A, %broadcast_in_dim3A_125 : vector<256x5120xi1>, vector<256x5120xi32>
    %reduce_min3A_127 = arith.constant dense<2147483647> : vector<256xi32>
    %reduce_min3A_128 = vector.multi_reduction <minsi>, %select_n3A_126, %reduce_min3A_127 [1] : vector<256x5120xi32> to vector<256xi32>
    %broadcast_in_dim3A_129 = vector.shape_cast %reduce_min3A_128 : vector<256xi32> to vector<256x1xi32>
    %eq3A_130 = vector.broadcast %broadcast_in_dim3A_129 : vector<256x1xi32> to vector<256x5120xi32>
    %eq3A_131 = arith.cmpi eq, %iota3A, %eq3A_130 : vector<256x5120xi32>
    %jit3A_132 = arith.constant 0x7F800000 : f32
    %broadcast_in_dim3A_133 = vector.broadcast %jit3A_132 : f32 to vector<256x5120xf32>
    %select_n3A_134 = arith.select %eq3A_131, %broadcast_in_dim3A_133, %select_n3A_118 : vector<256x5120xi1>, vector<256x5120xf32>
    %reduce_min3A_135 = arith.constant dense<0x7F800000> : vector<256xf32>
    %reduce_min3A_136 = vector.multi_reduction <minimumf>, %select_n3A_134, %reduce_min3A_135 [1] : vector<256x5120xf32> to vector<256xf32>
    %broadcast_in_dim3A_137 = vector.shape_cast %reduce_min3A_136 : vector<256xf32> to vector<256x1xf32>
    %eq3A_138 = vector.broadcast %broadcast_in_dim3A_137 : vector<256x1xf32> to vector<256x5120xf32>
    %eq3A_139 = arith.cmpf oeq, %select_n3A_134, %eq3A_138 : vector<256x5120xf32>
    %jit3A_140 = arith.constant 5120 : i32
    %broadcast_in_dim3A_141 = vector.broadcast %jit3A_140 : i32 to vector<256x5120xi32>
    %select_n3A_142 = arith.select %eq3A_139, %iota3A, %broadcast_in_dim3A_141 : vector<256x5120xi1>, vector<256x5120xi32>
    %reduce_min3A_143 = arith.constant dense<2147483647> : vector<256xi32>
    %reduce_min3A_144 = vector.multi_reduction <minsi>, %select_n3A_142, %reduce_min3A_143 [1] : vector<256x5120xi32> to vector<256xi32>
    %broadcast_in_dim3A_145 = vector.shape_cast %reduce_min3A_144 : vector<256xi32> to vector<256x1xi32>
    %eq3A_146 = vector.broadcast %broadcast_in_dim3A_145 : vector<256x1xi32> to vector<256x5120xi32>
    %eq3A_147 = arith.cmpi eq, %iota3A, %eq3A_146 : vector<256x5120xi32>
    %jit3A_148 = arith.constant 0x7F800000 : f32
    %broadcast_in_dim3A_149 = vector.broadcast %jit3A_148 : f32 to vector<256x5120xf32>
    %select_n3A_150 = arith.select %eq3A_147, %broadcast_in_dim3A_149, %select_n3A_134 : vector<256x5120xi1>, vector<256x5120xf32>
    %reduce_min3A_151 = arith.constant dense<0x7F800000> : vector<256xf32>
    %reduce_min3A_152 = vector.multi_reduction <minimumf>, %select_n3A_150, %reduce_min3A_151 [1] : vector<256x5120xf32> to vector<256xf32>
    %broadcast_in_dim3A_153 = vector.shape_cast %reduce_min3A_152 : vector<256xf32> to vector<256x1xf32>
    %eq3A_154 = vector.broadcast %broadcast_in_dim3A_153 : vector<256x1xf32> to vector<256x5120xf32>
    %eq3A_155 = arith.cmpf oeq, %select_n3A_150, %eq3A_154 : vector<256x5120xf32>
    %jit3A_156 = arith.constant 5120 : i32
    %broadcast_in_dim3A_157 = vector.broadcast %jit3A_156 : i32 to vector<256x5120xi32>
    %select_n3A_158 = arith.select %eq3A_155, %iota3A, %broadcast_in_dim3A_157 : vector<256x5120xi1>, vector<256x5120xi32>
    %reduce_min3A_159 = arith.constant dense<2147483647> : vector<256xi32>
    %reduce_min3A_160 = vector.multi_reduction <minsi>, %select_n3A_158, %reduce_min3A_159 [1] : vector<256x5120xi32> to vector<256xi32>
    %broadcast_in_dim3A_161 = vector.shape_cast %reduce_min3A_160 : vector<256xi32> to vector<256x1xi32>
    %eq3A_162 = vector.broadcast %broadcast_in_dim3A_161 : vector<256x1xi32> to vector<256x5120xi32>
    %eq3A_163 = arith.cmpi eq, %iota3A, %eq3A_162 : vector<256x5120xi32>
    %jit3A_164 = arith.constant 0x7F800000 : f32
    %broadcast_in_dim3A_165 = vector.broadcast %jit3A_164 : f32 to vector<256x5120xf32>
    %select_n3A_166 = arith.select %eq3A_163, %broadcast_in_dim3A_165, %select_n3A_150 : vector<256x5120xi1>, vector<256x5120xf32>
    %reduce_min3A_167 = arith.constant dense<0x7F800000> : vector<256xf32>
    %reduce_min3A_168 = vector.multi_reduction <minimumf>, %select_n3A_166, %reduce_min3A_167 [1] : vector<256x5120xf32> to vector<256xf32>
    %broadcast_in_dim3A_169 = vector.shape_cast %reduce_min3A_168 : vector<256xf32> to vector<256x1xf32>
    %eq3A_170 = vector.broadcast %broadcast_in_dim3A_169 : vector<256x1xf32> to vector<256x5120xf32>
    %eq3A_171 = arith.cmpf oeq, %select_n3A_166, %eq3A_170 : vector<256x5120xf32>
    %jit3A_172 = arith.constant 5120 : i32
    %broadcast_in_dim3A_173 = vector.broadcast %jit3A_172 : i32 to vector<256x5120xi32>
    %select_n3A_174 = arith.select %eq3A_171, %iota3A, %broadcast_in_dim3A_173 : vector<256x5120xi1>, vector<256x5120xi32>
    %reduce_min3A_175 = arith.constant dense<2147483647> : vector<256xi32>
    %reduce_min3A_176 = vector.multi_reduction <minsi>, %select_n3A_174, %reduce_min3A_175 [1] : vector<256x5120xi32> to vector<256xi32>
    %broadcast_in_dim3A_177 = vector.shape_cast %reduce_min3A_176 : vector<256xi32> to vector<256x1xi32>
    %eq3A_178 = vector.broadcast %broadcast_in_dim3A_177 : vector<256x1xi32> to vector<256x5120xi32>
    %eq3A_179 = arith.cmpi eq, %iota3A, %eq3A_178 : vector<256x5120xi32>
    %jit3A_180 = arith.constant 0x7F800000 : f32
    %broadcast_in_dim3A_181 = vector.broadcast %jit3A_180 : f32 to vector<256x5120xf32>
    %select_n3A_182 = arith.select %eq3A_179, %broadcast_in_dim3A_181, %select_n3A_166 : vector<256x5120xi1>, vector<256x5120xf32>
    %reduce_min3A_183 = arith.constant dense<0x7F800000> : vector<256xf32>
    %reduce_min3A_184 = vector.multi_reduction <minimumf>, %select_n3A_182, %reduce_min3A_183 [1] : vector<256x5120xf32> to vector<256xf32>
    %broadcast_in_dim3A_185 = vector.shape_cast %reduce_min3A_184 : vector<256xf32> to vector<256x1xf32>
    %eq3A_186 = vector.broadcast %broadcast_in_dim3A_185 : vector<256x1xf32> to vector<256x5120xf32>
    %eq3A_187 = arith.cmpf oeq, %select_n3A_182, %eq3A_186 : vector<256x5120xf32>
    %jit3A_188 = arith.constant 5120 : i32
    %broadcast_in_dim3A_189 = vector.broadcast %jit3A_188 : i32 to vector<256x5120xi32>
    %select_n3A_190 = arith.select %eq3A_187, %iota3A, %broadcast_in_dim3A_189 : vector<256x5120xi1>, vector<256x5120xi32>
    %reduce_min3A_191 = arith.constant dense<2147483647> : vector<256xi32>
    %reduce_min3A_192 = vector.multi_reduction <minsi>, %select_n3A_190, %reduce_min3A_191 [1] : vector<256x5120xi32> to vector<256xi32>
    %broadcast_in_dim3A_193 = vector.shape_cast %reduce_min3A_192 : vector<256xi32> to vector<256x1xi32>
    %eq3A_194 = vector.broadcast %broadcast_in_dim3A_193 : vector<256x1xi32> to vector<256x5120xi32>
    %eq3A_195 = arith.cmpi eq, %iota3A, %eq3A_194 : vector<256x5120xi32>
    %jit3A_196 = arith.constant 0x7F800000 : f32
    %broadcast_in_dim3A_197 = vector.broadcast %jit3A_196 : f32 to vector<256x5120xf32>
    %select_n3A_198 = arith.select %eq3A_195, %broadcast_in_dim3A_197, %select_n3A_182 : vector<256x5120xi1>, vector<256x5120xf32>
    %reduce_min3A_199 = arith.constant dense<0x7F800000> : vector<256xf32>
    %reduce_min3A_200 = vector.multi_reduction <minimumf>, %select_n3A_198, %reduce_min3A_199 [1] : vector<256x5120xf32> to vector<256xf32>
    %broadcast_in_dim3A_201 = vector.shape_cast %reduce_min3A_200 : vector<256xf32> to vector<256x1xf32>
    %eq3A_202 = vector.broadcast %broadcast_in_dim3A_201 : vector<256x1xf32> to vector<256x5120xf32>
    %eq3A_203 = arith.cmpf oeq, %select_n3A_198, %eq3A_202 : vector<256x5120xf32>
    %jit3A_204 = arith.constant 5120 : i32
    %broadcast_in_dim3A_205 = vector.broadcast %jit3A_204 : i32 to vector<256x5120xi32>
    %select_n3A_206 = arith.select %eq3A_203, %iota3A, %broadcast_in_dim3A_205 : vector<256x5120xi1>, vector<256x5120xi32>
    %reduce_min3A_207 = arith.constant dense<2147483647> : vector<256xi32>
    %reduce_min3A_208 = vector.multi_reduction <minsi>, %select_n3A_206, %reduce_min3A_207 [1] : vector<256x5120xi32> to vector<256xi32>
    %broadcast_in_dim3A_209 = vector.shape_cast %reduce_min3A_208 : vector<256xi32> to vector<256x1xi32>
    %eq3A_210 = vector.broadcast %broadcast_in_dim3A_209 : vector<256x1xi32> to vector<256x5120xi32>
    %eq3A_211 = arith.cmpi eq, %iota3A, %eq3A_210 : vector<256x5120xi32>
    %jit3A_212 = arith.constant 0x7F800000 : f32
    %broadcast_in_dim3A_213 = vector.broadcast %jit3A_212 : f32 to vector<256x5120xf32>
    %select_n3A_214 = arith.select %eq3A_211, %broadcast_in_dim3A_213, %select_n3A_198 : vector<256x5120xi1>, vector<256x5120xf32>
    %reduce_min3A_215 = arith.constant dense<0x7F800000> : vector<256xf32>
    %reduce_min3A_216 = vector.multi_reduction <minimumf>, %select_n3A_214, %reduce_min3A_215 [1] : vector<256x5120xf32> to vector<256xf32>
    %broadcast_in_dim3A_217 = vector.shape_cast %reduce_min3A_216 : vector<256xf32> to vector<256x1xf32>
    %eq3A_218 = vector.broadcast %broadcast_in_dim3A_217 : vector<256x1xf32> to vector<256x5120xf32>
    %eq3A_219 = arith.cmpf oeq, %select_n3A_214, %eq3A_218 : vector<256x5120xf32>
    %jit3A_220 = arith.constant 5120 : i32
    %broadcast_in_dim3A_221 = vector.broadcast %jit3A_220 : i32 to vector<256x5120xi32>
    %select_n3A_222 = arith.select %eq3A_219, %iota3A, %broadcast_in_dim3A_221 : vector<256x5120xi1>, vector<256x5120xi32>
    %reduce_min3A_223 = arith.constant dense<2147483647> : vector<256xi32>
    %reduce_min3A_224 = vector.multi_reduction <minsi>, %select_n3A_222, %reduce_min3A_223 [1] : vector<256x5120xi32> to vector<256xi32>
    %broadcast_in_dim3A_225 = vector.shape_cast %reduce_min3A_224 : vector<256xi32> to vector<256x1xi32>
    %eq3A_226 = vector.broadcast %broadcast_in_dim3A_225 : vector<256x1xi32> to vector<256x5120xi32>
    %eq3A_227 = arith.cmpi eq, %iota3A, %eq3A_226 : vector<256x5120xi32>
    %jit3A_228 = arith.constant 0x7F800000 : f32
    %broadcast_in_dim3A_229 = vector.broadcast %jit3A_228 : f32 to vector<256x5120xf32>
    %select_n3A_230 = arith.select %eq3A_227, %broadcast_in_dim3A_229, %select_n3A_214 : vector<256x5120xi1>, vector<256x5120xf32>
    %reduce_min3A_231 = arith.constant dense<0x7F800000> : vector<256xf32>
    %reduce_min3A_232 = vector.multi_reduction <minimumf>, %select_n3A_230, %reduce_min3A_231 [1] : vector<256x5120xf32> to vector<256xf32>
    %broadcast_in_dim3A_233 = vector.shape_cast %reduce_min3A_232 : vector<256xf32> to vector<256x1xf32>
    %eq3A_234 = vector.broadcast %broadcast_in_dim3A_233 : vector<256x1xf32> to vector<256x5120xf32>
    %eq3A_235 = arith.cmpf oeq, %select_n3A_230, %eq3A_234 : vector<256x5120xf32>
    %jit3A_236 = arith.constant 5120 : i32
    %broadcast_in_dim3A_237 = vector.broadcast %jit3A_236 : i32 to vector<256x5120xi32>
    %select_n3A_238 = arith.select %eq3A_235, %iota3A, %broadcast_in_dim3A_237 : vector<256x5120xi1>, vector<256x5120xi32>
    %reduce_min3A_239 = arith.constant dense<2147483647> : vector<256xi32>
    %reduce_min3A_240 = vector.multi_reduction <minsi>, %select_n3A_238, %reduce_min3A_239 [1] : vector<256x5120xi32> to vector<256xi32>
    %broadcast_in_dim3A_241 = vector.shape_cast %reduce_min3A_240 : vector<256xi32> to vector<256x1xi32>
    %eq3A_242 = vector.broadcast %broadcast_in_dim3A_241 : vector<256x1xi32> to vector<256x5120xi32>
    %eq3A_243 = arith.cmpi eq, %iota3A, %eq3A_242 : vector<256x5120xi32>
    %jit3A_244 = arith.constant 0x7F800000 : f32
    %broadcast_in_dim3A_245 = vector.broadcast %jit3A_244 : f32 to vector<256x5120xf32>
    %select_n3A_246 = arith.select %eq3A_243, %broadcast_in_dim3A_245, %select_n3A_230 : vector<256x5120xi1>, vector<256x5120xf32>
    %reduce_min3A_247 = arith.constant dense<0x7F800000> : vector<256xf32>
    %reduce_min3A_248 = vector.multi_reduction <minimumf>, %select_n3A_246, %reduce_min3A_247 [1] : vector<256x5120xf32> to vector<256xf32>
    %broadcast_in_dim3A_249 = vector.shape_cast %reduce_min3A_248 : vector<256xf32> to vector<256x1xf32>
    %eq3A_250 = vector.broadcast %broadcast_in_dim3A_249 : vector<256x1xf32> to vector<256x5120xf32>
    %eq3A_251 = arith.cmpf oeq, %select_n3A_246, %eq3A_250 : vector<256x5120xf32>
    %jit3A_252 = arith.constant 5120 : i32
    %broadcast_in_dim3A_253 = vector.broadcast %jit3A_252 : i32 to vector<256x5120xi32>
    %select_n3A_254 = arith.select %eq3A_251, %iota3A, %broadcast_in_dim3A_253 : vector<256x5120xi1>, vector<256x5120xi32>
    %reduce_min3A_255 = arith.constant dense<2147483647> : vector<256xi32>
    %reduce_min3A_256 = vector.multi_reduction <minsi>, %select_n3A_254, %reduce_min3A_255 [1] : vector<256x5120xi32> to vector<256xi32>
    %broadcast_in_dim3A_257 = vector.shape_cast %reduce_min3A_256 : vector<256xi32> to vector<256x1xi32>
    %eq3A_258 = vector.broadcast %broadcast_in_dim3A_257 : vector<256x1xi32> to vector<256x5120xi32>
    %eq3A_259 = arith.cmpi eq, %iota3A, %eq3A_258 : vector<256x5120xi32>
    %jit3A_260 = arith.constant 0x7F800000 : f32
    %broadcast_in_dim3A_261 = vector.broadcast %jit3A_260 : f32 to vector<256x5120xf32>
    %select_n3A_262 = arith.select %eq3A_259, %broadcast_in_dim3A_261, %select_n3A_246 : vector<256x5120xi1>, vector<256x5120xf32>
    %reduce_min3A_263 = arith.constant dense<0x7F800000> : vector<256xf32>
    %reduce_min3A_264 = vector.multi_reduction <minimumf>, %select_n3A_262, %reduce_min3A_263 [1] : vector<256x5120xf32> to vector<256xf32>
    %broadcast_in_dim3A_265 = vector.shape_cast %reduce_min3A_264 : vector<256xf32> to vector<256x1xf32>
    %eq3A_266 = vector.broadcast %broadcast_in_dim3A_265 : vector<256x1xf32> to vector<256x5120xf32>
    %eq3A_267 = arith.cmpf oeq, %select_n3A_262, %eq3A_266 : vector<256x5120xf32>
    %jit3A_268 = arith.constant 5120 : i32
    %broadcast_in_dim3A_269 = vector.broadcast %jit3A_268 : i32 to vector<256x5120xi32>
    %select_n3A_270 = arith.select %eq3A_267, %iota3A, %broadcast_in_dim3A_269 : vector<256x5120xi1>, vector<256x5120xi32>
    %reduce_min3A_271 = arith.constant dense<2147483647> : vector<256xi32>
    %reduce_min3A_272 = vector.multi_reduction <minsi>, %select_n3A_270, %reduce_min3A_271 [1] : vector<256x5120xi32> to vector<256xi32>
    %broadcast_in_dim3A_273 = vector.shape_cast %reduce_min3A_272 : vector<256xi32> to vector<256x1xi32>
    %concatenate3A = tpu.concatenate %broadcast_in_dim3A_33, %broadcast_in_dim3A_49, %broadcast_in_dim3A_65, %broadcast_in_dim3A_81, %broadcast_in_dim3A_97, %broadcast_in_dim3A_113, %broadcast_in_dim3A_129, %broadcast_in_dim3A_145, %broadcast_in_dim3A_161, %broadcast_in_dim3A_177, %broadcast_in_dim3A_193, %broadcast_in_dim3A_209, %broadcast_in_dim3A_225, %broadcast_in_dim3A_241, %broadcast_in_dim3A_257, %broadcast_in_dim3A_273 in 1 : vector<256x1xi32>, vector<256x1xi32>, vector<256x1xi32>, vector<256x1xi32>, vector<256x1xi32>, vector<256x1xi32>, vector<256x1xi32>, vector<256x1xi32>, vector<256x1xi32>, vector<256x1xi32>, vector<256x1xi32>, vector<256x1xi32>, vector<256x1xi32>, vector<256x1xi32>, vector<256x1xi32>, vector<256x1xi32> -> vector<256x16xi32>
    %swap3A = arith.constant 0 : index
    %swap3A_274 = arith.constant 0 : index
    %swap3A_275 = vector.load %arg3[%swap3A, %swap3A_274] : memref<256x16xi32, #tpu.memory_space<vmem>>, vector<256x16xi32>
    tpu.vector_store %arg3[%swap3A, %swap3A_274], %concatenate3A {strides = array<i32>} : memref<256x16xi32, #tpu.memory_space<vmem>>, vector<256x16xi32>,
    return
  }
  func.func @transform_0(%arg0: i32) -> (i32, i32) {
    %c0_i32 = arith.constant 0 : i32
    %c0_i32_0 = arith.constant 0 : i32
    return %arg0, %c0_i32 : i32, i32
  }
  func.func @transform_1(%arg0: i32) -> (i32, i32) {
    %c0_i32 = arith.constant 0 : i32
    %c0_i32_0 = arith.constant 0 : i32
    %c0_i32_1 = arith.constant 0 : i32
    return %c0_i32, %c0_i32_0 : i32, i32
  }
  func.func @transform_2(%arg0: i32) -> (i32, i32) {
    %c0_i32 = arith.constant 0 : i32
    %c0_i32_0 = arith.constant 0 : i32
    return %arg0, %c0_i32 : i32, i32
  }
}

module attributes {stable_mosaic.version = 14 : i64} {
  func.func @_edge_pm_kernel(%arg0: i32, %arg1: memref<32x40x3xf32, #tpu.memory_space<vmem>>, %arg2: memref<40x3xf32, #tpu.memory_space<vmem>>, %arg3: memref<1x3xf32, #tpu.memory_space<vmem>>, %arg4: memref<1x3xf32, #tpu.memory_space<vmem>>, %arg5: memref<1x3xf32, #tpu.memory_space<vmem>>, %arg6: memref<1x3xf32, #tpu.memory_space<vmem>>) attributes {dimension_semantics = [#tpu.dimension_semantics<arbitrary>], iteration_bounds = array<i64: 125>, scalar_prefetch = 0 : i64, scratch_operands = 0 : i64, tpu.core_type = #tpu.core_type<tc>, window_params = [{transform_indices = @transform_0, window_bounds = array<i64: 32, 40, 3>}, {transform_indices = @transform_1, window_bounds = array<i64: 40, 3>}, {pipeline_mode = #tpu.pipeline_mode<synchronous>, transform_indices = @transform_2, window_bounds = array<i64: 1, 3>}, {pipeline_mode = #tpu.pipeline_mode<synchronous>, transform_indices = @transform_3, window_bounds = array<i64: 1, 3>}, {pipeline_mode = #tpu.pipeline_mode<synchronous>, transform_indices = @transform_4, window_bounds = array<i64: 1, 3>}, {pipeline_mode = #tpu.pipeline_mode<synchronous>, transform_indices = @transform_5, window_bounds = array<i64: 1, 3>}]} {
    %get3A = arith.constant 0 : index
    %get3A_0 = arith.constant 0 : index
    %get3A_1 = vector.load %arg2[%get3A, %get3A_0] : memref<40x3xf32, #tpu.memory_space<vmem>>, vector<40x3xf32>
    %broadcast_in_dim3A = vector.shape_cast %get3A_1 : vector<40x3xf32> to vector<1x40x3xf32>
    %broadcast_in_dim3A_2 = vector.shape_cast %broadcast_in_dim3A : vector<1x40x3xf32> to vector<1x40x3xf32>
    %broadcast_in_dim3A_3 = vector.broadcast %broadcast_in_dim3A_2 : vector<1x40x3xf32> to vector<32x40x3xf32>
    %get3A_4 = arith.constant 0 : index
    %get3A_5 = arith.constant 0 : index
    %get3A_6 = arith.constant 0 : index
    %get3A_7 = vector.load %arg1[%get3A_4, %get3A_5, %get3A_6] : memref<32x40x3xf32, #tpu.memory_space<vmem>>, vector<32x40x3xf32>
    %sub3A = arith.subf %broadcast_in_dim3A_3, %get3A_7 : vector<32x40x3xf32>
    %reduce_sum3A = arith.constant dense<0.000000e+00> : vector<3xf32>
    %reduce_sum3A_8 = vector.multi_reduction <add>, %sub3A, %reduce_sum3A [0, 1] : vector<32x40x3xf32> to vector<3xf32>
    %reshape3A = vector.shape_cast %reduce_sum3A_8 : vector<3xf32> to vector<1x3xf32>
    %slice3A = vector.extract_strided_slice %sub3A {offsets = [0, 0, 0], sizes = [32, 40, 1], strides = [1, 1, 1]} : vector<32x40x3xf32> to vector<32x40x1xf32>
    %mul3A = vector.broadcast %slice3A : vector<32x40x1xf32> to vector<32x40x3xf32>
    %mul3A_9 = arith.mulf %sub3A, %mul3A : vector<32x40x3xf32>
    %reduce_sum3A_10 = arith.constant dense<0.000000e+00> : vector<3xf32>
    %reduce_sum3A_11 = vector.multi_reduction <add>, %mul3A_9, %reduce_sum3A_10 [0, 1] : vector<32x40x3xf32> to vector<3xf32>
    %reshape3A_12 = vector.shape_cast %reduce_sum3A_11 : vector<3xf32> to vector<1x3xf32>
    %slice3A_13 = vector.extract_strided_slice %sub3A {offsets = [0, 0, 1], sizes = [32, 40, 1], strides = [1, 1, 1]} : vector<32x40x3xf32> to vector<32x40x1xf32>
    %mul3A_14 = vector.broadcast %slice3A_13 : vector<32x40x1xf32> to vector<32x40x3xf32>
    %mul3A_15 = arith.mulf %sub3A, %mul3A_14 : vector<32x40x3xf32>
    %reduce_sum3A_16 = arith.constant dense<0.000000e+00> : vector<3xf32>
    %reduce_sum3A_17 = vector.multi_reduction <add>, %mul3A_15, %reduce_sum3A_16 [0, 1] : vector<32x40x3xf32> to vector<3xf32>
    %reshape3A_18 = vector.shape_cast %reduce_sum3A_17 : vector<3xf32> to vector<1x3xf32>
    %slice3A_19 = vector.extract_strided_slice %sub3A {offsets = [0, 0, 2], sizes = [32, 40, 1], strides = [1, 1, 1]} : vector<32x40x3xf32> to vector<32x40x1xf32>
    %mul3A_20 = vector.broadcast %slice3A_19 : vector<32x40x1xf32> to vector<32x40x3xf32>
    %mul3A_21 = arith.mulf %sub3A, %mul3A_20 : vector<32x40x3xf32>
    %reduce_sum3A_22 = arith.constant dense<0.000000e+00> : vector<3xf32>
    %reduce_sum3A_23 = vector.multi_reduction <add>, %mul3A_21, %reduce_sum3A_22 [0, 1] : vector<32x40x3xf32> to vector<3xf32>
    %reshape3A_24 = vector.shape_cast %reduce_sum3A_23 : vector<3xf32> to vector<1x3xf32>
    %eq3A = arith.constant 0 : i32
    %eq3A_25 = arith.cmpi eq, %arg0, %eq3A : i32
    %convert_element_type3A = arith.extui %eq3A_25 : i1 to i32
    %cond3A = arith.constant 0 : i32
    %cond3A_26 = arith.cmpi ne, %convert_element_type3A, %cond3A : i32
    scf.if %cond3A_26 {
      %swap3A = arith.constant 0 : index
      %swap3A_61 = arith.constant 0 : index
      %swap3A_62 = vector.load %arg3[%swap3A, %swap3A_61] : memref<1x3xf32, #tpu.memory_space<vmem>>, vector<1x3xf32>
      tpu.vector_store %arg3[%swap3A, %swap3A_61], %reshape3A {strides = array<i32>} : memref<1x3xf32, #tpu.memory_space<vmem>>, vector<1x3xf32>,
    } else {
    }
    %gt3A = arith.constant 0 : i32
    %gt3A_27 = arith.cmpi sgt, %arg0, %gt3A : i32
    %convert_element_type3A_28 = arith.extui %gt3A_27 : i1 to i32
    %cond3A_29 = arith.constant 0 : i32
    %cond3A_30 = arith.cmpi ne, %convert_element_type3A_28, %cond3A_29 : i32
    scf.if %cond3A_30 {
      %get3A_61 = arith.constant 0 : index
      %get3A_62 = arith.constant 0 : index
      %get3A_63 = vector.load %arg3[%get3A_61, %get3A_62] : memref<1x3xf32, #tpu.memory_space<vmem>>, vector<1x3xf32>
      %add3A = arith.addf %get3A_63, %reshape3A : vector<1x3xf32>
      %swap3A = arith.constant 0 : index
      %swap3A_64 = arith.constant 0 : index
      %swap3A_65 = vector.load %arg3[%swap3A, %swap3A_64] : memref<1x3xf32, #tpu.memory_space<vmem>>, vector<1x3xf32>
      tpu.vector_store %arg3[%swap3A, %swap3A_64], %add3A {strides = array<i32>} : memref<1x3xf32, #tpu.memory_space<vmem>>, vector<1x3xf32>,
    } else {
    }
    %eq3A_31 = arith.constant 0 : i32
    %eq3A_32 = arith.cmpi eq, %arg0, %eq3A_31 : i32
    %convert_element_type3A_33 = arith.extui %eq3A_32 : i1 to i32
    %cond3A_34 = arith.constant 0 : i32
    %cond3A_35 = arith.cmpi ne, %convert_element_type3A_33, %cond3A_34 : i32
    scf.if %cond3A_35 {
      %swap3A = arith.constant 0 : index
      %swap3A_61 = arith.constant 0 : index
      %swap3A_62 = vector.load %arg4[%swap3A, %swap3A_61] : memref<1x3xf32, #tpu.memory_space<vmem>>, vector<1x3xf32>
      tpu.vector_store %arg4[%swap3A, %swap3A_61], %reshape3A_12 {strides = array<i32>} : memref<1x3xf32, #tpu.memory_space<vmem>>, vector<1x3xf32>,
    } else {
    }
    %gt3A_36 = arith.constant 0 : i32
    %gt3A_37 = arith.cmpi sgt, %arg0, %gt3A_36 : i32
    %convert_element_type3A_38 = arith.extui %gt3A_37 : i1 to i32
    %cond3A_39 = arith.constant 0 : i32
    %cond3A_40 = arith.cmpi ne, %convert_element_type3A_38, %cond3A_39 : i32
    scf.if %cond3A_40 {
      %get3A_61 = arith.constant 0 : index
      %get3A_62 = arith.constant 0 : index
      %get3A_63 = vector.load %arg4[%get3A_61, %get3A_62] : memref<1x3xf32, #tpu.memory_space<vmem>>, vector<1x3xf32>
      %add3A = arith.addf %get3A_63, %reshape3A_12 : vector<1x3xf32>
      %swap3A = arith.constant 0 : index
      %swap3A_64 = arith.constant 0 : index
      %swap3A_65 = vector.load %arg4[%swap3A, %swap3A_64] : memref<1x3xf32, #tpu.memory_space<vmem>>, vector<1x3xf32>
      tpu.vector_store %arg4[%swap3A, %swap3A_64], %add3A {strides = array<i32>} : memref<1x3xf32, #tpu.memory_space<vmem>>, vector<1x3xf32>,
    } else {
    }
    %eq3A_41 = arith.constant 0 : i32
    %eq3A_42 = arith.cmpi eq, %arg0, %eq3A_41 : i32
    %convert_element_type3A_43 = arith.extui %eq3A_42 : i1 to i32
    %cond3A_44 = arith.constant 0 : i32
    %cond3A_45 = arith.cmpi ne, %convert_element_type3A_43, %cond3A_44 : i32
    scf.if %cond3A_45 {
      %swap3A = arith.constant 0 : index
      %swap3A_61 = arith.constant 0 : index
      %swap3A_62 = vector.load %arg5[%swap3A, %swap3A_61] : memref<1x3xf32, #tpu.memory_space<vmem>>, vector<1x3xf32>
      tpu.vector_store %arg5[%swap3A, %swap3A_61], %reshape3A_18 {strides = array<i32>} : memref<1x3xf32, #tpu.memory_space<vmem>>, vector<1x3xf32>,
    } else {
    }
    %gt3A_46 = arith.constant 0 : i32
    %gt3A_47 = arith.cmpi sgt, %arg0, %gt3A_46 : i32
    %convert_element_type3A_48 = arith.extui %gt3A_47 : i1 to i32
    %cond3A_49 = arith.constant 0 : i32
    %cond3A_50 = arith.cmpi ne, %convert_element_type3A_48, %cond3A_49 : i32
    scf.if %cond3A_50 {
      %get3A_61 = arith.constant 0 : index
      %get3A_62 = arith.constant 0 : index
      %get3A_63 = vector.load %arg5[%get3A_61, %get3A_62] : memref<1x3xf32, #tpu.memory_space<vmem>>, vector<1x3xf32>
      %add3A = arith.addf %get3A_63, %reshape3A_18 : vector<1x3xf32>
      %swap3A = arith.constant 0 : index
      %swap3A_64 = arith.constant 0 : index
      %swap3A_65 = vector.load %arg5[%swap3A, %swap3A_64] : memref<1x3xf32, #tpu.memory_space<vmem>>, vector<1x3xf32>
      tpu.vector_store %arg5[%swap3A, %swap3A_64], %add3A {strides = array<i32>} : memref<1x3xf32, #tpu.memory_space<vmem>>, vector<1x3xf32>,
    } else {
    }
    %eq3A_51 = arith.constant 0 : i32
    %eq3A_52 = arith.cmpi eq, %arg0, %eq3A_51 : i32
    %convert_element_type3A_53 = arith.extui %eq3A_52 : i1 to i32
    %cond3A_54 = arith.constant 0 : i32
    %cond3A_55 = arith.cmpi ne, %convert_element_type3A_53, %cond3A_54 : i32
    scf.if %cond3A_55 {
      %swap3A = arith.constant 0 : index
      %swap3A_61 = arith.constant 0 : index
      %swap3A_62 = vector.load %arg6[%swap3A, %swap3A_61] : memref<1x3xf32, #tpu.memory_space<vmem>>, vector<1x3xf32>
      tpu.vector_store %arg6[%swap3A, %swap3A_61], %reshape3A_24 {strides = array<i32>} : memref<1x3xf32, #tpu.memory_space<vmem>>, vector<1x3xf32>,
    } else {
    }
    %gt3A_56 = arith.constant 0 : i32
    %gt3A_57 = arith.cmpi sgt, %arg0, %gt3A_56 : i32
    %convert_element_type3A_58 = arith.extui %gt3A_57 : i1 to i32
    %cond3A_59 = arith.constant 0 : i32
    %cond3A_60 = arith.cmpi ne, %convert_element_type3A_58, %cond3A_59 : i32
    scf.if %cond3A_60 {
      %get3A_61 = arith.constant 0 : index
      %get3A_62 = arith.constant 0 : index
      %get3A_63 = vector.load %arg6[%get3A_61, %get3A_62] : memref<1x3xf32, #tpu.memory_space<vmem>>, vector<1x3xf32>
      %add3A = arith.addf %get3A_63, %reshape3A_24 : vector<1x3xf32>
      %swap3A = arith.constant 0 : index
      %swap3A_64 = arith.constant 0 : index
      %swap3A_65 = vector.load %arg6[%swap3A, %swap3A_64] : memref<1x3xf32, #tpu.memory_space<vmem>>, vector<1x3xf32>
      tpu.vector_store %arg6[%swap3A, %swap3A_64], %add3A {strides = array<i32>} : memref<1x3xf32, #tpu.memory_space<vmem>>, vector<1x3xf32>,
    } else {
    }
    return
  }
  func.func @transform_0(%arg0: i32) -> (i32, i32, i32) {
    %c0_i32 = arith.constant 0 : i32
    %c0_i32_0 = arith.constant 0 : i32
    %c0_i32_1 = arith.constant 0 : i32
    return %c0_i32, %arg0, %c0_i32_0 : i32, i32, i32
  }
  func.func @transform_1(%arg0: i32) -> (i32, i32) {
    %c0_i32 = arith.constant 0 : i32
    %c0_i32_0 = arith.constant 0 : i32
    return %arg0, %c0_i32 : i32, i32
  }
  func.func @transform_2(%arg0: i32) -> (i32, i32) {
    %c0_i32 = arith.constant 0 : i32
    %c0_i32_0 = arith.constant 0 : i32
    %c0_i32_1 = arith.constant 0 : i32
    return %c0_i32, %c0_i32_0 : i32, i32
  }
  func.func @transform_3(%arg0: i32) -> (i32, i32) {
    %c0_i32 = arith.constant 0 : i32
    %c0_i32_0 = arith.constant 0 : i32
    %c0_i32_1 = arith.constant 0 : i32
    return %c0_i32, %c0_i32_0 : i32, i32
  }
  func.func @transform_4(%arg0: i32) -> (i32, i32) {
    %c0_i32 = arith.constant 0 : i32
    %c0_i32_0 = arith.constant 0 : i32
    %c0_i32_1 = arith.constant 0 : i32
    return %c0_i32, %c0_i32_0 : i32, i32
  }
  func.func @transform_5(%arg0: i32) -> (i32, i32) {
    %c0_i32 = arith.constant 0 : i32
    %c0_i32_0 = arith.constant 0 : i32
    %c0_i32_1 = arith.constant 0 : i32
    return %c0_i32, %c0_i32_0 : i32, i32
  }
}

module attributes {stable_mosaic.version = 14 : i64} {
  func.func @_edge_p2_kernel(%arg0: i32, %arg1: memref<32x40x3xf32, #tpu.memory_space<vmem>>, %arg2: memref<40x3xf32, #tpu.memory_space<vmem>>, %arg3: memref<1x3xf32, #tpu.memory_space<vmem>>, %arg4: memref<1x3xf32, #tpu.memory_space<vmem>>, %arg5: memref<1x3xf32, #tpu.memory_space<vmem>>, %arg6: memref<1x3xf32, #tpu.memory_space<vmem>>, %arg7: memref<3x256xf32, #tpu.memory_space<vmem>>, %arg8: memref<1x256xf32, #tpu.memory_space<vmem>>, %arg9: memref<1x256xf32, #tpu.memory_space<vmem>>, %arg10: memref<1x256xf32, #tpu.memory_space<vmem>>, %arg11: memref<256x256xf32, #tpu.memory_space<vmem>>, %arg12: memref<1x256xf32, #tpu.memory_space<vmem>>, %arg13: memref<32x40x256xf32, #tpu.memory_space<vmem>>, %arg14: memref<1x256xf32, #tpu.memory_space<vmem>>, %arg15: memref<1x256xf32, #tpu.memory_space<vmem>>) attributes {dimension_semantics = [#tpu.dimension_semantics<arbitrary>], iteration_bounds = array<i64: 125>, scalar_prefetch = 0 : i64, scratch_operands = 0 : i64, tpu.core_type = #tpu.core_type<tc>, window_params = [{transform_indices = @transform_0, window_bounds = array<i64: 32, 40, 3>}, {transform_indices = @transform_1, window_bounds = array<i64: 40, 3>}, {pipeline_mode = #tpu.pipeline_mode<synchronous>, transform_indices = @transform_2, window_bounds = array<i64: 1, 3>}, {pipeline_mode = #tpu.pipeline_mode<synchronous>, transform_indices = @transform_3, window_bounds = array<i64: 1, 3>}, {pipeline_mode = #tpu.pipeline_mode<synchronous>, transform_indices = @transform_4, window_bounds = array<i64: 1, 3>}, {pipeline_mode = #tpu.pipeline_mode<synchronous>, transform_indices = @transform_5, window_bounds = array<i64: 1, 3>}, {pipeline_mode = #tpu.pipeline_mode<synchronous>, transform_indices = @transform_6, window_bounds = array<i64: 3, 256>}, {pipeline_mode = #tpu.pipeline_mode<synchronous>, transform_indices = @transform_7, window_bounds = array<i64: 1, 256>}, {pipeline_mode = #tpu.pipeline_mode<synchronous>, transform_indices = @transform_8, window_bounds = array<i64: 1, 256>}, {pipeline_mode = #tpu.pipeline_mode<synchronous>, transform_indices = @transform_9, window_bounds = array<i64: 1, 256>}, {pipeline_mode = #tpu.pipeline_mode<synchronous>, transform_indices = @transform_10, window_bounds = array<i64: 256, 256>}, {pipeline_mode = #tpu.pipeline_mode<synchronous>, transform_indices = @transform_11, window_bounds = array<i64: 1, 256>}, {transform_indices = @transform_12, window_bounds = array<i64: 32, 40, 256>}, {pipeline_mode = #tpu.pipeline_mode<synchronous>, transform_indices = @transform_13, window_bounds = array<i64: 1, 256>}, {pipeline_mode = #tpu.pipeline_mode<synchronous>, transform_indices = @transform_14, window_bounds = array<i64: 1, 256>}]} {
    %get3A = arith.constant 0 : index
    %get3A_0 = arith.constant 0 : index
    %get3A_1 = vector.load %arg7[%get3A, %get3A_0] : memref<3x256xf32, #tpu.memory_space<vmem>>, vector<3x256xf32>
    %get3A_2 = arith.constant 0 : index
    %get3A_3 = arith.constant 0 : index
    %get3A_4 = vector.load %arg8[%get3A_2, %get3A_3] : memref<1x256xf32, #tpu.memory_space<vmem>>, vector<1x256xf32>
    %get3A_5 = arith.constant 0 : index
    %get3A_6 = arith.constant 0 : index
    %get3A_7 = vector.load %arg3[%get3A_5, %get3A_6] : memref<1x3xf32, #tpu.memory_space<vmem>>, vector<1x3xf32>
    %dot_general3A = arith.constant dense<0.000000e+00> : vector<1x256xf32>
    %dot_general3A_8 = tpu.matmul %get3A_7, %get3A_1, %dot_general3A {dimension_numbers = #tpu.dot_dimension_numbers<[1], [0], [0], [1], [0, 0, 1, 1], [], []>, transpose_lhs_hint = false} : vector<1x3xf32>, vector<3x256xf32>, vector<1x256xf32> -> vector<1x256xf32>
    %mul3A = arith.constant 1.600000e+05 : f32
    %mul3A_9 = vector.broadcast %mul3A : f32 to vector<1x256xf32>
    %mul3A_10 = arith.mulf %mul3A_9, %get3A_4 : vector<1x256xf32>
    %add3A = arith.addf %dot_general3A_8, %mul3A_10 : vector<1x256xf32>
    %get3A_11 = arith.constant 0 : index
    %get3A_12 = arith.constant 0 : index
    %get3A_13 = vector.load %arg4[%get3A_11, %get3A_12] : memref<1x3xf32, #tpu.memory_space<vmem>>, vector<1x3xf32>
    %dot_general3A_14 = arith.constant dense<0.000000e+00> : vector<1x256xf32>
    %dot_general3A_15 = tpu.matmul %get3A_13, %get3A_1, %dot_general3A_14 {dimension_numbers = #tpu.dot_dimension_numbers<[1], [0], [0], [1], [0, 0, 1, 1], [], []>, transpose_lhs_hint = false} : vector<1x3xf32>, vector<3x256xf32>, vector<1x256xf32> -> vector<1x256xf32>
    %get3A_16 = arith.constant 0 : index
    %get3A_17 = arith.constant 0 : index
    %get3A_18 = vector.load %arg5[%get3A_16, %get3A_17] : memref<1x3xf32, #tpu.memory_space<vmem>>, vector<1x3xf32>
    %dot_general3A_19 = arith.constant dense<0.000000e+00> : vector<1x256xf32>
    %dot_general3A_20 = tpu.matmul %get3A_18, %get3A_1, %dot_general3A_19 {dimension_numbers = #tpu.dot_dimension_numbers<[1], [0], [0], [1], [0, 0, 1, 1], [], []>, transpose_lhs_hint = false} : vector<1x3xf32>, vector<3x256xf32>, vector<1x256xf32> -> vector<1x256xf32>
    %get3A_21 = arith.constant 0 : index
    %get3A_22 = arith.constant 0 : index
    %get3A_23 = vector.load %arg6[%get3A_21, %get3A_22] : memref<1x3xf32, #tpu.memory_space<vmem>>, vector<1x3xf32>
    %dot_general3A_24 = arith.constant dense<0.000000e+00> : vector<1x256xf32>
    %dot_general3A_25 = tpu.matmul %get3A_23, %get3A_1, %dot_general3A_24 {dimension_numbers = #tpu.dot_dimension_numbers<[1], [0], [0], [1], [0, 0, 1, 1], [], []>, transpose_lhs_hint = false} : vector<1x3xf32>, vector<3x256xf32>, vector<1x256xf32> -> vector<1x256xf32>
    %slice3A = vector.extract_strided_slice %get3A_1 {offsets = [0, 0], sizes = [1, 256], strides = [1, 1]} : vector<3x256xf32> to vector<1x256xf32>
    %mul3A_26 = arith.mulf %slice3A, %dot_general3A_15 : vector<1x256xf32>
    %slice3A_27 = vector.extract_strided_slice %get3A_1 {offsets = [1, 0], sizes = [1, 256], strides = [1, 1]} : vector<3x256xf32> to vector<1x256xf32>
    %mul3A_28 = arith.mulf %slice3A_27, %dot_general3A_20 : vector<1x256xf32>
    %add3A_29 = arith.addf %mul3A_26, %mul3A_28 : vector<1x256xf32>
    %slice3A_30 = vector.extract_strided_slice %get3A_1 {offsets = [2, 0], sizes = [1, 256], strides = [1, 1]} : vector<3x256xf32> to vector<1x256xf32>
    %mul3A_31 = arith.mulf %slice3A_30, %dot_general3A_25 : vector<1x256xf32>
    %add3A_32 = arith.addf %add3A_29, %mul3A_31 : vector<1x256xf32>
    %mul3A_33 = arith.constant 2.000000e+00 : f32
    %mul3A_34 = vector.broadcast %mul3A_33 : f32 to vector<1x256xf32>
    %mul3A_35 = arith.mulf %mul3A_34, %get3A_4 : vector<1x256xf32>
    %mul3A_36 = arith.constant 1.600000e+05 : f32
    %mul3A_37 = vector.broadcast %mul3A_36 : f32 to vector<1x256xf32>
    %mul3A_38 = arith.mulf %mul3A_37, %get3A_4 : vector<1x256xf32>
    %sub3A = arith.subf %add3A, %mul3A_38 : vector<1x256xf32>
    %mul3A_39 = arith.mulf %mul3A_35, %sub3A : vector<1x256xf32>
    %add3A_40 = arith.addf %add3A_32, %mul3A_39 : vector<1x256xf32>
    %mul3A_41 = arith.constant 1.600000e+05 : f32
    %mul3A_42 = vector.broadcast %mul3A_41 : f32 to vector<1x256xf32>
    %mul3A_43 = arith.mulf %mul3A_42, %get3A_4 : vector<1x256xf32>
    %mul3A_44 = arith.mulf %mul3A_43, %get3A_4 : vector<1x256xf32>
    %add3A_45 = arith.addf %add3A_40, %mul3A_44 : vector<1x256xf32>
    %get3A_46 = arith.constant 0 : index
    %get3A_47 = arith.constant 0 : index
    %get3A_48 = vector.load %arg2[%get3A_46, %get3A_47] : memref<40x3xf32, #tpu.memory_space<vmem>>, vector<40x3xf32>
    %broadcast_in_dim3A = vector.shape_cast %get3A_48 : vector<40x3xf32> to vector<1x40x3xf32>
    %broadcast_in_dim3A_49 = vector.shape_cast %broadcast_in_dim3A : vector<1x40x3xf32> to vector<1x40x3xf32>
    %broadcast_in_dim3A_50 = vector.broadcast %broadcast_in_dim3A_49 : vector<1x40x3xf32> to vector<32x40x3xf32>
    %get3A_51 = arith.constant 0 : index
    %get3A_52 = arith.constant 0 : index
    %get3A_53 = arith.constant 0 : index
    %get3A_54 = vector.load %arg1[%get3A_51, %get3A_52, %get3A_53] : memref<32x40x3xf32, #tpu.memory_space<vmem>>, vector<32x40x3xf32>
    %sub3A_55 = arith.subf %broadcast_in_dim3A_50, %get3A_54 : vector<32x40x3xf32>
    %reshape3A = vector.shape_cast %sub3A_55 : vector<32x40x3xf32> to vector<1280x3xf32>
    %dot_general3A_56 = arith.constant dense<0.000000e+00> : vector<1280x256xf32>
    %dot_general3A_57 = tpu.matmul %reshape3A, %get3A_1, %dot_general3A_56 {dimension_numbers = #tpu.dot_dimension_numbers<[1], [0], [0], [1], [0, 0, 1, 1], [], []>, transpose_lhs_hint = false} : vector<1280x3xf32>, vector<3x256xf32>, vector<1280x256xf32> -> vector<1280x256xf32>
    %add3A_58 = vector.broadcast %get3A_4 : vector<1x256xf32> to vector<1280x256xf32>
    %add3A_59 = arith.addf %dot_general3A_57, %add3A_58 : vector<1280x256xf32>
    %reshape3A_60 = vector.shape_cast %add3A_59 : vector<1280x256xf32> to vector<32x40x256xf32>
    %get3A_61 = arith.constant 0 : index
    %get3A_62 = arith.constant 0 : index
    %get3A_63 = vector.load %arg9[%get3A_61, %get3A_62] : memref<1x256xf32, #tpu.memory_space<vmem>>, vector<1x256xf32>
    %get3A_64 = arith.constant 0 : index
    %get3A_65 = arith.constant 0 : index
    %get3A_66 = vector.load %arg10[%get3A_64, %get3A_65] : memref<1x256xf32, #tpu.memory_space<vmem>>, vector<1x256xf32>
    %div3A = arith.constant 1.600000e+05 : f32
    %div3A_67 = vector.broadcast %div3A : f32 to vector<1x256xf32>
    %div3A_68 = arith.divf %add3A, %div3A_67 : vector<1x256xf32>
    %div3A_69 = arith.constant 1.600000e+05 : f32
    %div3A_70 = vector.broadcast %div3A_69 : f32 to vector<1x256xf32>
    %div3A_71 = arith.divf %add3A_45, %div3A_70 : vector<1x256xf32>
    %mul3A_72 = arith.mulf %div3A_68, %div3A_68 : vector<1x256xf32>
    %sub3A_73 = arith.subf %div3A_71, %mul3A_72 : vector<1x256xf32>
    %broadcast_in_dim3A_74 = vector.shape_cast %div3A_68 : vector<1x256xf32> to vector<1x1x256xf32>
    %sub3A_75 = vector.broadcast %broadcast_in_dim3A_74 : vector<1x1x256xf32> to vector<32x40x256xf32>
    %sub3A_76 = arith.subf %reshape3A_60, %sub3A_75 : vector<32x40x256xf32>
    %add3A_77 = arith.constant 9.99999974E-6 : f32
    %add3A_78 = vector.broadcast %add3A_77 : f32 to vector<1x256xf32>
    %add3A_79 = arith.addf %sub3A_73, %add3A_78 : vector<1x256xf32>
    %sqrt3A = math.sqrt %add3A_79 : vector<1x256xf32>
    %broadcast_in_dim3A_80 = vector.shape_cast %sqrt3A : vector<1x256xf32> to vector<1x1x256xf32>
    %div3A_81 = vector.broadcast %broadcast_in_dim3A_80 : vector<1x1x256xf32> to vector<32x40x256xf32>
    %div3A_82 = arith.divf %sub3A_76, %div3A_81 : vector<32x40x256xf32>
    %broadcast_in_dim3A_83 = vector.shape_cast %get3A_63 : vector<1x256xf32> to vector<1x1x256xf32>
    %mul3A_84 = vector.broadcast %broadcast_in_dim3A_83 : vector<1x1x256xf32> to vector<32x40x256xf32>
    %mul3A_85 = arith.mulf %div3A_82, %mul3A_84 : vector<32x40x256xf32>
    %broadcast_in_dim3A_86 = vector.shape_cast %get3A_66 : vector<1x256xf32> to vector<1x1x256xf32>
    %add3A_87 = vector.broadcast %broadcast_in_dim3A_86 : vector<1x1x256xf32> to vector<32x40x256xf32>
    %add3A_88 = arith.addf %mul3A_85, %add3A_87 : vector<32x40x256xf32>
    %max3A = arith.constant 0.000000e+00 : f32
    %max3A_89 = vector.broadcast %max3A : f32 to vector<32x40x256xf32>
    %max3A_90 = arith.maximumf %add3A_88, %max3A_89 : vector<32x40x256xf32>
    %reshape3A_91 = vector.shape_cast %max3A_90 : vector<32x40x256xf32> to vector<1280x256xf32>
    %get3A_92 = arith.constant 0 : index
    %get3A_93 = arith.constant 0 : index
    %get3A_94 = vector.load %arg11[%get3A_92, %get3A_93] : memref<256x256xf32, #tpu.memory_space<vmem>>, vector<256x256xf32>
    %dot_general3A_95 = arith.constant dense<0.000000e+00> : vector<1280x256xf32>
    %dot_general3A_96 = tpu.matmul %reshape3A_91, %get3A_94, %dot_general3A_95 {dimension_numbers = #tpu.dot_dimension_numbers<[1], [0], [0], [1], [0, 0, 1, 1], [], []>, transpose_lhs_hint = false} : vector<1280x256xf32>, vector<256x256xf32>, vector<1280x256xf32> -> vector<1280x256xf32>
    %get3A_97 = arith.constant 0 : index
    %get3A_98 = arith.constant 0 : index
    %get3A_99 = vector.load %arg12[%get3A_97, %get3A_98] : memref<1x256xf32, #tpu.memory_space<vmem>>, vector<1x256xf32>
    %add3A_100 = vector.broadcast %get3A_99 : vector<1x256xf32> to vector<1280x256xf32>
    %add3A_101 = arith.addf %dot_general3A_96, %add3A_100 : vector<1280x256xf32>
    %reshape3A_102 = vector.shape_cast %add3A_101 : vector<1280x256xf32> to vector<32x40x256xf32>
    %swap3A = arith.constant 0 : index
    %swap3A_103 = arith.constant 0 : index
    %swap3A_104 = arith.constant 0 : index
    %swap3A_105 = vector.load %arg13[%swap3A, %swap3A_103, %swap3A_104] : memref<32x40x256xf32, #tpu.memory_space<vmem>>, vector<32x40x256xf32>
    tpu.vector_store %arg13[%swap3A, %swap3A_103, %swap3A_104], %reshape3A_102 {strides = array<i32>} : memref<32x40x256xf32, #tpu.memory_space<vmem>>, vector<32x40x256xf32>,
    %get3A_106 = arith.constant 0 : index
    %get3A_107 = arith.constant 0 : index
    %get3A_108 = arith.constant 0 : index
    %get3A_109 = vector.load %arg13[%get3A_106, %get3A_107, %get3A_108] : memref<32x40x256xf32, #tpu.memory_space<vmem>>, vector<32x40x256xf32>
    %reduce_sum3A = arith.constant dense<0.000000e+00> : vector<256xf32>
    %reduce_sum3A_110 = vector.multi_reduction <add>, %get3A_109, %reduce_sum3A [0, 1] : vector<32x40x256xf32> to vector<256xf32>
    %reshape3A_111 = vector.shape_cast %reduce_sum3A_110 : vector<256xf32> to vector<1x256xf32>
    %mul3A_112 = arith.mulf %get3A_109, %get3A_109 : vector<32x40x256xf32>
    %reduce_sum3A_113 = arith.constant dense<0.000000e+00> : vector<256xf32>
    %reduce_sum3A_114 = vector.multi_reduction <add>, %mul3A_112, %reduce_sum3A_113 [0, 1] : vector<32x40x256xf32> to vector<256xf32>
    %reshape3A_115 = vector.shape_cast %reduce_sum3A_114 : vector<256xf32> to vector<1x256xf32>
    %eq3A = arith.constant 0 : i32
    %eq3A_116 = arith.cmpi eq, %arg0, %eq3A : i32
    %convert_element_type3A = arith.extui %eq3A_116 : i1 to i32
    %cond3A = arith.constant 0 : i32
    %cond3A_117 = arith.cmpi ne, %convert_element_type3A, %cond3A : i32
    scf.if %cond3A_117 {
      %swap3A_122 = arith.constant 0 : index
      %swap3A_123 = arith.constant 0 : index
      %swap3A_124 = vector.load %arg14[%swap3A_122, %swap3A_123] : memref<1x256xf32, #tpu.memory_space<vmem>>, vector<1x256xf32>
      tpu.vector_store %arg14[%swap3A_122, %swap3A_123], %reshape3A_111 {strides = array<i32>} : memref<1x256xf32, #tpu.memory_space<vmem>>, vector<1x256xf32>,
      %swap3A_125 = arith.constant 0 : index
      %swap3A_126 = arith.constant 0 : index
      %swap3A_127 = vector.load %arg15[%swap3A_125, %swap3A_126] : memref<1x256xf32, #tpu.memory_space<vmem>>, vector<1x256xf32>
      tpu.vector_store %arg15[%swap3A_125, %swap3A_126], %reshape3A_115 {strides = array<i32>} : memref<1x256xf32, #tpu.memory_space<vmem>>, vector<1x256xf32>,
    } else {
    }
    %gt3A = arith.constant 0 : i32
    %gt3A_118 = arith.cmpi sgt, %arg0, %gt3A : i32
    %convert_element_type3A_119 = arith.extui %gt3A_118 : i1 to i32
    %cond3A_120 = arith.constant 0 : i32
    %cond3A_121 = arith.cmpi ne, %convert_element_type3A_119, %cond3A_120 : i32
    scf.if %cond3A_121 {
      %get3A_122 = arith.constant 0 : index
      %get3A_123 = arith.constant 0 : index
      %get3A_124 = vector.load %arg14[%get3A_122, %get3A_123] : memref<1x256xf32, #tpu.memory_space<vmem>>, vector<1x256xf32>
      %add3A_125 = arith.addf %get3A_124, %reshape3A_111 : vector<1x256xf32>
      %swap3A_126 = arith.constant 0 : index
      %swap3A_127 = arith.constant 0 : index
      %swap3A_128 = vector.load %arg14[%swap3A_126, %swap3A_127] : memref<1x256xf32, #tpu.memory_space<vmem>>, vector<1x256xf32>
      tpu.vector_store %arg14[%swap3A_126, %swap3A_127], %add3A_125 {strides = array<i32>} : memref<1x256xf32, #tpu.memory_space<vmem>>, vector<1x256xf32>,
      %get3A_129 = arith.constant 0 : index
      %get3A_130 = arith.constant 0 : index
      %get3A_131 = vector.load %arg15[%get3A_129, %get3A_130] : memref<1x256xf32, #tpu.memory_space<vmem>>, vector<1x256xf32>
      %add3A_132 = arith.addf %get3A_131, %reshape3A_115 : vector<1x256xf32>
      %swap3A_133 = arith.constant 0 : index
      %swap3A_134 = arith.constant 0 : index
      %swap3A_135 = vector.load %arg15[%swap3A_133, %swap3A_134] : memref<1x256xf32, #tpu.memory_space<vmem>>, vector<1x256xf32>
      tpu.vector_store %arg15[%swap3A_133, %swap3A_134], %add3A_132 {strides = array<i32>} : memref<1x256xf32, #tpu.memory_space<vmem>>, vector<1x256xf32>,
    } else {
    }
    return
  }
  func.func @transform_0(%arg0: i32) -> (i32, i32, i32) {
    %c0_i32 = arith.constant 0 : i32
    %c0_i32_0 = arith.constant 0 : i32
    %c0_i32_1 = arith.constant 0 : i32
    return %c0_i32, %arg0, %c0_i32_0 : i32, i32, i32
  }
  func.func @transform_1(%arg0: i32) -> (i32, i32) {
    %c0_i32 = arith.constant 0 : i32
    %c0_i32_0 = arith.constant 0 : i32
    return %arg0, %c0_i32 : i32, i32
  }
  func.func @transform_2(%arg0: i32) -> (i32, i32) {
    %c0_i32 = arith.constant 0 : i32
    %c0_i32_0 = arith.constant 0 : i32
    %c0_i32_1 = arith.constant 0 : i32
    return %c0_i32, %c0_i32_0 : i32, i32
  }
  func.func @transform_3(%arg0: i32) -> (i32, i32) {
    %c0_i32 = arith.constant 0 : i32
    %c0_i32_0 = arith.constant 0 : i32
    %c0_i32_1 = arith.constant 0 : i32
    return %c0_i32, %c0_i32_0 : i32, i32
  }
  func.func @transform_4(%arg0: i32) -> (i32, i32) {
    %c0_i32 = arith.constant 0 : i32
    %c0_i32_0 = arith.constant 0 : i32
    %c0_i32_1 = arith.constant 0 : i32
    return %c0_i32, %c0_i32_0 : i32, i32
  }
  func.func @transform_5(%arg0: i32) -> (i32, i32) {
    %c0_i32 = arith.constant 0 : i32
    %c0_i32_0 = arith.constant 0 : i32
    %c0_i32_1 = arith.constant 0 : i32
    return %c0_i32, %c0_i32_0 : i32, i32
  }
  func.func @transform_6(%arg0: i32) -> (i32, i32) {
    %c0_i32 = arith.constant 0 : i32
    %c0_i32_0 = arith.constant 0 : i32
    %c0_i32_1 = arith.constant 0 : i32
    return %c0_i32, %c0_i32_0 : i32, i32
  }
  func.func @transform_7(%arg0: i32) -> (i32, i32) {
    %c0_i32 = arith.constant 0 : i32
    %c0_i32_0 = arith.constant 0 : i32
    %c0_i32_1 = arith.constant 0 : i32
    return %c0_i32, %c0_i32_0 : i32, i32
  }
  func.func @transform_8(%arg0: i32) -> (i32, i32) {
    %c0_i32 = arith.constant 0 : i32
    %c0_i32_0 = arith.constant 0 : i32
    %c0_i32_1 = arith.constant 0 : i32
    return %c0_i32, %c0_i32_0 : i32, i32
  }
  func.func @transform_9(%arg0: i32) -> (i32, i32) {
    %c0_i32 = arith.constant 0 : i32
    %c0_i32_0 = arith.constant 0 : i32
    %c0_i32_1 = arith.constant 0 : i32
    return %c0_i32, %c0_i32_0 : i32, i32
  }
  func.func @transform_10(%arg0: i32) -> (i32, i32) {
    %c0_i32 = arith.constant 0 : i32
    %c0_i32_0 = arith.constant 0 : i32
    %c0_i32_1 = arith.constant 0 : i32
    return %c0_i32, %c0_i32_0 : i32, i32
  }
  func.func @transform_11(%arg0: i32) -> (i32, i32) {
    %c0_i32 = arith.constant 0 : i32
    %c0_i32_0 = arith.constant 0 : i32
    %c0_i32_1 = arith.constant 0 : i32
    return %c0_i32, %c0_i32_0 : i32, i32
  }
  func.func @transform_12(%arg0: i32) -> (i32, i32, i32) {
    %c0_i32 = arith.constant 0 : i32
    %c0_i32_0 = arith.constant 0 : i32
    %c0_i32_1 = arith.constant 0 : i32
    return %c0_i32, %arg0, %c0_i32_0 : i32, i32, i32
  }
  func.func @transform_13(%arg0: i32) -> (i32, i32) {
    %c0_i32 = arith.constant 0 : i32
    %c0_i32_0 = arith.constant 0 : i32
    %c0_i32_1 = arith.constant 0 : i32
    return %c0_i32, %c0_i32_0 : i32, i32
  }
  func.func @transform_14(%arg0: i32) -> (i32, i32) {
    %c0_i32 = arith.constant 0 : i32
    %c0_i32_0 = arith.constant 0 : i32
    %c0_i32_1 = arith.constant 0 : i32
    return %c0_i32, %c0_i32_0 : i32, i32
  }
}

module attributes {stable_mosaic.version = 14 : i64} {
  func.func @_edge_a1_kernel(%arg0: i32, %arg1: memref<32x40x256xf32, #tpu.memory_space<vmem>>, %arg2: memref<1x256xf32, #tpu.memory_space<vmem>>, %arg3: memref<1x256xf32, #tpu.memory_space<vmem>>, %arg4: memref<1x256xf32, #tpu.memory_space<vmem>>, %arg5: memref<1x256xf32, #tpu.memory_space<vmem>>, %arg6: memref<32x40x256xf32, #tpu.memory_space<vmem>>, %arg7: memref<40x256xf32, #tpu.memory_space<vmem>>, %arg8: memref<256x256xf32, #tpu.memory_space<vmem>>, %arg9: memref<1x256xf32, #tpu.memory_space<vmem>>, %arg10: memref<32x40x256xf32, #tpu.memory_space<vmem>>, %arg11: memref<32x40x256xf32, #tpu.memory_space<vmem>>, %arg12: memref<1x256xf32, #tpu.memory_space<vmem>>, %arg13: memref<1x256xf32, #tpu.memory_space<vmem>>) attributes {dimension_semantics = [#tpu.dimension_semantics<arbitrary>], iteration_bounds = array<i64: 125>, scalar_prefetch = 0 : i64, scratch_operands = 0 : i64, tpu.core_type = #tpu.core_type<tc>, window_params = [{transform_indices = @transform_0, window_bounds = array<i64: 32, 40, 256>}, {pipeline_mode = #tpu.pipeline_mode<synchronous>, transform_indices = @transform_1, window_bounds = array<i64: 1, 256>}, {pipeline_mode = #tpu.pipeline_mode<synchronous>, transform_indices = @transform_2, window_bounds = array<i64: 1, 256>}, {pipeline_mode = #tpu.pipeline_mode<synchronous>, transform_indices = @transform_3, window_bounds = array<i64: 1, 256>}, {pipeline_mode = #tpu.pipeline_mode<synchronous>, transform_indices = @transform_4, window_bounds = array<i64: 1, 256>}, {transform_indices = @transform_5, window_bounds = array<i64: 32, 40, 256>}, {transform_indices = @transform_6, window_bounds = array<i64: 40, 256>}, {pipeline_mode = #tpu.pipeline_mode<synchronous>, transform_indices = @transform_7, window_bounds = array<i64: 256, 256>}, {pipeline_mode = #tpu.pipeline_mode<synchronous>, transform_indices = @transform_8, window_bounds = array<i64: 1, 256>}, {transform_indices = @transform_9, window_bounds = array<i64: 32, 40, 256>}, {transform_indices = @transform_10, window_bounds = array<i64: 32, 40, 256>}, {pipeline_mode = #tpu.pipeline_mode<synchronous>, transform_indices = @transform_11, window_bounds = array<i64: 1, 256>}, {pipeline_mode = #tpu.pipeline_mode<synchronous>, transform_indices = @transform_12, window_bounds = array<i64: 1, 256>}]} {
    %get3A = arith.constant 0 : index
    %get3A_0 = arith.constant 0 : index
    %get3A_1 = arith.constant 0 : index
    %get3A_2 = vector.load %arg1[%get3A, %get3A_0, %get3A_1] : memref<32x40x256xf32, #tpu.memory_space<vmem>>, vector<32x40x256xf32>
    %get3A_3 = arith.constant 0 : index
    %get3A_4 = arith.constant 0 : index
    %get3A_5 = vector.load %arg2[%get3A_3, %get3A_4] : memref<1x256xf32, #tpu.memory_space<vmem>>, vector<1x256xf32>
    %get3A_6 = arith.constant 0 : index
    %get3A_7 = arith.constant 0 : index
    %get3A_8 = vector.load %arg3[%get3A_6, %get3A_7] : memref<1x256xf32, #tpu.memory_space<vmem>>, vector<1x256xf32>
    %get3A_9 = arith.constant 0 : index
    %get3A_10 = arith.constant 0 : index
    %get3A_11 = vector.load %arg4[%get3A_9, %get3A_10] : memref<1x256xf32, #tpu.memory_space<vmem>>, vector<1x256xf32>
    %get3A_12 = arith.constant 0 : index
    %get3A_13 = arith.constant 0 : index
    %get3A_14 = vector.load %arg5[%get3A_12, %get3A_13] : memref<1x256xf32, #tpu.memory_space<vmem>>, vector<1x256xf32>
    %div3A = arith.constant 1.600000e+05 : f32
    %div3A_15 = vector.broadcast %div3A : f32 to vector<1x256xf32>
    %div3A_16 = arith.divf %get3A_5, %div3A_15 : vector<1x256xf32>
    %div3A_17 = arith.constant 1.600000e+05 : f32
    %div3A_18 = vector.broadcast %div3A_17 : f32 to vector<1x256xf32>
    %div3A_19 = arith.divf %get3A_8, %div3A_18 : vector<1x256xf32>
    %mul3A = arith.mulf %div3A_16, %div3A_16 : vector<1x256xf32>
    %sub3A = arith.subf %div3A_19, %mul3A : vector<1x256xf32>
    %broadcast_in_dim3A = vector.shape_cast %div3A_16 : vector<1x256xf32> to vector<1x1x256xf32>
    %sub3A_20 = vector.broadcast %broadcast_in_dim3A : vector<1x1x256xf32> to vector<32x40x256xf32>
    %sub3A_21 = arith.subf %get3A_2, %sub3A_20 : vector<32x40x256xf32>
    %add3A = arith.constant 9.99999974E-6 : f32
    %add3A_22 = vector.broadcast %add3A : f32 to vector<1x256xf32>
    %add3A_23 = arith.addf %sub3A, %add3A_22 : vector<1x256xf32>
    %sqrt3A = math.sqrt %add3A_23 : vector<1x256xf32>
    %broadcast_in_dim3A_24 = vector.shape_cast %sqrt3A : vector<1x256xf32> to vector<1x1x256xf32>
    %div3A_25 = vector.broadcast %broadcast_in_dim3A_24 : vector<1x1x256xf32> to vector<32x40x256xf32>
    %div3A_26 = arith.divf %sub3A_21, %div3A_25 : vector<32x40x256xf32>
    %broadcast_in_dim3A_27 = vector.shape_cast %get3A_11 : vector<1x256xf32> to vector<1x1x256xf32>
    %mul3A_28 = vector.broadcast %broadcast_in_dim3A_27 : vector<1x1x256xf32> to vector<32x40x256xf32>
    %mul3A_29 = arith.mulf %div3A_26, %mul3A_28 : vector<32x40x256xf32>
    %broadcast_in_dim3A_30 = vector.shape_cast %get3A_14 : vector<1x256xf32> to vector<1x1x256xf32>
    %add3A_31 = vector.broadcast %broadcast_in_dim3A_30 : vector<1x1x256xf32> to vector<32x40x256xf32>
    %add3A_32 = arith.addf %mul3A_29, %add3A_31 : vector<32x40x256xf32>
    %max3A = arith.constant 0.000000e+00 : f32
    %max3A_33 = vector.broadcast %max3A : f32 to vector<32x40x256xf32>
    %max3A_34 = arith.maximumf %add3A_32, %max3A_33 : vector<32x40x256xf32>
    %swap3A = arith.constant 0 : index
    %swap3A_35 = arith.constant 0 : index
    %swap3A_36 = arith.constant 0 : index
    %swap3A_37 = vector.load %arg11[%swap3A, %swap3A_35, %swap3A_36] : memref<32x40x256xf32, #tpu.memory_space<vmem>>, vector<32x40x256xf32>
    tpu.vector_store %arg11[%swap3A, %swap3A_35, %swap3A_36], %max3A_34 {strides = array<i32>} : memref<32x40x256xf32, #tpu.memory_space<vmem>>, vector<32x40x256xf32>,
    %get3A_38 = arith.constant 0 : index
    %get3A_39 = arith.constant 0 : index
    %get3A_40 = vector.load %arg7[%get3A_38, %get3A_39] : memref<40x256xf32, #tpu.memory_space<vmem>>, vector<40x256xf32>
    %broadcast_in_dim3A_41 = vector.shape_cast %get3A_40 : vector<40x256xf32> to vector<1x40x256xf32>
    %broadcast_in_dim3A_42 = vector.shape_cast %broadcast_in_dim3A_41 : vector<1x40x256xf32> to vector<1x40x256xf32>
    %broadcast_in_dim3A_43 = vector.broadcast %broadcast_in_dim3A_42 : vector<1x40x256xf32> to vector<32x40x256xf32>
    %get3A_44 = arith.constant 0 : index
    %get3A_45 = arith.constant 0 : index
    %get3A_46 = arith.constant 0 : index
    %get3A_47 = vector.load %arg6[%get3A_44, %get3A_45, %get3A_46] : memref<32x40x256xf32, #tpu.memory_space<vmem>>, vector<32x40x256xf32>
    %sub3A_48 = arith.subf %broadcast_in_dim3A_43, %get3A_47 : vector<32x40x256xf32>
    %add3A_49 = arith.addf %sub3A_48, %max3A_34 : vector<32x40x256xf32>
    %reshape3A = vector.shape_cast %add3A_49 : vector<32x40x256xf32> to vector<1280x256xf32>
    %get3A_50 = arith.constant 0 : index
    %get3A_51 = arith.constant 0 : index
    %get3A_52 = vector.load %arg8[%get3A_50, %get3A_51] : memref<256x256xf32, #tpu.memory_space<vmem>>, vector<256x256xf32>
    %dot_general3A = arith.constant dense<0.000000e+00> : vector<1280x256xf32>
    %dot_general3A_53 = tpu.matmul %reshape3A, %get3A_52, %dot_general3A {dimension_numbers = #tpu.dot_dimension_numbers<[1], [0], [0], [1], [0, 0, 1, 1], [], []>, transpose_lhs_hint = false} : vector<1280x256xf32>, vector<256x256xf32>, vector<1280x256xf32> -> vector<1280x256xf32>
    %get3A_54 = arith.constant 0 : index
    %get3A_55 = arith.constant 0 : index
    %get3A_56 = vector.load %arg9[%get3A_54, %get3A_55] : memref<1x256xf32, #tpu.memory_space<vmem>>, vector<1x256xf32>
    %add3A_57 = vector.broadcast %get3A_56 : vector<1x256xf32> to vector<1280x256xf32>
    %add3A_58 = arith.addf %dot_general3A_53, %add3A_57 : vector<1280x256xf32>
    %reshape3A_59 = vector.shape_cast %add3A_58 : vector<1280x256xf32> to vector<32x40x256xf32>
    %swap3A_60 = arith.constant 0 : index
    %swap3A_61 = arith.constant 0 : index
    %swap3A_62 = arith.constant 0 : index
    %swap3A_63 = vector.load %arg10[%swap3A_60, %swap3A_61, %swap3A_62] : memref<32x40x256xf32, #tpu.memory_space<vmem>>, vector<32x40x256xf32>
    tpu.vector_store %arg10[%swap3A_60, %swap3A_61, %swap3A_62], %reshape3A_59 {strides = array<i32>} : memref<32x40x256xf32, #tpu.memory_space<vmem>>, vector<32x40x256xf32>,
    %get3A_64 = arith.constant 0 : index
    %get3A_65 = arith.constant 0 : index
    %get3A_66 = arith.constant 0 : index
    %get3A_67 = vector.load %arg10[%get3A_64, %get3A_65, %get3A_66] : memref<32x40x256xf32, #tpu.memory_space<vmem>>, vector<32x40x256xf32>
    %reduce_sum3A = arith.constant dense<0.000000e+00> : vector<256xf32>
    %reduce_sum3A_68 = vector.multi_reduction <add>, %get3A_67, %reduce_sum3A [0, 1] : vector<32x40x256xf32> to vector<256xf32>
    %reshape3A_69 = vector.shape_cast %reduce_sum3A_68 : vector<256xf32> to vector<1x256xf32>
    %mul3A_70 = arith.mulf %get3A_67, %get3A_67 : vector<32x40x256xf32>
    %reduce_sum3A_71 = arith.constant dense<0.000000e+00> : vector<256xf32>
    %reduce_sum3A_72 = vector.multi_reduction <add>, %mul3A_70, %reduce_sum3A_71 [0, 1] : vector<32x40x256xf32> to vector<256xf32>
    %reshape3A_73 = vector.shape_cast %reduce_sum3A_72 : vector<256xf32> to vector<1x256xf32>
    %eq3A = arith.constant 0 : i32
    %eq3A_74 = arith.cmpi eq, %arg0, %eq3A : i32
    %convert_element_type3A = arith.extui %eq3A_74 : i1 to i32
    %cond3A = arith.constant 0 : i32
    %cond3A_75 = arith.cmpi ne, %convert_element_type3A, %cond3A : i32
    scf.if %cond3A_75 {
      %swap3A_80 = arith.constant 0 : index
      %swap3A_81 = arith.constant 0 : index
      %swap3A_82 = vector.load %arg12[%swap3A_80, %swap3A_81] : memref<1x256xf32, #tpu.memory_space<vmem>>, vector<1x256xf32>
      tpu.vector_store %arg12[%swap3A_80, %swap3A_81], %reshape3A_69 {strides = array<i32>} : memref<1x256xf32, #tpu.memory_space<vmem>>, vector<1x256xf32>,
      %swap3A_83 = arith.constant 0 : index
      %swap3A_84 = arith.constant 0 : index
      %swap3A_85 = vector.load %arg13[%swap3A_83, %swap3A_84] : memref<1x256xf32, #tpu.memory_space<vmem>>, vector<1x256xf32>
      tpu.vector_store %arg13[%swap3A_83, %swap3A_84], %reshape3A_73 {strides = array<i32>} : memref<1x256xf32, #tpu.memory_space<vmem>>, vector<1x256xf32>,
    } else {
    }
    %gt3A = arith.constant 0 : i32
    %gt3A_76 = arith.cmpi sgt, %arg0, %gt3A : i32
    %convert_element_type3A_77 = arith.extui %gt3A_76 : i1 to i32
    %cond3A_78 = arith.constant 0 : i32
    %cond3A_79 = arith.cmpi ne, %convert_element_type3A_77, %cond3A_78 : i32
    scf.if %cond3A_79 {
      %get3A_80 = arith.constant 0 : index
      %get3A_81 = arith.constant 0 : index
      %get3A_82 = vector.load %arg12[%get3A_80, %get3A_81] : memref<1x256xf32, #tpu.memory_space<vmem>>, vector<1x256xf32>
      %add3A_83 = arith.addf %get3A_82, %reshape3A_69 : vector<1x256xf32>
      %swap3A_84 = arith.constant 0 : index
      %swap3A_85 = arith.constant 0 : index
      %swap3A_86 = vector.load %arg12[%swap3A_84, %swap3A_85] : memref<1x256xf32, #tpu.memory_space<vmem>>, vector<1x256xf32>
      tpu.vector_store %arg12[%swap3A_84, %swap3A_85], %add3A_83 {strides = array<i32>} : memref<1x256xf32, #tpu.memory_space<vmem>>, vector<1x256xf32>,
      %get3A_87 = arith.constant 0 : index
      %get3A_88 = arith.constant 0 : index
      %get3A_89 = vector.load %arg13[%get3A_87, %get3A_88] : memref<1x256xf32, #tpu.memory_space<vmem>>, vector<1x256xf32>
      %add3A_90 = arith.addf %get3A_89, %reshape3A_73 : vector<1x256xf32>
      %swap3A_91 = arith.constant 0 : index
      %swap3A_92 = arith.constant 0 : index
      %swap3A_93 = vector.load %arg13[%swap3A_91, %swap3A_92] : memref<1x256xf32, #tpu.memory_space<vmem>>, vector<1x256xf32>
      tpu.vector_store %arg13[%swap3A_91, %swap3A_92], %add3A_90 {strides = array<i32>} : memref<1x256xf32, #tpu.memory_space<vmem>>, vector<1x256xf32>,
    } else {
    }
    return
  }
  func.func @transform_0(%arg0: i32) -> (i32, i32, i32) {
    %c0_i32 = arith.constant 0 : i32
    %c0_i32_0 = arith.constant 0 : i32
    %c0_i32_1 = arith.constant 0 : i32
    return %c0_i32, %arg0, %c0_i32_0 : i32, i32, i32
  }
  func.func @transform_1(%arg0: i32) -> (i32, i32) {
    %c0_i32 = arith.constant 0 : i32
    %c0_i32_0 = arith.constant 0 : i32
    %c0_i32_1 = arith.constant 0 : i32
    return %c0_i32, %c0_i32_0 : i32, i32
  }
  func.func @transform_2(%arg0: i32) -> (i32, i32) {
    %c0_i32 = arith.constant 0 : i32
    %c0_i32_0 = arith.constant 0 : i32
    %c0_i32_1 = arith.constant 0 : i32
    return %c0_i32, %c0_i32_0 : i32, i32
  }
  func.func @transform_3(%arg0: i32) -> (i32, i32) {
    %c0_i32 = arith.constant 0 : i32
    %c0_i32_0 = arith.constant 0 : i32
    %c0_i32_1 = arith.constant 0 : i32
    return %c0_i32, %c0_i32_0 : i32, i32
  }
  func.func @transform_4(%arg0: i32) -> (i32, i32) {
    %c0_i32 = arith.constant 0 : i32
    %c0_i32_0 = arith.constant 0 : i32
    %c0_i32_1 = arith.constant 0 : i32
    return %c0_i32, %c0_i32_0 : i32, i32
  }
  func.func @transform_5(%arg0: i32) -> (i32, i32, i32) {
    %c0_i32 = arith.constant 0 : i32
    %c0_i32_0 = arith.constant 0 : i32
    %c0_i32_1 = arith.constant 0 : i32
    return %c0_i32, %arg0, %c0_i32_0 : i32, i32, i32
  }
  func.func @transform_6(%arg0: i32) -> (i32, i32) {
    %c0_i32 = arith.constant 0 : i32
    %c0_i32_0 = arith.constant 0 : i32
    return %arg0, %c0_i32 : i32, i32
  }
  func.func @transform_7(%arg0: i32) -> (i32, i32) {
    %c0_i32 = arith.constant 0 : i32
    %c0_i32_0 = arith.constant 0 : i32
    %c0_i32_1 = arith.constant 0 : i32
    return %c0_i32, %c0_i32_0 : i32, i32
  }
  func.func @transform_8(%arg0: i32) -> (i32, i32) {
    %c0_i32 = arith.constant 0 : i32
    %c0_i32_0 = arith.constant 0 : i32
    %c0_i32_1 = arith.constant 0 : i32
    return %c0_i32, %c0_i32_0 : i32, i32
  }
  func.func @transform_9(%arg0: i32) -> (i32, i32, i32) {
    %c0_i32 = arith.constant 0 : i32
    %c0_i32_0 = arith.constant 0 : i32
    %c0_i32_1 = arith.constant 0 : i32
    return %c0_i32, %arg0, %c0_i32_0 : i32, i32, i32
  }
  func.func @transform_10(%arg0: i32) -> (i32, i32, i32) {
    %c0_i32 = arith.constant 0 : i32
    %c0_i32_0 = arith.constant 0 : i32
    %c0_i32_1 = arith.constant 0 : i32
    return %c0_i32, %arg0, %c0_i32_0 : i32, i32, i32
  }
  func.func @transform_11(%arg0: i32) -> (i32, i32) {
    %c0_i32 = arith.constant 0 : i32
    %c0_i32_0 = arith.constant 0 : i32
    %c0_i32_1 = arith.constant 0 : i32
    return %c0_i32, %c0_i32_0 : i32, i32
  }
  func.func @transform_12(%arg0: i32) -> (i32, i32) {
    %c0_i32 = arith.constant 0 : i32
    %c0_i32_0 = arith.constant 0 : i32
    %c0_i32_1 = arith.constant 0 : i32
    return %c0_i32, %c0_i32_0 : i32, i32
  }
}

module attributes {stable_mosaic.version = 14 : i64} {
  func.func @_edge_mid_kernel(%arg0: i32, %arg1: memref<32x40x256xf32, #tpu.memory_space<vmem>>, %arg2: memref<1x256xf32, #tpu.memory_space<vmem>>, %arg3: memref<1x256xf32, #tpu.memory_space<vmem>>, %arg4: memref<1x256xf32, #tpu.memory_space<vmem>>, %arg5: memref<1x256xf32, #tpu.memory_space<vmem>>, %arg6: memref<256x256xf32, #tpu.memory_space<vmem>>, %arg7: memref<1x256xf32, #tpu.memory_space<vmem>>, %arg8: memref<32x40x256xf32, #tpu.memory_space<vmem>>, %arg9: memref<1x256xf32, #tpu.memory_space<vmem>>, %arg10: memref<1x256xf32, #tpu.memory_space<vmem>>) attributes {dimension_semantics = [#tpu.dimension_semantics<arbitrary>], iteration_bounds = array<i64: 125>, scalar_prefetch = 0 : i64, scratch_operands = 0 : i64, tpu.core_type = #tpu.core_type<tc>, window_params = [{transform_indices = @transform_0, window_bounds = array<i64: 32, 40, 256>}, {pipeline_mode = #tpu.pipeline_mode<synchronous>, transform_indices = @transform_1, window_bounds = array<i64: 1, 256>}, {pipeline_mode = #tpu.pipeline_mode<synchronous>, transform_indices = @transform_2, window_bounds = array<i64: 1, 256>}, {pipeline_mode = #tpu.pipeline_mode<synchronous>, transform_indices = @transform_3, window_bounds = array<i64: 1, 256>}, {pipeline_mode = #tpu.pipeline_mode<synchronous>, transform_indices = @transform_4, window_bounds = array<i64: 1, 256>}, {pipeline_mode = #tpu.pipeline_mode<synchronous>, transform_indices = @transform_5, window_bounds = array<i64: 256, 256>}, {pipeline_mode = #tpu.pipeline_mode<synchronous>, transform_indices = @transform_6, window_bounds = array<i64: 1, 256>}, {transform_indices = @transform_7, window_bounds = array<i64: 32, 40, 256>}, {pipeline_mode = #tpu.pipeline_mode<synchronous>, transform_indices = @transform_8, window_bounds = array<i64: 1, 256>}, {pipeline_mode = #tpu.pipeline_mode<synchronous>, transform_indices = @transform_9, window_bounds = array<i64: 1, 256>}]} {
    %get3A = arith.constant 0 : index
    %get3A_0 = arith.constant 0 : index
    %get3A_1 = arith.constant 0 : index
    %get3A_2 = vector.load %arg1[%get3A, %get3A_0, %get3A_1] : memref<32x40x256xf32, #tpu.memory_space<vmem>>, vector<32x40x256xf32>
    %get3A_3 = arith.constant 0 : index
    %get3A_4 = arith.constant 0 : index
    %get3A_5 = vector.load %arg2[%get3A_3, %get3A_4] : memref<1x256xf32, #tpu.memory_space<vmem>>, vector<1x256xf32>
    %get3A_6 = arith.constant 0 : index
    %get3A_7 = arith.constant 0 : index
    %get3A_8 = vector.load %arg3[%get3A_6, %get3A_7] : memref<1x256xf32, #tpu.memory_space<vmem>>, vector<1x256xf32>
    %get3A_9 = arith.constant 0 : index
    %get3A_10 = arith.constant 0 : index
    %get3A_11 = vector.load %arg4[%get3A_9, %get3A_10] : memref<1x256xf32, #tpu.memory_space<vmem>>, vector<1x256xf32>
    %get3A_12 = arith.constant 0 : index
    %get3A_13 = arith.constant 0 : index
    %get3A_14 = vector.load %arg5[%get3A_12, %get3A_13] : memref<1x256xf32, #tpu.memory_space<vmem>>, vector<1x256xf32>
    %div3A = arith.constant 1.600000e+05 : f32
    %div3A_15 = vector.broadcast %div3A : f32 to vector<1x256xf32>
    %div3A_16 = arith.divf %get3A_5, %div3A_15 : vector<1x256xf32>
    %div3A_17 = arith.constant 1.600000e+05 : f32
    %div3A_18 = vector.broadcast %div3A_17 : f32 to vector<1x256xf32>
    %div3A_19 = arith.divf %get3A_8, %div3A_18 : vector<1x256xf32>
    %mul3A = arith.mulf %div3A_16, %div3A_16 : vector<1x256xf32>
    %sub3A = arith.subf %div3A_19, %mul3A : vector<1x256xf32>
    %broadcast_in_dim3A = vector.shape_cast %div3A_16 : vector<1x256xf32> to vector<1x1x256xf32>
    %sub3A_20 = vector.broadcast %broadcast_in_dim3A : vector<1x1x256xf32> to vector<32x40x256xf32>
    %sub3A_21 = arith.subf %get3A_2, %sub3A_20 : vector<32x40x256xf32>
    %add3A = arith.constant 9.99999974E-6 : f32
    %add3A_22 = vector.broadcast %add3A : f32 to vector<1x256xf32>
    %add3A_23 = arith.addf %sub3A, %add3A_22 : vector<1x256xf32>
    %sqrt3A = math.sqrt %add3A_23 : vector<1x256xf32>
    %broadcast_in_dim3A_24 = vector.shape_cast %sqrt3A : vector<1x256xf32> to vector<1x1x256xf32>
    %div3A_25 = vector.broadcast %broadcast_in_dim3A_24 : vector<1x1x256xf32> to vector<32x40x256xf32>
    %div3A_26 = arith.divf %sub3A_21, %div3A_25 : vector<32x40x256xf32>
    %broadcast_in_dim3A_27 = vector.shape_cast %get3A_11 : vector<1x256xf32> to vector<1x1x256xf32>
    %mul3A_28 = vector.broadcast %broadcast_in_dim3A_27 : vector<1x1x256xf32> to vector<32x40x256xf32>
    %mul3A_29 = arith.mulf %div3A_26, %mul3A_28 : vector<32x40x256xf32>
    %broadcast_in_dim3A_30 = vector.shape_cast %get3A_14 : vector<1x256xf32> to vector<1x1x256xf32>
    %add3A_31 = vector.broadcast %broadcast_in_dim3A_30 : vector<1x1x256xf32> to vector<32x40x256xf32>
    %add3A_32 = arith.addf %mul3A_29, %add3A_31 : vector<32x40x256xf32>
    %max3A = arith.constant 0.000000e+00 : f32
    %max3A_33 = vector.broadcast %max3A : f32 to vector<32x40x256xf32>
    %max3A_34 = arith.maximumf %add3A_32, %max3A_33 : vector<32x40x256xf32>
    %reshape3A = vector.shape_cast %max3A_34 : vector<32x40x256xf32> to vector<1280x256xf32>
    %get3A_35 = arith.constant 0 : index
    %get3A_36 = arith.constant 0 : index
    %get3A_37 = vector.load %arg6[%get3A_35, %get3A_36] : memref<256x256xf32, #tpu.memory_space<vmem>>, vector<256x256xf32>
    %dot_general3A = arith.constant dense<0.000000e+00> : vector<1280x256xf32>
    %dot_general3A_38 = tpu.matmul %reshape3A, %get3A_37, %dot_general3A {dimension_numbers = #tpu.dot_dimension_numbers<[1], [0], [0], [1], [0, 0, 1, 1], [], []>, transpose_lhs_hint = false} : vector<1280x256xf32>, vector<256x256xf32>, vector<1280x256xf32> -> vector<1280x256xf32>
    %get3A_39 = arith.constant 0 : index
    %get3A_40 = arith.constant 0 : index
    %get3A_41 = vector.load %arg7[%get3A_39, %get3A_40] : memref<1x256xf32, #tpu.memory_space<vmem>>, vector<1x256xf32>
    %add3A_42 = vector.broadcast %get3A_41 : vector<1x256xf32> to vector<1280x256xf32>
    %add3A_43 = arith.addf %dot_general3A_38, %add3A_42 : vector<1280x256xf32>
    %reshape3A_44 = vector.shape_cast %add3A_43 : vector<1280x256xf32> to vector<32x40x256xf32>
    %swap3A = arith.constant 0 : index
    %swap3A_45 = arith.constant 0 : index
    %swap3A_46 = arith.constant 0 : index
    %swap3A_47 = vector.load %arg8[%swap3A, %swap3A_45, %swap3A_46] : memref<32x40x256xf32, #tpu.memory_space<vmem>>, vector<32x40x256xf32>
    tpu.vector_store %arg8[%swap3A, %swap3A_45, %swap3A_46], %reshape3A_44 {strides = array<i32>} : memref<32x40x256xf32, #tpu.memory_space<vmem>>, vector<32x40x256xf32>,
    %get3A_48 = arith.constant 0 : index
    %get3A_49 = arith.constant 0 : index
    %get3A_50 = arith.constant 0 : index
    %get3A_51 = vector.load %arg8[%get3A_48, %get3A_49, %get3A_50] : memref<32x40x256xf32, #tpu.memory_space<vmem>>, vector<32x40x256xf32>
    %reduce_sum3A = arith.constant dense<0.000000e+00> : vector<256xf32>
    %reduce_sum3A_52 = vector.multi_reduction <add>, %get3A_51, %reduce_sum3A [0, 1] : vector<32x40x256xf32> to vector<256xf32>
    %reshape3A_53 = vector.shape_cast %reduce_sum3A_52 : vector<256xf32> to vector<1x256xf32>
    %mul3A_54 = arith.mulf %get3A_51, %get3A_51 : vector<32x40x256xf32>
    %reduce_sum3A_55 = arith.constant dense<0.000000e+00> : vector<256xf32>
    %reduce_sum3A_56 = vector.multi_reduction <add>, %mul3A_54, %reduce_sum3A_55 [0, 1] : vector<32x40x256xf32> to vector<256xf32>
    %reshape3A_57 = vector.shape_cast %reduce_sum3A_56 : vector<256xf32> to vector<1x256xf32>
    %eq3A = arith.constant 0 : i32
    %eq3A_58 = arith.cmpi eq, %arg0, %eq3A : i32
    %convert_element_type3A = arith.extui %eq3A_58 : i1 to i32
    %cond3A = arith.constant 0 : i32
    %cond3A_59 = arith.cmpi ne, %convert_element_type3A, %cond3A : i32
    scf.if %cond3A_59 {
      %swap3A_64 = arith.constant 0 : index
      %swap3A_65 = arith.constant 0 : index
      %swap3A_66 = vector.load %arg9[%swap3A_64, %swap3A_65] : memref<1x256xf32, #tpu.memory_space<vmem>>, vector<1x256xf32>
      tpu.vector_store %arg9[%swap3A_64, %swap3A_65], %reshape3A_53 {strides = array<i32>} : memref<1x256xf32, #tpu.memory_space<vmem>>, vector<1x256xf32>,
      %swap3A_67 = arith.constant 0 : index
      %swap3A_68 = arith.constant 0 : index
      %swap3A_69 = vector.load %arg10[%swap3A_67, %swap3A_68] : memref<1x256xf32, #tpu.memory_space<vmem>>, vector<1x256xf32>
      tpu.vector_store %arg10[%swap3A_67, %swap3A_68], %reshape3A_57 {strides = array<i32>} : memref<1x256xf32, #tpu.memory_space<vmem>>, vector<1x256xf32>,
    } else {
    }
    %gt3A = arith.constant 0 : i32
    %gt3A_60 = arith.cmpi sgt, %arg0, %gt3A : i32
    %convert_element_type3A_61 = arith.extui %gt3A_60 : i1 to i32
    %cond3A_62 = arith.constant 0 : i32
    %cond3A_63 = arith.cmpi ne, %convert_element_type3A_61, %cond3A_62 : i32
    scf.if %cond3A_63 {
      %get3A_64 = arith.constant 0 : index
      %get3A_65 = arith.constant 0 : index
      %get3A_66 = vector.load %arg9[%get3A_64, %get3A_65] : memref<1x256xf32, #tpu.memory_space<vmem>>, vector<1x256xf32>
      %add3A_67 = arith.addf %get3A_66, %reshape3A_53 : vector<1x256xf32>
      %swap3A_68 = arith.constant 0 : index
      %swap3A_69 = arith.constant 0 : index
      %swap3A_70 = vector.load %arg9[%swap3A_68, %swap3A_69] : memref<1x256xf32, #tpu.memory_space<vmem>>, vector<1x256xf32>
      tpu.vector_store %arg9[%swap3A_68, %swap3A_69], %add3A_67 {strides = array<i32>} : memref<1x256xf32, #tpu.memory_space<vmem>>, vector<1x256xf32>,
      %get3A_71 = arith.constant 0 : index
      %get3A_72 = arith.constant 0 : index
      %get3A_73 = vector.load %arg10[%get3A_71, %get3A_72] : memref<1x256xf32, #tpu.memory_space<vmem>>, vector<1x256xf32>
      %add3A_74 = arith.addf %get3A_73, %reshape3A_57 : vector<1x256xf32>
      %swap3A_75 = arith.constant 0 : index
      %swap3A_76 = arith.constant 0 : index
      %swap3A_77 = vector.load %arg10[%swap3A_75, %swap3A_76] : memref<1x256xf32, #tpu.memory_space<vmem>>, vector<1x256xf32>
      tpu.vector_store %arg10[%swap3A_75, %swap3A_76], %add3A_74 {strides = array<i32>} : memref<1x256xf32, #tpu.memory_space<vmem>>, vector<1x256xf32>,
    } else {
    }
    return
  }
  func.func @transform_0(%arg0: i32) -> (i32, i32, i32) {
    %c0_i32 = arith.constant 0 : i32
    %c0_i32_0 = arith.constant 0 : i32
    %c0_i32_1 = arith.constant 0 : i32
    return %c0_i32, %arg0, %c0_i32_0 : i32, i32, i32
  }
  func.func @transform_1(%arg0: i32) -> (i32, i32) {
    %c0_i32 = arith.constant 0 : i32
    %c0_i32_0 = arith.constant 0 : i32
    %c0_i32_1 = arith.constant 0 : i32
    return %c0_i32, %c0_i32_0 : i32, i32
  }
  func.func @transform_2(%arg0: i32) -> (i32, i32) {
    %c0_i32 = arith.constant 0 : i32
    %c0_i32_0 = arith.constant 0 : i32
    %c0_i32_1 = arith.constant 0 : i32
    return %c0_i32, %c0_i32_0 : i32, i32
  }
  func.func @transform_3(%arg0: i32) -> (i32, i32) {
    %c0_i32 = arith.constant 0 : i32
    %c0_i32_0 = arith.constant 0 : i32
    %c0_i32_1 = arith.constant 0 : i32
    return %c0_i32, %c0_i32_0 : i32, i32
  }
  func.func @transform_4(%arg0: i32) -> (i32, i32) {
    %c0_i32 = arith.constant 0 : i32
    %c0_i32_0 = arith.constant 0 : i32
    %c0_i32_1 = arith.constant 0 : i32
    return %c0_i32, %c0_i32_0 : i32, i32
  }
  func.func @transform_5(%arg0: i32) -> (i32, i32) {
    %c0_i32 = arith.constant 0 : i32
    %c0_i32_0 = arith.constant 0 : i32
    %c0_i32_1 = arith.constant 0 : i32
    return %c0_i32, %c0_i32_0 : i32, i32
  }
  func.func @transform_6(%arg0: i32) -> (i32, i32) {
    %c0_i32 = arith.constant 0 : i32
    %c0_i32_0 = arith.constant 0 : i32
    %c0_i32_1 = arith.constant 0 : i32
    return %c0_i32, %c0_i32_0 : i32, i32
  }
  func.func @transform_7(%arg0: i32) -> (i32, i32, i32) {
    %c0_i32 = arith.constant 0 : i32
    %c0_i32_0 = arith.constant 0 : i32
    %c0_i32_1 = arith.constant 0 : i32
    return %c0_i32, %arg0, %c0_i32_0 : i32, i32, i32
  }
  func.func @transform_8(%arg0: i32) -> (i32, i32) {
    %c0_i32 = arith.constant 0 : i32
    %c0_i32_0 = arith.constant 0 : i32
    %c0_i32_1 = arith.constant 0 : i32
    return %c0_i32, %c0_i32_0 : i32, i32
  }
  func.func @transform_9(%arg0: i32) -> (i32, i32) {
    %c0_i32 = arith.constant 0 : i32
    %c0_i32_0 = arith.constant 0 : i32
    %c0_i32_1 = arith.constant 0 : i32
    return %c0_i32, %c0_i32_0 : i32, i32
  }
}

module attributes {stable_mosaic.version = 14 : i64} {
  func.func @_edge_final_kernel(%arg0: i32, %arg1: memref<32x40x256xf32, #tpu.memory_space<vmem>>, %arg2: memref<1x256xf32, #tpu.memory_space<vmem>>, %arg3: memref<1x256xf32, #tpu.memory_space<vmem>>, %arg4: memref<1x256xf32, #tpu.memory_space<vmem>>, %arg5: memref<1x256xf32, #tpu.memory_space<vmem>>, %arg6: memref<32x40x256xf32, #tpu.memory_space<vmem>>, %arg7: memref<32x40x256xf32, #tpu.memory_space<vmem>>, %arg8: memref<32x40x1xf32, #tpu.memory_space<vmem>>, %arg9: memref<40x256xf32, #tpu.memory_space<vmem>>) attributes {dimension_semantics = [#tpu.dimension_semantics<arbitrary>], iteration_bounds = array<i64: 125>, scalar_prefetch = 0 : i64, scratch_operands = 0 : i64, tpu.core_type = #tpu.core_type<tc>, window_params = [{transform_indices = @transform_0, window_bounds = array<i64: 32, 40, 256>}, {pipeline_mode = #tpu.pipeline_mode<synchronous>, transform_indices = @transform_1, window_bounds = array<i64: 1, 256>}, {pipeline_mode = #tpu.pipeline_mode<synchronous>, transform_indices = @transform_2, window_bounds = array<i64: 1, 256>}, {pipeline_mode = #tpu.pipeline_mode<synchronous>, transform_indices = @transform_3, window_bounds = array<i64: 1, 256>}, {pipeline_mode = #tpu.pipeline_mode<synchronous>, transform_indices = @transform_4, window_bounds = array<i64: 1, 256>}, {transform_indices = @transform_5, window_bounds = array<i64: 32, 40, 256>}, {transform_indices = @transform_6, window_bounds = array<i64: 32, 40, 256>}, {transform_indices = @transform_7, window_bounds = array<i64: 32, 40, 1>}, {transform_indices = @transform_8, window_bounds = array<i64: 40, 256>}]} {
    %get3A = arith.constant 0 : index
    %get3A_0 = arith.constant 0 : index
    %get3A_1 = arith.constant 0 : index
    %get3A_2 = vector.load %arg1[%get3A, %get3A_0, %get3A_1] : memref<32x40x256xf32, #tpu.memory_space<vmem>>, vector<32x40x256xf32>
    %get3A_3 = arith.constant 0 : index
    %get3A_4 = arith.constant 0 : index
    %get3A_5 = vector.load %arg2[%get3A_3, %get3A_4] : memref<1x256xf32, #tpu.memory_space<vmem>>, vector<1x256xf32>
    %get3A_6 = arith.constant 0 : index
    %get3A_7 = arith.constant 0 : index
    %get3A_8 = vector.load %arg3[%get3A_6, %get3A_7] : memref<1x256xf32, #tpu.memory_space<vmem>>, vector<1x256xf32>
    %get3A_9 = arith.constant 0 : index
    %get3A_10 = arith.constant 0 : index
    %get3A_11 = vector.load %arg4[%get3A_9, %get3A_10] : memref<1x256xf32, #tpu.memory_space<vmem>>, vector<1x256xf32>
    %get3A_12 = arith.constant 0 : index
    %get3A_13 = arith.constant 0 : index
    %get3A_14 = vector.load %arg5[%get3A_12, %get3A_13] : memref<1x256xf32, #tpu.memory_space<vmem>>, vector<1x256xf32>
    %div3A = arith.constant 1.600000e+05 : f32
    %div3A_15 = vector.broadcast %div3A : f32 to vector<1x256xf32>
    %div3A_16 = arith.divf %get3A_5, %div3A_15 : vector<1x256xf32>
    %div3A_17 = arith.constant 1.600000e+05 : f32
    %div3A_18 = vector.broadcast %div3A_17 : f32 to vector<1x256xf32>
    %div3A_19 = arith.divf %get3A_8, %div3A_18 : vector<1x256xf32>
    %mul3A = arith.mulf %div3A_16, %div3A_16 : vector<1x256xf32>
    %sub3A = arith.subf %div3A_19, %mul3A : vector<1x256xf32>
    %broadcast_in_dim3A = vector.shape_cast %div3A_16 : vector<1x256xf32> to vector<1x1x256xf32>
    %sub3A_20 = vector.broadcast %broadcast_in_dim3A : vector<1x1x256xf32> to vector<32x40x256xf32>
    %sub3A_21 = arith.subf %get3A_2, %sub3A_20 : vector<32x40x256xf32>
    %add3A = arith.constant 9.99999974E-6 : f32
    %add3A_22 = vector.broadcast %add3A : f32 to vector<1x256xf32>
    %add3A_23 = arith.addf %sub3A, %add3A_22 : vector<1x256xf32>
    %sqrt3A = math.sqrt %add3A_23 : vector<1x256xf32>
    %broadcast_in_dim3A_24 = vector.shape_cast %sqrt3A : vector<1x256xf32> to vector<1x1x256xf32>
    %div3A_25 = vector.broadcast %broadcast_in_dim3A_24 : vector<1x1x256xf32> to vector<32x40x256xf32>
    %div3A_26 = arith.divf %sub3A_21, %div3A_25 : vector<32x40x256xf32>
    %broadcast_in_dim3A_27 = vector.shape_cast %get3A_11 : vector<1x256xf32> to vector<1x1x256xf32>
    %mul3A_28 = vector.broadcast %broadcast_in_dim3A_27 : vector<1x1x256xf32> to vector<32x40x256xf32>
    %mul3A_29 = arith.mulf %div3A_26, %mul3A_28 : vector<32x40x256xf32>
    %broadcast_in_dim3A_30 = vector.shape_cast %get3A_14 : vector<1x256xf32> to vector<1x1x256xf32>
    %add3A_31 = vector.broadcast %broadcast_in_dim3A_30 : vector<1x1x256xf32> to vector<32x40x256xf32>
    %add3A_32 = arith.addf %mul3A_29, %add3A_31 : vector<32x40x256xf32>
    %max3A = arith.constant 0.000000e+00 : f32
    %max3A_33 = vector.broadcast %max3A : f32 to vector<32x40x256xf32>
    %max3A_34 = arith.maximumf %add3A_32, %max3A_33 : vector<32x40x256xf32>
    %reduce_max3A = arith.constant dense<0xFF800000> : vector<40x256xf32>
    %reduce_max3A_35 = vector.multi_reduction <maximumf>, %max3A_34, %reduce_max3A [0] : vector<32x40x256xf32> to vector<40x256xf32>
    %broadcast_in_dim3A_36 = vector.shape_cast %reduce_max3A_35 : vector<40x256xf32> to vector<1x40x256xf32>
    %sub3A_37 = vector.broadcast %broadcast_in_dim3A_36 : vector<1x40x256xf32> to vector<32x40x256xf32>
    %sub3A_38 = arith.subf %max3A_34, %sub3A_37 : vector<32x40x256xf32>
    %exp3A = math.exp %sub3A_38 : vector<32x40x256xf32>
    %reduce_sum3A = arith.constant dense<0.000000e+00> : vector<40x256xf32>
    %reduce_sum3A_39 = vector.multi_reduction <add>, %exp3A, %reduce_sum3A [0] : vector<32x40x256xf32> to vector<40x256xf32>
    %broadcast_in_dim3A_40 = vector.shape_cast %reduce_sum3A_39 : vector<40x256xf32> to vector<1x40x256xf32>
    %add3A_41 = arith.constant 1.000000e-16 : f32
    %add3A_42 = vector.broadcast %add3A_41 : f32 to vector<1x40x256xf32>
    %add3A_43 = arith.addf %broadcast_in_dim3A_40, %add3A_42 : vector<1x40x256xf32>
    %div3A_44 = vector.broadcast %add3A_43 : vector<1x40x256xf32> to vector<32x40x256xf32>
    %div3A_45 = arith.divf %exp3A, %div3A_44 : vector<32x40x256xf32>
    %get3A_46 = arith.constant 0 : index
    %get3A_47 = arith.constant 0 : index
    %get3A_48 = arith.constant 0 : index
    %get3A_49 = vector.load %arg7[%get3A_46, %get3A_47, %get3A_48] : memref<32x40x256xf32, #tpu.memory_space<vmem>>, vector<32x40x256xf32>
    %get3A_50 = arith.constant 0 : index
    %get3A_51 = arith.constant 0 : index
    %get3A_52 = arith.constant 0 : index
    %get3A_53 = vector.load %arg6[%get3A_50, %get3A_51, %get3A_52] : memref<32x40x256xf32, #tpu.memory_space<vmem>>, vector<32x40x256xf32>
    %add3A_54 = arith.addf %get3A_49, %get3A_53 : vector<32x40x256xf32>
    %mul3A_55 = arith.mulf %div3A_45, %add3A_54 : vector<32x40x256xf32>
    %get3A_56 = arith.constant 0 : index
    %get3A_57 = arith.constant 0 : index
    %get3A_58 = arith.constant 0 : index
    %get3A_59 = vector.load %arg8[%get3A_56, %get3A_57, %get3A_58] : memref<32x40x1xf32, #tpu.memory_space<vmem>>, vector<32x40x1xf32>
    %mul3A_60 = vector.broadcast %get3A_59 : vector<32x40x1xf32> to vector<32x40x256xf32>
    %mul3A_61 = arith.mulf %mul3A_55, %mul3A_60 : vector<32x40x256xf32>
    %reduce_sum3A_62 = arith.constant dense<0.000000e+00> : vector<40x256xf32>
    %reduce_sum3A_63 = vector.multi_reduction <add>, %mul3A_61, %reduce_sum3A_62 [0] : vector<32x40x256xf32> to vector<40x256xf32>
    %swap3A = arith.constant 0 : index
    %swap3A_64 = arith.constant 0 : index
    %swap3A_65 = vector.load %arg9[%swap3A, %swap3A_64] : memref<40x256xf32, #tpu.memory_space<vmem>>, vector<40x256xf32>
    tpu.vector_store %arg9[%swap3A, %swap3A_64], %reduce_sum3A_63 {strides = array<i32>} : memref<40x256xf32, #tpu.memory_space<vmem>>, vector<40x256xf32>,
    return
  }
  func.func @transform_0(%arg0: i32) -> (i32, i32, i32) {
    %c0_i32 = arith.constant 0 : i32
    %c0_i32_0 = arith.constant 0 : i32
    %c0_i32_1 = arith.constant 0 : i32
    return %c0_i32, %arg0, %c0_i32_0 : i32, i32, i32
  }
  func.func @transform_1(%arg0: i32) -> (i32, i32) {
    %c0_i32 = arith.constant 0 : i32
    %c0_i32_0 = arith.constant 0 : i32
    %c0_i32_1 = arith.constant 0 : i32
    return %c0_i32, %c0_i32_0 : i32, i32
  }
  func.func @transform_2(%arg0: i32) -> (i32, i32) {
    %c0_i32 = arith.constant 0 : i32
    %c0_i32_0 = arith.constant 0 : i32
    %c0_i32_1 = arith.constant 0 : i32
    return %c0_i32, %c0_i32_0 : i32, i32
  }
  func.func @transform_3(%arg0: i32) -> (i32, i32) {
    %c0_i32 = arith.constant 0 : i32
    %c0_i32_0 = arith.constant 0 : i32
    %c0_i32_1 = arith.constant 0 : i32
    return %c0_i32, %c0_i32_0 : i32, i32
  }
  func.func @transform_4(%arg0: i32) -> (i32, i32) {
    %c0_i32 = arith.constant 0 : i32
    %c0_i32_0 = arith.constant 0 : i32
    %c0_i32_1 = arith.constant 0 : i32
    return %c0_i32, %c0_i32_0 : i32, i32
  }
  func.func @transform_5(%arg0: i32) -> (i32, i32, i32) {
    %c0_i32 = arith.constant 0 : i32
    %c0_i32_0 = arith.constant 0 : i32
    %c0_i32_1 = arith.constant 0 : i32
    return %c0_i32, %arg0, %c0_i32_0 : i32, i32, i32
  }
  func.func @transform_6(%arg0: i32) -> (i32, i32, i32) {
    %c0_i32 = arith.constant 0 : i32
    %c0_i32_0 = arith.constant 0 : i32
    %c0_i32_1 = arith.constant 0 : i32
    return %c0_i32, %arg0, %c0_i32_0 : i32, i32, i32
  }
  func.func @transform_7(%arg0: i32) -> (i32, i32, i32) {
    %c0_i32 = arith.constant 0 : i32
    %c0_i32_0 = arith.constant 0 : i32
    %c0_i32_1 = arith.constant 0 : i32
    return %c0_i32, %arg0, %c0_i32_0 : i32, i32, i32
  }
  func.func @transform_8(%arg0: i32) -> (i32, i32) {
    %c0_i32 = arith.constant 0 : i32
    %c0_i32_0 = arith.constant 0 : i32
    return %arg0, %c0_i32 : i32, i32
  }
}

module attributes {stable_mosaic.version = 14 : i64} {
  func.func @_mm_kernel(%arg0: i32, %arg1: memref<512x256xf32, #tpu.memory_space<vmem>>, %arg2: memref<256x256xf32, #tpu.memory_space<vmem>>, %arg3: memref<512x256xf32, #tpu.memory_space<vmem>>) attributes {dimension_semantics = [#tpu.dimension_semantics<arbitrary>], iteration_bounds = array<i64: 10>, scalar_prefetch = 0 : i64, scratch_operands = 0 : i64, tpu.core_type = #tpu.core_type<tc>, window_params = [{transform_indices = @transform_0, window_bounds = array<i64: 512, 256>}, {pipeline_mode = #tpu.pipeline_mode<synchronous>, transform_indices = @transform_1, window_bounds = array<i64: 256, 256>}, {transform_indices = @transform_2, window_bounds = array<i64: 512, 256>}]} {
    %get3A = arith.constant 0 : index
    %get3A_0 = arith.constant 0 : index
    %get3A_1 = vector.load %arg1[%get3A, %get3A_0] : memref<512x256xf32, #tpu.memory_space<vmem>>, vector<512x256xf32>
    %get3A_2 = arith.constant 0 : index
    %get3A_3 = arith.constant 0 : index
    %get3A_4 = vector.load %arg2[%get3A_2, %get3A_3] : memref<256x256xf32, #tpu.memory_space<vmem>>, vector<256x256xf32>
    %dot_general3A = arith.constant dense<0.000000e+00> : vector<512x256xf32>
    %dot_general3A_5 = tpu.matmul %get3A_1, %get3A_4, %dot_general3A {dimension_numbers = #tpu.dot_dimension_numbers<[1], [0], [0], [1], [0, 0, 1, 1], [], []>, transpose_lhs_hint = false} : vector<512x256xf32>, vector<256x256xf32>, vector<512x256xf32> -> vector<512x256xf32>
    %swap3A = arith.constant 0 : index
    %swap3A_6 = arith.constant 0 : index
    %swap3A_7 = vector.load %arg3[%swap3A, %swap3A_6] : memref<512x256xf32, #tpu.memory_space<vmem>>, vector<512x256xf32>
    tpu.vector_store %arg3[%swap3A, %swap3A_6], %dot_general3A_5 {strides = array<i32>} : memref<512x256xf32, #tpu.memory_space<vmem>>, vector<512x256xf32>,
    return
  }
  func.func @transform_0(%arg0: i32) -> (i32, i32) {
    %c0_i32 = arith.constant 0 : i32
    %c0_i32_0 = arith.constant 0 : i32
    return %arg0, %c0_i32 : i32, i32
  }
  func.func @transform_1(%arg0: i32) -> (i32, i32) {
    %c0_i32 = arith.constant 0 : i32
    %c0_i32_0 = arith.constant 0 : i32
    %c0_i32_1 = arith.constant 0 : i32
    return %c0_i32, %c0_i32_0 : i32, i32
  }
  func.func @transform_2(%arg0: i32) -> (i32, i32) {
    %c0_i32 = arith.constant 0 : i32
    %c0_i32_0 = arith.constant 0 : i32
    return %arg0, %c0_i32 : i32, i32
  }
}

</mosaic_0001>

<sc_bundles>
// kernel: gather_offload_async_start.1
scs
__scs_entry_jumppad:
0x0: {  	(pc) =	sbr.rel $0x88, $3  }
0x1: {  	(tag) =	ssettag $0x0;
	lr =	simm.s32 $0x1  }
0x2: {  	[smem:$0x3F80] =	sst lr;
	_ =	strace $0xD0000000  }
0x3: {  	_ = 	snop  }
0x4: {  	_ = 	snop  }
0x5: {  	_ = 	snop  }
0x6: {  	_ = 	snop  }
0x7: {  	_ = 	snop  }
__scs_overlays_trampoline_lowered:
0x8: {  	[smem:$0x3F8F] =	sst s0  }
0x9: {  	[smem:$0x3F90] =	sst s1  }
0xa: {  	[smem:$0x3F91] =	sst s2  }
0xb: {  	[smem:$0x3F92] =	sst s3  }
0xc: {  	[smem:$0x3F93] =	sst s4  }
0xd: {  	[smem:$0x3F94] =	sst s5  }
0xe: {  	[smem:$0x3F95] =	sst s6  }
0xf: {  	[smem:$0x3F96] =	sst s7  }
0x10: {  	[smem:$0x3F97] =	sst s8  }
0x11: {  	[smem:$0x3F98] =	sst s9;
	s0 =	simm.s32 @!p0 $0x0  }
0x12: {  	s1 =	sld [smem:$0x3F7E];
	s0 =	simm.s32 @p0 $0x1  }
0x13: {  	[smem:$0x3F99] =	sst s0;
	s0 =	simm.s32 @!p1 $0x0  }
0x14: {  	s2 =	sld [smem:$0x3F7D];
	s0 =	simm.s32 @p1 $0x1  }
0x15: {  	[smem:$0x3F9A] =	sst s0;
	s0 =	simm.s32 @!p2 $0x0  }
0x16: {  	s3 =	sld [smem:$0x3FDB];
	s0 =	simm.s32 @p2 $0x1  }
0x17: {  	s4 =	simm.s32 $0x1BF5;
	[smem:$0x3F9C] =	sst s0  }
0x18: {  	s0 =	sld [smem:$0x3F7F];
	_ =	swait.ge [sflag:s4], $0x0  }
0x19: {  	s7 =	sld [smem:$0x3F80]  }
0x1a: {  	s8 =	sadd.s32 $0xFFFFE003, lr  }
0x1b: {  	s9 =	sadd.s32 $0xFFFFFEF7, lr;
	s5 =	simm.s32 $0xFFFFFFFF;
	p2 =	slt.u32 s8, $0xFFFFF086  }
0x1c: {  	p1 =	slt.u32 s9, $0xF7A;
	s5 =	simm.s32 @!p2 $0x0  }
0x1d: {  	s5 =	simm.s32 @p1 $0x1;
	p0 =	seq.s32 s7, s2  }
0x1e: {  	s7 =	smul.u32 @!p0 $0xF7A, s2;
	p2 =	seq.s32 @!p0 s5, $0x0  }
0x1f: {  	s9 =	smul.u32 $0xF7A, s1;
	s8 =	simm.s32 @!p0 $0x1BF5;
	p2 =	por !p2, p0  }
0x20: {  	[sflag:s8] =	ssyncset.s32 @!p0 $0xFFFFF086;
	s6 =	sadd.s32 @!p0 s3, s7;
	s7 =	simm.s32 @!p0 $0x108  }
0x21: {  	s3 =	sadd.s32 s3, s9;
	s6 =	sadd.s32 @!p0 $0x88, s6;
	s7 =	simm.s32 @p2 $0x1082  }
0x22: {  	[simem:s7], [sflag:s8] =	dma.local @!p0 [hbm:s6], $0xF7A  }
0x23: {  	s9 =	sor.u32 $0xD0000000, s2;
	s6 =	simm.s32 $0x108;
	_ =	swait.ge @!p0 [sflag:s8], $0x0  }
0x24: {  	s3 =	sadd.s32 $0x88, s3;
	s6 =	simm.s32 @!p1 $0x1082;
	[sflag:s4] =	ssyncset.s32 $0xFFFFF086  }
0x25: {  	[simem:s6], [sflag:s4] =	dma.local [hbm:s3], $0xF7A  }
0x26: {  	[smem:$0x3F80] =	sst s1;
	(tag) =	ssettag s2;
	_ =	strace s9  }
0x27: {  	s1 =	sld [smem:$0x3F90]  }
0x28: {  	s2 =	sld [smem:$0x3F91]  }
0x29: {  	s4 =	sld [smem:$0x3F93]  }
0x2a: {  	p0 =	seq.s32 s5, $0x0;
	s5 =	sld [smem:$0x3F94]  }
0x2b: {  	s6 =	sld [smem:$0x3F95]  }
0x2c: {  	s7 =	sld [smem:$0x3F96]  }
0x2d: {  	s3 =	simm.s32 $0x108;
	s8 =	sld [smem:$0x3F97]  }
0x2e: {  	s3 =	simm.s32 @!p0 $0x1082;
	s9 =	sld [smem:$0x3F98]  }
0x2f: {  	lr =	sadd.s32 s0, s3;
	s0 =	sld [smem:$0x3F8F]  }
0x30: {  	s3 =	sld [smem:$0x3F92]  }
0x31: {  	[smem:$0x3F9B] =	sst s10  }
0x32: {  	s10 =	sld [smem:$0x3F99];
	_ =	sdelay $0x3  }
0x33: {  	p0 =	seq.s32 s10, $0x1;
	s10 =	sld [smem:$0x3F9B];
	_ =	sdelay $0x3  }
0x34: {  	[smem:$0x3F9B] =	sst s10  }
0x35: {  	s10 =	sld [smem:$0x3F9A];
	_ =	sdelay $0x3  }
0x36: {  	p1 =	seq.s32 s10, $0x1;
	s10 =	sld [smem:$0x3F9B];
	_ =	sdelay $0x3  }
0x37: {  	[smem:$0x3F9B] =	sst s10  }
0x38: {  	s10 =	sld [smem:$0x3F9C]  }
0x39: {  	_ = 	snop;
	(pc) =	sbr.ind lr, $3  }
0x3a: {  	_ = 	snop  }
0x3b: {  	_ = 	snop  }
0x3c: {  	p2 =	seq.s32 s10, $0x1;
	s10 =	sld [smem:$0x3F9B]  }
0x3d: {  	_ =	shalt  }
0x3e: {  	_ =	shalt  }
0x3f: {  	_ =	shalt  }
0x40: {  	_ =	shalt  }
0x41: {  	_ =	shalt  }
0x42: {  	_ =	shalt  }
0x43: {  	_ =	shalt  }
0x44: {  	_ =	shalt  }
0x45: {  	_ =	shalt  }
0x46: {  	_ =	shalt  }
0x47: {  	_ =	shalt  }
0x48: {  	_ =	shalt  }
0x49: {  	_ =	shalt  }
0x4a: {  	_ =	shalt  }
0x4b: {  	_ =	shalt  }
0x4c: {  	_ =	shalt  }
0x4d: {  	_ =	shalt  }
0x4e: {  	_ =	shalt  }
0x4f: {  	_ =	shalt  }
0x50: {  	_ =	shalt  }
0x51: {  	_ =	shalt  }
0x52: {  	_ =	shalt  }
0x53: {  	_ =	shalt  }
0x54: {  	_ =	shalt  }
0x55: {  	_ =	shalt  }
0x56: {  	_ =	shalt  }
0x57: {  	_ =	shalt  }
0x58: {  	_ =	shalt  }
0x59: {  	_ =	shalt  }
0x5a: {  	_ =	shalt  }
0x5b: {  	_ =	shalt  }
0x5c: {  	_ =	shalt  }
0x5d: {  	_ =	shalt  }
0x5e: {  	_ =	shalt  }
0x5f: {  	_ =	shalt  }
0x60: {  	_ =	shalt  }
0x61: {  	_ =	shalt  }
0x62: {  	_ =	shalt  }
0x63: {  	_ =	shalt  }
0x64: {  	_ =	shalt  }
0x65: {  	_ =	shalt  }
0x66: {  	_ =	shalt  }
0x67: {  	_ =	shalt  }
0x68: {  	_ =	shalt  }
0x69: {  	_ =	shalt  }
0x6a: {  	_ =	shalt  }
0x6b: {  	_ =	shalt  }
0x6c: {  	_ =	shalt  }
0x6d: {  	_ =	shalt  }
0x6e: {  	_ =	shalt  }
0x6f: {  	_ =	shalt  }
0x70: {  	_ =	shalt  }
0x71: {  	_ =	shalt  }
0x72: {  	_ =	shalt  }
0x73: {  	_ =	shalt  }
0x74: {  	_ =	shalt  }
0x75: {  	_ =	shalt  }
0x76: {  	_ =	shalt  }
0x77: {  	_ =	shalt  }
0x78: {  	_ =	shalt  }
0x79: {  	_ =	shalt  }
0x7a: {  	_ =	shalt  }
0x7b: {  	_ =	shalt  }
0x7c: {  	_ =	shalt  }
0x7d: {  	_ =	shalt  }
0x7e: {  	_ =	shalt  }
0x7f: {  	_ =	shalt  }
0x80: {  	_ =	shalt  }
0x81: {  	_ =	shalt  }
0x82: {  	_ =	shalt  }
0x83: {  	_ =	shalt  }
0x84: {  	_ =	shalt  }
0x85: {  	_ =	shalt  }
0x86: {  	_ =	shalt  }
0x87: {  	_ =	shalt  }
.Lfunc_end0:
.L_simem_size_0:
called_computation.2_lowered:
.L_overlay_start_0:
0x88: {  	s0 =	sld [smem:$0x3FD9]  }
0x89: {  	s1 =	sld [smem:$0x3FFE];
	_ =	sdelay $0x3  }
0x8a: {  	s0 =	sadd.s32 s1, s0  }
0x8b: {  	[smem:$0x3FA7] =	sst s0  }
0x8c: {  	_ = 	snop  }
0x8d: {  	s0 =	sld [smem:$0x3FD0];
	(tm) =	ssettm $0x1  }
0x8e: {  	s16 =	sld [smem:$0x3FFB];
	_ =	sdelay $0x3  }
0x8f: {  	_ =	strace s16  }
0x90: {  	s1 =	sld [smem:$0x3FFC];
	_ =	sdelay $0x3  }
0x91: {  	_ =	strace s1  }
0x92: {  	s1 =	sld [smem:$0x3FFD];
	_ =	sdelay $0x3  }
0x93: {  	_ =	strace s1  }
0x94: {  	_ =	strace $0x8FFFFFFF  }
0x95: {  	s17 =	sld [smem:$0x3FDB];
	_ =	sdelay $0x1  }
0x96: {  	s2 =	simm.s32 $_scs_section_size  }
0x97: {  	s3 =	simm.s32 $_size__tile_overlayer_lowered;
	s4 =	simm.s32 $_tile_overlayer_lowered  }
0x98: {  	s20 =	simm.s32 $0x1BFF;
	s19 =	sshll.u32 s4, $0x1;
	s1 =	sadd.s32 s2, s17  }
0x99: {  	s5 =	simm.s32 $0x0;
	s18 =	sshll.u32 s3, $0x1;
	s3 =	sadd.s32 s19, s1  }
0x9a: {  	[timem:s5], [sflag:s20] =	dma.local [hbm:s3], s18  }
0x9b: {  	_ =	swait.ge [sflag:s20], s18  }
0x9c: {  	s2 =	ssub.s32 $0x0, s18;
	[sflag:s20] =	ssyncset.done $0x0  }
0x9d: {  	[sflag:s20] =	ssyncadd.s32 s2;
	_ =	sdelay $0x1  }
0x9e: {  	s21 =	simm.s32 $0x1B8B  }
0x9f: {  	_ =	swait.ge [sflag:s21], $0x1  }
0xa0: {  	[sflag:s21] =	ssyncset.done $0x0  }
0xa1: {  	s23 =	simm.s32 $0x1B8E;
	s22 =	sld [smem:$0x3FFE];
	[sflag:s21] =	ssyncadd.s32 $0xFFFFFFFF  }
0xa2: {  	s24 =	simm.s32 $execute0_lowered;
	[smem:$0x3FD2] =	sst s23  }
0xa3: {  	s3 =	sshll.u32 s24, $0x1;
	_ =	strace $0x80000046;
	[dreg:$0x1] =	wrdreg $0xFFFFFFFF  }
0xa4: {  	s25 =	simm.s32 $_size_execute0_lowered;
	s1 =	sadd.s32 s1, s3;
	[dreg:$0x0] =	wrdreg $0x0  }
0xa5: {  	s3 =	sshll.u32 s25, $0x1;
	[dreg:$0x2] =	wrdreg s1  }
0xa6: {  	[dreg:$0x3] =	wrdreg s3  }
0xa7: {  	[dreg:$0x4] =	wrdreg $0xC0  }
0xa8: {  	_ =	task [dreg:s5], $0x5FFFF  }
0xa9: {  	[dreg:$0x1] =	wrdreg $0xFFFFFFFF  }
0xaa: {  	[dreg:$0x0] =	wrdreg $0x60  }
0xab: {  	[dreg:$0x2] =	wrdreg s0  }
0xac: {  	[dreg:$0x3] =	wrdreg s22  }
0xad: {  	[dreg:$0x4] =	wrdreg $0xA  }
0xae: {  	_ =	task.clear_ibuf [dreg:s5], $0x5FFFF;
	_ =	strace $0x90000046  }
0xaf: {  	s26 =	simm.s32 $0xA;
	_ =	strace $0x80000048  }
0xb0: {  	_ =	swait.ge [sflag:s26], $0x1  }
0xb1: {  	[sflag:s26] =	ssyncadd.s32 $0xFFFFFFFF  }
0xb2: {  	_ =	strace $0x90000048  }
0xb3: {  	_ =	sfence  }
0xb4: {  	s28 =	sld [smem:$0x0];
	_ =	sdelay $0x1  }
0xb5: {  	s29 =	srdreg.scid  }
0xb6: {  	s30 =	sshll.u32 s29, $0xD;
	s31 =	sshrl.u32 s29, $0x2  }
0xb7: {  	s2 =	sand.u32 $0x4000, s30;
	s1 =	sand.u32 $0x1, s29;
	s0 =	sadd.s32 s31, s28  }
0xb8: {  	s1 =	sor.u32 s2, s1;
	s0 =	sshll.u32 s0, $0x11  }
0xb9: {  	s0 =	sor.u32 s0, s1  }
0xba: {  	s0 =	sadd.s32 $0x8F2B, s0  }
0xbb: {  	[sflag:s0] =	ssyncadd.remote.s32 $0x1  }
0xbc: {  	_ =	sfence.sel $0xFFFF  }
0xbd: {  	[dreg:$0x0] =	wrdreg $0xFFFFFFFF;
	(pc) =	sbr.abs _section_cstart, $3  }
0xbe: {  	[dreg:$0x1] =	wrdreg $0xFFFFFFFF  }
0xbf: {  	_ =	task.clear_ibuf [dreg:s5], $0x2FFFF;
	_ =	strace $0x9FFFFFFF  }
0xc0: {  	(tm) =	ssettm $0x7FFFFFFF  }
0xc1: {  	_ =	shalt  }
tec
execute0_lowered:
.L_overlay_start_1:
0x0: {  	(tag) =	ssettag $0x1  }
0x1: {  	s0 =	stileid.u32  }
0x2: {  	s1 =	smin.u32 s0, $0x9  }
0x3: {  	s1 =	sadd.s32 s0, s1  }
0x4: {  	s2 =	simm.s32 $0x190;
	p0 =	slt.u32 s0, $0x9;
	s1 =	smul.u32 $0xC8, s1  }
0x5: {  	s2 =	simm.s32 @!p0 $0xC8  }
0x6: {  	s2 =	sadd.s32 s2, s1  }
0x7: {  	s3 =	smin.u32 s2, $0x1388  }
0x8: {  	s7 =	ssub.s32 s3, s1  }
0x9: {  	p0 =	sgt.s32 s7, $0x0  }
0xa: {  	s7 =	simm.s32 @!p0 $0x0  }
0xb: {  	s31 =	sand.u32 $0xFFF8, s7  }
0xc: {  	s2 =	sshrl.u32 s31, $0x3  }
0xd: {  	s4 =	rddreg [dreg:$0x0];
	s2 =	smul.u32 $0x147B, s2  }
0xe: {  	s9 =	rddreg [dreg:$0x1];
	s6 =	simm.s32 $0x1  }
0xf: {  	s11 =	simm.s32 $0x3;
	s13 =	simm.s32 $0x0;
	s8 =	sshrl.u32 s2, $0x11  }
0x10: {  	s12 =	simm.s32 $0x0;
	s5 =	sadd.s32 $0x1800, s9;
	s10 =	smul.u32 $0xC8, s8  }
.Ltmp0:
0x11: {  	s9 =	sadd.s32 $0x1C00, s9;
	s2 =	rddreg [dreg:$0x2];
	(pc) =	sbr.rel .LBB2_1-.Ltmp0, $4  }
0x12: {  	_ =	strace $0x80000047;
	p0 =	sne.s32 s7, s10;
	s10 =	simm.s32 $0x1  }
0x13: {  	[sflag:s6] =	ssyncpa.u1 $0x0;
	s7 =	simm.s32 $0x2;
	s10 =	simm.s32 @!p0 $0x0  }
0x14: {  	[sflag:s7] =	ssyncpa.u1 $0x0;
	p0 =	por $0x0, $0x0;
	s8 =	sadd.s32 s8, s10  }
0x15: {  	vm0 =	vmmov $0xff;
	vm1 =	vcmask $0x3F20;
	[sflag:s11] =	ssyncpa.u1 $0x0;
	s11 =	smov.u32 s1;
	s10 =	sadd.s32 $0x1, s8  }
.LBB2_6:
0x16: {  	[hbm:s17] =	stream.linear.scatter [tilespmem:s14], [sflag:$0x3], $0x400, $0x38;
	[tilespmem:$0xC990] =	vst v63  }
.LBB2_7:
0x17: {  	s13 =	sadd.s32 $0xC8, s11  }
0x18: {  	s15 =	smov.u32 s1;
	p2 =	slt.s32 s13, s3  }
0x19: {  	s15 =	smov.u32 @p2 s13;
	p2 =	sne.s32 s12, s10  }
.Ltmp1:
0x1a: {  	p1 =	slt.u32 s12, $0x2;
	(pc) =	sbr.rel @!p2 .LBB2_8-.Ltmp1, $4  }
0x1b: {  	s14 =	simm.s32 @!p1 $0x3  }
0x1c: {  	s16 =	sadd.s32 $0x1, s12;
	_ =	swait.ge @!p1 [sflag:s14], $0x6400  }
0x1d: {  	p0 =	por !p0, !p0;
	s13 =	smov.u32 s11;
	[sflag:s14] =	ssyncset.done @!p1 $0x0  }
0x1e: {  	s12 =	smov.u32 s16;
	s11 =	smov.u32 s15;
	[sflag:s14] =	ssyncadd.s32 @!p1 $0xFFFF9C00  }
.LBB2_1:
0x1f: {  	p1 =	sge.u32 s12, s8  }
0x20: {  	s14 =	sxor.u32 @!p1 $0xFFFFFFFF, s12  }
0x21: {  	s14 =	sand.u32 @!p1 $0x1, s14  }
0x22: {  	s14 =	smul.u32 @!p1 $0x320, s14  }
0x23: {  	s31 =	sadd.s32 $0xFFFFFFFF, s12;
	s15 =	sshrl.u32 @!p1 s11, $0x3  }
0x24: {  	s16 =	sand.u32 @!p1 $0x7, s11;
	s15 =	sadd.s32 @!p1 s5, s15;
	s14 =	sshrl.u32 @!p1 s14, $0x2  }
0x25: {  	[tilespmem:s14], [sflag:$0x2] =	stream.linear.gather @!p1 [hbm4b:s15+s16], $0xC8, $0x38;
	[tilespmem:$0xC990] =	vst v63  }
0x26: {  	p1 =	sge.u32 s31, s8  }
.Ltmp2:
0x27: {  	_ = 	snop;
	(pc) =	sbr.rel @p1 .LBB2_7-.Ltmp2, $1  }
0x28: {  	_ =	sdelay $0x3  }
0x29: {  	s14 =	simm.s32 $0x1  }
0x2a: {  	s14 =	simm.s32 @!p0 $0x0  }
0x2b: {  	s15 =	smul.u32 $0x320, s14  }
0x2c: {  	_ =	swait.ge [sflag:s7], $0xC8  }
0x2d: {  	[sflag:s7] =	ssyncset.done $0x0;
	s16 =	sshrl.u32 s15, $0x2  }
0x2e: {  	[sflag:s7] =	ssyncadd.s32 $0xFFFFFF38;
	s15 =	sadd.s32 $0x0, s16  }
0x2f: {  	v0 =	vld.msk [tilespmem:s15+$0x0 ss:$0x1], $0xffff;
	_ =	sdelay $0x4  }
0x30: {  	vm2 =	vgt.s32 v0, $0x0  }
0x31: {  	v0 =	vnsel vm2, $0x0, v0  }
0x32: {  	v0 =	vmin.u32 v0, $0x270F  }
0x33: {  	v0 =	vshll.u32 v0, $0x4  }
0x34: {  	s14 =	smul.u32 $0x19000, s14  }
0x35: {  	s31 =	sand.u32 $0x1, s12  }
0x36: {  	s17 =	smul.u32 $0x320, s31;
	s14 =	sshrl.u32 s14, $0x2  }
0x37: {  	s19 =	smul.u32 $0x19000, s31;
	s14 =	sor.u32 $0x190, s14  }
0x38: {  	[tilespmem:s14], [sflag:$0x1] =	stream.indirect_vreg.gather [hbm:s4], $0x80, v0, vm0, $0x38;
	[tilespmem:$0xC990] =	vst v63  }
0x39: {  	s18 =	sshrl.u32 s17, $0x2;
	s20 =	sadd.s32 $0x10, s16;
	s15 =	sadd.s32 $0x400, s14  }
0x3a: {  	[tilespmem:s15], [sflag:$0x1] =	stream.indirect_vreg.gather [hbm:s4], $0x80, v0, vm1, $0x38;
	[tilespmem:$0xC990] =	vst v63  }
0x3b: {  	s17 =	sshrl.u32 s19, $0x2;
	s19 =	smov.u32 s14;
	v0 =	vld.msk [tilespmem:s20+$0x0 ss:$0x1], $0xffff;
	s20 =	simm.s32 $0x80  }
.LBB2_3:
0x3c: {  	p1 =	sne.s32 s20, $0x2C0;
	_ =	sdelay $0x4  }
0x3d: {  	vm2 =	vgt.s32 v0, $0x0  }
0x3e: {  	v0 =	vnsel vm2, $0x0, v0  }
0x3f: {  	v0 =	vmin.u32 v0, $0x270F  }
0x40: {  	v0 =	vshll.u32 v0, $0x4;
	_ =	sdelay $0x3  }
.Ltmp3:
0x41: {  	s21 =	sshra.s32 s20, $0x2;
	s19 =	sadd.s32 $0x800, s19;
	(pc) =	sbr.rel @p1 .LBB2_3-.Ltmp3, $4  }
0x42: {  	[tilespmem:s19], [sflag:$0x1] =	stream.indirect_vreg.gather [hbm:s4], $0x80, v0, vm0, $0x38;
	[tilespmem:$0xC990] =	vst v63  }
0x43: {  	s21 =	sadd.s32 s21, s16;
	s22 =	sadd.s32 $0x400, s19  }
0x44: {  	[tilespmem:s22], [sflag:$0x1] =	stream.indirect_vreg.gather [hbm:s4], $0x80, v0, vm1, $0x38;
	[tilespmem:$0xC990] =	vst v63  }
0x45: {  	s20 =	sadd.s32 $0x40, s20;
	v0 =	vld.msk [tilespmem:s21+$0x0 ss:$0x1], $0xffff  }
0x46: {  	_ =	sdelay $0x3  }
0x47: {  	vm2 =	vgt.s32 v0, $0x0  }
0x48: {  	v0 =	vnsel vm2, $0x0, v0  }
0x49: {  	v0 =	vmin.u32 v0, $0x270F  }
0x4a: {  	v0 =	vshll.u32 v0, $0x4;
	_ =	sdelay $0x3  }
0x4b: {  	s16 =	sadd.s32 $0x800, s19  }
0x4c: {  	[tilespmem:s16], [sflag:$0x1] =	stream.indirect_vreg.gather [hbm:s4], $0x80, v0, vm0, $0x38;
	[tilespmem:$0xC990] =	vst v63  }
0x4d: {  	s16 =	sadd.s32 $0x400, s16  }
0x4e: {  	[tilespmem:s16], [sflag:$0x1] =	stream.indirect_vreg.gather [hbm:s4], $0x80, v0, vm1, $0x38;
	[tilespmem:$0xC990] =	vst v63  }
0x4f: {  	v0 =	vld.msk [tilespmem:s18+$0xC0 ss:$0x1], $0xff;
	_ =	sdelay $0x4  }
0x50: {  	vm2 =	vgt.s32 v0, $0x0  }
0x51: {  	v0 =	vnsel vm2, $0x0, v0  }
0x52: {  	v0 =	vmin.u32 v0, $0x270F  }
0x53: {  	v0 =	vshll.u32 v0, $0x4;
	_ =	sdelay $0x3  }
0x54: {  	s31 =	sadd.s32 $0x6190, s17  }
0x55: {  	[tilespmem:s31], [sflag:$0x1] =	stream.indirect_vreg.gather [hbm:s4], $0x80, v0, vm0, $0x38;
	[tilespmem:$0xC990] =	vst v63  }
0x56: {  	s13 =	sshll.u32 s13, $0x4;
	_ =	swait.ge [sflag:s6], $0x6400  }
0x57: {  	s13 =	sadd.s32 s13, s9;
	[sflag:s6] =	ssyncset.done $0x0  }
0x58: {  	s17 =	sadd.s32 $0x0, s13;
	s16 =	simm.s32 $0x80;
	[sflag:s6] =	ssyncadd.s32 $0xFFFF9C00  }
.LBB2_5:
0x59: {  	[hbm:s17] =	stream.linear.scatter [tilespmem:s14], [sflag:$0x3], $0x400, $0x38;
	[tilespmem:$0xC990] =	vst v63  }
0x5a: {  	s17 =	smov.u32 s16;
	s14 =	smov.u32 s15;
	p1 =	sne.s32 s16, $0xC00  }
.Ltmp4:
0x5b: {  	s16 =	sadd.s32 $0x80, s16;
	(pc) =	sbr.rel @p1 .LBB2_5-.Ltmp4, $2  }
0x5c: {  	_ =	sdelay $0x2  }
0x5d: {  	s15 =	sadd.s32 $0x400, s15;
	s17 =	sadd.s32 s17, s13  }
.Ltmp5:
0x5e: {  	_ = 	snop;
	(pc) =	sbr.rel .LBB2_6-.Ltmp5, $1  }
0x5f: {  	_ =	sdelay $0x3  }
.LBB2_8:
0x60: {  	_ =	sfence.sel $0x180000  }
0x61: {  	s1 =	simm.s32 $0x2;
	[bflag:$0x0] =	sbarrier.arrive $0xFFFF  }
0x62: {  	s30 =	simm.s32 $0x3;
	[sflag:s1] =	ssyncpa.u1 $0x1  }
0x63: {  	s31 =	simm.s32 $0x1;
	[sflag:s30] =	ssyncpa.u1 $0x1  }
0x64: {  	[sflag:s31] =	ssyncpa.u1 $0x1  }
0x65: {  	p0 =	sne.s32 s0, $0x0;
	_ =	strace $0x90000047  }
0x66: {  	s0 =	sadd.s32 @!p0 $0x100000, s2;
	[bflag:$0x2] =	sbarrier.arrive $0xFFFF  }
0x67: {  	[sflag:s0] =	ssyncadd.tile.s32 @!p0 $0x1;
	_ =	shalt  }
.Lfunc_end2:
_tile_overlayer_lowered:
.L_overlay_start_2:
0x68: {  	(tag) =	ssettag $0x2  }
0x69: {  	s0 =	rddreg [dreg:$0x0];
	s2 =	stileid.u32  }
0x6a: {  	s1 =	rddreg [dreg:$0x1];
	p0 =	sne.s32 s2, $0x0  }
0x6b: {  	s3 =	rddreg [dreg:$0x2];
	[bflag:$0x3] =	sbarrier.arrive $0xFFFF;
	s2 =	simm.s32 @!p0 $0x1C01  }
0x6c: {  	[timem:s3], [sflag:s2] =	dma.local @!p0 [hbm:s0], s1  }
0x6d: {  	s0 =	simm.s32 @!p0 $0x1  }
0x6e: {  	_ =	swait.ge @!p0 [sflag:s0], s1  }
0x6f: {  	s1 =	ssub.s32 @!p0 $0x0, s1;
	[sflag:s0] =	ssyncset.done @!p0 $0x0  }
0x70: {  	[sflag:s0] =	ssyncadd.s32 @!p0 s1  }
0x71: {  	[bflag:$0x3] =	sbarrier.arrive $0xFFFF  }
0x72: {  	_ =	shalt  }

// kernel: gather_offload_async_start
scs
__scs_entry_jumppad:
0x0: {  	(pc) =	sbr.rel $0x88, $3  }
0x1: {  	(tag) =	ssettag $0x0;
	lr =	simm.s32 $0x1  }
0x2: {  	[smem:$0x3F80] =	sst lr;
	_ =	strace $0xD0000000  }
0x3: {  	_ = 	snop  }
0x4: {  	_ = 	snop  }
0x5: {  	_ = 	snop  }
0x6: {  	_ = 	snop  }
0x7: {  	_ = 	snop  }
__scs_overlays_trampoline_lowered:
0x8: {  	[smem:$0x3F8F] =	sst s0  }
0x9: {  	[smem:$0x3F90] =	sst s1  }
0xa: {  	[smem:$0x3F91] =	sst s2  }
0xb: {  	[smem:$0x3F92] =	sst s3  }
0xc: {  	[smem:$0x3F93] =	sst s4  }
0xd: {  	[smem:$0x3F94] =	sst s5  }
0xe: {  	[smem:$0x3F95] =	sst s6  }
0xf: {  	[smem:$0x3F96] =	sst s7  }
0x10: {  	[smem:$0x3F97] =	sst s8  }
0x11: {  	[smem:$0x3F98] =	sst s9;
	s0 =	simm.s32 @!p0 $0x0  }
0x12: {  	s1 =	sld [smem:$0x3F7E];
	s0 =	simm.s32 @p0 $0x1  }
0x13: {  	[smem:$0x3F99] =	sst s0;
	s0 =	simm.s32 @!p1 $0x0  }
0x14: {  	s2 =	sld [smem:$0x3F7D];
	s0 =	simm.s32 @p1 $0x1  }
0x15: {  	[smem:$0x3F9A] =	sst s0;
	s0 =	simm.s32 @!p2 $0x0  }
0x16: {  	s3 =	sld [smem:$0x3FDB];
	s0 =	simm.s32 @p2 $0x1  }
0x17: {  	s4 =	simm.s32 $0x1BF5;
	[smem:$0x3F9C] =	sst s0  }
0x18: {  	s0 =	sld [smem:$0x3F7F];
	_ =	swait.ge [sflag:s4], $0x0  }
0x19: {  	s7 =	sld [smem:$0x3F80]  }
0x1a: {  	s8 =	sadd.s32 $0xFFFFE003, lr  }
0x1b: {  	s9 =	sadd.s32 $0xFFFFFEF7, lr;
	s5 =	simm.s32 $0xFFFFFFFF;
	p2 =	slt.u32 s8, $0xFFFFF086  }
0x1c: {  	p1 =	slt.u32 s9, $0xF7A;
	s5 =	simm.s32 @!p2 $0x0  }
0x1d: {  	s5 =	simm.s32 @p1 $0x1;
	p0 =	seq.s32 s7, s2  }
0x1e: {  	s7 =	smul.u32 @!p0 $0xF7A, s2;
	p2 =	seq.s32 @!p0 s5, $0x0  }
0x1f: {  	s9 =	smul.u32 $0xF7A, s1;
	s8 =	simm.s32 @!p0 $0x1BF5;
	p2 =	por !p2, p0  }
0x20: {  	[sflag:s8] =	ssyncset.s32 @!p0 $0xFFFFF086;
	s6 =	sadd.s32 @!p0 s3, s7;
	s7 =	simm.s32 @!p0 $0x108  }
0x21: {  	s3 =	sadd.s32 s3, s9;
	s6 =	sadd.s32 @!p0 $0x88, s6;
	s7 =	simm.s32 @p2 $0x1082  }
0x22: {  	[simem:s7], [sflag:s8] =	dma.local @!p0 [hbm:s6], $0xF7A  }
0x23: {  	s9 =	sor.u32 $0xD0000000, s2;
	s6 =	simm.s32 $0x108;
	_ =	swait.ge @!p0 [sflag:s8], $0x0  }
0x24: {  	s3 =	sadd.s32 $0x88, s3;
	s6 =	simm.s32 @!p1 $0x1082;
	[sflag:s4] =	ssyncset.s32 $0xFFFFF086  }
0x25: {  	[simem:s6], [sflag:s4] =	dma.local [hbm:s3], $0xF7A  }
0x26: {  	[smem:$0x3F80] =	sst s1;
	(tag) =	ssettag s2;
	_ =	strace s9  }
0x27: {  	s1 =	sld [smem:$0x3F90]  }
0x28: {  	s2 =	sld [smem:$0x3F91]  }
0x29: {  	s4 =	sld [smem:$0x3F93]  }
0x2a: {  	p0 =	seq.s32 s5, $0x0;
	s5 =	sld [smem:$0x3F94]  }
0x2b: {  	s6 =	sld [smem:$0x3F95]  }
0x2c: {  	s7 =	sld [smem:$0x3F96]  }
0x2d: {  	s3 =	simm.s32 $0x108;
	s8 =	sld [smem:$0x3F97]  }
0x2e: {  	s3 =	simm.s32 @!p0 $0x1082;
	s9 =	sld [smem:$0x3F98]  }
0x2f: {  	lr =	sadd.s32 s0, s3;
	s0 =	sld [smem:$0x3F8F]  }
0x30: {  	s3 =	sld [smem:$0x3F92]  }
0x31: {  	[smem:$0x3F9B] =	sst s10  }
0x32: {  	s10 =	sld [smem:$0x3F99];
	_ =	sdelay $0x3  }
0x33: {  	p0 =	seq.s32 s10, $0x1;
	s10 =	sld [smem:$0x3F9B];
	_ =	sdelay $0x3  }
0x34: {  	[smem:$0x3F9B] =	sst s10  }
0x35: {  	s10 =	sld [smem:$0x3F9A];
	_ =	sdelay $0x3  }
0x36: {  	p1 =	seq.s32 s10, $0x1;
	s10 =	sld [smem:$0x3F9B];
	_ =	sdelay $0x3  }
0x37: {  	[smem:$0x3F9B] =	sst s10  }
0x38: {  	s10 =	sld [smem:$0x3F9C]  }
0x39: {  	_ = 	snop;
	(pc) =	sbr.ind lr, $3  }
0x3a: {  	_ = 	snop  }
0x3b: {  	_ = 	snop  }
0x3c: {  	p2 =	seq.s32 s10, $0x1;
	s10 =	sld [smem:$0x3F9B]  }
0x3d: {  	_ =	shalt  }
0x3e: {  	_ =	shalt  }
0x3f: {  	_ =	shalt  }
0x40: {  	_ =	shalt  }
0x41: {  	_ =	shalt  }
0x42: {  	_ =	shalt  }
0x43: {  	_ =	shalt  }
0x44: {  	_ =	shalt  }
0x45: {  	_ =	shalt  }
0x46: {  	_ =	shalt  }
0x47: {  	_ =	shalt  }
0x48: {  	_ =	shalt  }
0x49: {  	_ =	shalt  }
0x4a: {  	_ =	shalt  }
0x4b: {  	_ =	shalt  }
0x4c: {  	_ =	shalt  }
0x4d: {  	_ =	shalt  }
0x4e: {  	_ =	shalt  }
0x4f: {  	_ =	shalt  }
0x50: {  	_ =	shalt  }
0x51: {  	_ =	shalt  }
0x52: {  	_ =	shalt  }
0x53: {  	_ =	shalt  }
0x54: {  	_ =	shalt  }
0x55: {  	_ =	shalt  }
0x56: {  	_ =	shalt  }
0x57: {  	_ =	shalt  }
0x58: {  	_ =	shalt  }
0x59: {  	_ =	shalt  }
0x5a: {  	_ =	shalt  }
0x5b: {  	_ =	shalt  }
0x5c: {  	_ =	shalt  }
0x5d: {  	_ =	shalt  }
0x5e: {  	_ =	shalt  }
0x5f: {  	_ =	shalt  }
0x60: {  	_ =	shalt  }
0x61: {  	_ =	shalt  }
0x62: {  	_ =	shalt  }
0x63: {  	_ =	shalt  }
0x64: {  	_ =	shalt  }
0x65: {  	_ =	shalt  }
0x66: {  	_ =	shalt  }
0x67: {  	_ =	shalt  }
0x68: {  	_ =	shalt  }
0x69: {  	_ =	shalt  }
0x6a: {  	_ =	shalt  }
0x6b: {  	_ =	shalt  }
0x6c: {  	_ =	shalt  }
0x6d: {  	_ =	shalt  }
0x6e: {  	_ =	shalt  }
0x6f: {  	_ =	shalt  }
0x70: {  	_ =	shalt  }
0x71: {  	_ =	shalt  }
0x72: {  	_ =	shalt  }
0x73: {  	_ =	shalt  }
0x74: {  	_ =	shalt  }
0x75: {  	_ =	shalt  }
0x76: {  	_ =	shalt  }
0x77: {  	_ =	shalt  }
0x78: {  	_ =	shalt  }
0x79: {  	_ =	shalt  }
0x7a: {  	_ =	shalt  }
0x7b: {  	_ =	shalt  }
0x7c: {  	_ =	shalt  }
0x7d: {  	_ =	shalt  }
0x7e: {  	_ =	shalt  }
0x7f: {  	_ =	shalt  }
0x80: {  	_ =	shalt  }
0x81: {  	_ =	shalt  }
0x82: {  	_ =	shalt  }
0x83: {  	_ =	shalt  }
0x84: {  	_ =	shalt  }
0x85: {  	_ =	shalt  }
0x86: {  	_ =	shalt  }
0x87: {  	_ =	shalt  }
.Lfunc_end0:
.L_simem_size_0:
called_computation.1_lowered:
.L_overlay_start_0:
0x88: {  	s0 =	sld [smem:$0x3FD9]  }
0x89: {  	s1 =	sld [smem:$0x3FFE];
	_ =	sdelay $0x3  }
0x8a: {  	s0 =	sadd.s32 s1, s0  }
0x8b: {  	[smem:$0x3FA7] =	sst s0  }
0x8c: {  	_ = 	snop  }
0x8d: {  	(tm) =	ssettm $0x1  }
0x8e: {  	s15 =	sld [smem:$0x3FFB];
	_ =	sdelay $0x3  }
0x8f: {  	_ =	strace s15  }
0x90: {  	s0 =	sld [smem:$0x3FFC];
	_ =	sdelay $0x3  }
0x91: {  	_ =	strace s0  }
0x92: {  	s0 =	sld [smem:$0x3FFD];
	_ =	sdelay $0x3  }
0x93: {  	_ =	strace s0  }
0x94: {  	_ =	strace $0x8FFFFFFF  }
0x95: {  	s16 =	sld [smem:$0x3FDB];
	_ =	sdelay $0x1  }
0x96: {  	s17 =	simm.s32 $_scs_section_size  }
0x97: {  	s2 =	simm.s32 $_size__tile_overlayer_lowered;
	s3 =	simm.s32 $_tile_overlayer_lowered  }
0x98: {  	s20 =	simm.s32 $0x1BFF;
	s19 =	sshll.u32 s3, $0x1;
	s0 =	sadd.s32 s17, s16  }
0x99: {  	s4 =	simm.s32 $0x0;
	s18 =	sshll.u32 s2, $0x1;
	s2 =	sadd.s32 s19, s0  }
0x9a: {  	[timem:s4], [sflag:s20] =	dma.local [hbm:s2], s18  }
0x9b: {  	_ =	swait.ge [sflag:s20], s18  }
0x9c: {  	s1 =	ssub.s32 $0x0, s18;
	[sflag:s20] =	ssyncset.done $0x0  }
0x9d: {  	[sflag:s20] =	ssyncadd.s32 s1;
	_ =	sdelay $0x1  }
0x9e: {  	s21 =	simm.s32 $0x1B8B  }
0x9f: {  	_ =	swait.ge [sflag:s21], $0x1  }
0xa0: {  	[sflag:s21] =	ssyncset.done $0x0  }
0xa1: {  	s23 =	simm.s32 $0x1B8E;
	s22 =	sld [smem:$0x3FFE];
	[sflag:s21] =	ssyncadd.s32 $0xFFFFFFFF  }
0xa2: {  	s24 =	simm.s32 $execute0_lowered;
	[smem:$0x3FD2] =	sst s23  }
0xa3: {  	s2 =	sshll.u32 s24, $0x1;
	_ =	strace $0x8000004C;
	[dreg:$0x1] =	wrdreg $0xFFFFFFFF  }
0xa4: {  	s25 =	simm.s32 $_size_execute0_lowered;
	s0 =	sadd.s32 s0, s2;
	[dreg:$0x0] =	wrdreg $0x0  }
0xa5: {  	s2 =	sshll.u32 s25, $0x1;
	[dreg:$0x2] =	wrdreg s0  }
0xa6: {  	[dreg:$0x3] =	wrdreg s2  }
0xa7: {  	[dreg:$0x4] =	wrdreg $0xC0  }
0xa8: {  	_ =	task [dreg:s4], $0x5FFFF  }
0xa9: {  	[dreg:$0x1] =	wrdreg $0xFFFFFFFF  }
0xaa: {  	[dreg:$0x0] =	wrdreg $0x60  }
0xab: {  	[dreg:$0x2] =	wrdreg s22  }
0xac: {  	[dreg:$0x3] =	wrdreg $0x9  }
0xad: {  	_ =	task.clear_ibuf [dreg:s4], $0x4FFFF;
	_ =	strace $0x9000004C  }
0xae: {  	s26 =	simm.s32 $0x9;
	_ =	strace $0x8000004E  }
0xaf: {  	_ =	swait.ge [sflag:s26], $0x1  }
0xb0: {  	[sflag:s26] =	ssyncadd.s32 $0xFFFFFFFF  }
0xb1: {  	_ =	strace $0x9000004E  }
0xb2: {  	_ =	sfence  }
0xb3: {  	s28 =	sld [smem:$0x0];
	_ =	sdelay $0x1  }
0xb4: {  	s29 =	srdreg.scid  }
0xb5: {  	s30 =	sshll.u32 s29, $0xD;
	s31 =	sshrl.u32 s29, $0x2  }
0xb6: {  	s1 =	sand.u32 $0x1, s29;
	s2 =	sand.u32 $0x4000, s30;
	s0 =	sadd.s32 s31, s28  }
0xb7: {  	s1 =	sor.u32 s2, s1;
	s0 =	sshll.u32 s0, $0x11  }
0xb8: {  	s0 =	sor.u32 s0, s1  }
0xb9: {  	s0 =	sadd.s32 $0x8F2B, s0  }
0xba: {  	[sflag:s0] =	ssyncadd.remote.s32 $0x1  }
0xbb: {  	_ =	sfence.sel $0xFFFF  }
0xbc: {  	[dreg:$0x0] =	wrdreg $0xFFFFFFFF;
	(pc) =	sbr.abs _section_cstart, $3  }
0xbd: {  	[dreg:$0x1] =	wrdreg $0xFFFFFFFF  }
0xbe: {  	_ =	task.clear_ibuf [dreg:s4], $0x2FFFF;
	_ =	strace $0x9FFFFFFF  }
0xbf: {  	(tm) =	ssettm $0x7FFFFFFF  }
tec
execute0_lowered:
.L_overlay_start_1:
0x0: {  	(tag) =	ssettag $0x1  }
0x1: {  	s0 =	stileid.u32  }
0x2: {  	s1 =	smin.u32 s0, $0x9  }
0x3: {  	s1 =	sadd.s32 s0, s1  }
0x4: {  	s2 =	simm.s32 $0x190;
	p0 =	slt.u32 s0, $0x9;
	s1 =	smul.u32 $0xC8, s1  }
0x5: {  	s2 =	simm.s32 @!p0 $0xC8  }
0x6: {  	s2 =	sadd.s32 s2, s1  }
0x7: {  	s3 =	smin.u32 s2, $0x1388  }
0x8: {  	s7 =	ssub.s32 s3, s1  }
0x9: {  	p0 =	sgt.s32 s7, $0x0  }
0xa: {  	s7 =	simm.s32 @!p0 $0x0  }
0xb: {  	s31 =	sand.u32 $0xFFF8, s7  }
0xc: {  	s2 =	sshrl.u32 s31, $0x3  }
0xd: {  	s2 =	smul.u32 $0x147B, s2  }
0xe: {  	s9 =	rddreg [dreg:$0x0];
	s6 =	simm.s32 $0x1;
	s11 =	simm.s32 $0x3  }
0xf: {  	s13 =	simm.s32 $0x0;
	s12 =	simm.s32 $0x0;
	s8 =	sshrl.u32 s2, $0x11  }
0x10: {  	s4 =	sadd.s32 $0x550000, s9;
	s5 =	sadd.s32 $0x1800, s9;
	s10 =	smul.u32 $0xC8, s8  }
.Ltmp0:
0x11: {  	s9 =	sadd.s32 $0x15600, s9;
	s2 =	rddreg [dreg:$0x1];
	(pc) =	sbr.rel .LBB2_1-.Ltmp0, $4  }
0x12: {  	_ =	strace $0x8000004D;
	p0 =	sne.s32 s7, s10;
	s10 =	simm.s32 $0x1  }
0x13: {  	[sflag:s6] =	ssyncpa.u1 $0x0;
	s7 =	simm.s32 $0x2;
	s10 =	simm.s32 @!p0 $0x0  }
0x14: {  	[sflag:s7] =	ssyncpa.u1 $0x0;
	p0 =	por $0x0, $0x0;
	s8 =	sadd.s32 s8, s10  }
0x15: {  	vm0 =	vmmov $0xff;
	vm1 =	vcmask $0x3F20;
	[sflag:s11] =	ssyncpa.u1 $0x0;
	s11 =	smov.u32 s1;
	s10 =	sadd.s32 $0x1, s8  }
.LBB2_10:
0x16: {  	[hbm:s17] =	stream.linear.scatter [tilespmem:s14], [sflag:$0x3], $0x800, $0x38;
	[tilespmem:$0x19190] =	vst v63  }
.LBB2_11:
0x17: {  	s13 =	sadd.s32 $0xC8, s11  }
0x18: {  	s15 =	smov.u32 s1;
	p2 =	slt.s32 s13, s3  }
0x19: {  	s15 =	smov.u32 @p2 s13;
	p2 =	sne.s32 s12, s10  }
.Ltmp1:
0x1a: {  	p1 =	slt.u32 s12, $0x2;
	(pc) =	sbr.rel @!p2 .LBB2_12-.Ltmp1, $4  }
0x1b: {  	s14 =	simm.s32 @!p1 $0x3  }
0x1c: {  	s16 =	sadd.s32 $0x1, s12;
	_ =	swait.ge @!p1 [sflag:s14], $0xC800  }
0x1d: {  	p0 =	por !p0, !p0;
	s13 =	smov.u32 s11;
	[sflag:s14] =	ssyncset.done @!p1 $0x0  }
0x1e: {  	s12 =	smov.u32 s16;
	s11 =	smov.u32 s15;
	[sflag:s14] =	ssyncadd.s32 @!p1 $0xFFFF3800  }
.LBB2_1:
0x1f: {  	p1 =	sge.u32 s12, s8  }
0x20: {  	s14 =	sxor.u32 @!p1 $0xFFFFFFFF, s12  }
0x21: {  	s14 =	sand.u32 @!p1 $0x1, s14  }
0x22: {  	s14 =	smul.u32 @!p1 $0x320, s14  }
0x23: {  	s31 =	sadd.s32 $0xFFFFFFFF, s12;
	s15 =	sshrl.u32 @!p1 s11, $0x3  }
0x24: {  	s16 =	sand.u32 @!p1 $0x7, s11;
	s15 =	sadd.s32 @!p1 s5, s15;
	s14 =	sshrl.u32 @!p1 s14, $0x2  }
0x25: {  	[tilespmem:s14], [sflag:$0x2] =	stream.linear.gather @!p1 [hbm4b:s15+s16], $0xC8, $0x38;
	[tilespmem:$0x19190] =	vst v63  }
0x26: {  	p1 =	sge.u32 s31, s8  }
.Ltmp2:
0x27: {  	_ = 	snop;
	(pc) =	sbr.rel @p1 .LBB2_11-.Ltmp2, $1  }
0x28: {  	_ =	sdelay $0x3  }
0x29: {  	s15 =	sand.u32 $0x1, s12  }
0x2a: {  	s14 =	simm.s32 $0x1;
	s16 =	smul.u32 $0x32000, s15  }
0x2b: {  	_ =	swait.ge [sflag:s7], $0xC8;
	s14 =	simm.s32 @!p0 $0x0;
	s15 =	smul.u32 $0x320, s15  }
0x2c: {  	[sflag:s7] =	ssyncset.done $0x0;
	s14 =	smul.u32 $0x32000, s14  }
0x2d: {  	[sflag:s7] =	ssyncadd.s32 $0xFFFFFF38  }
0x2e: {  	s17 =	sshrl.u32 s16, $0x2;
	s16 =	sshrl.u32 s15, $0x2;
	s14 =	sshrl.u32 s14, $0x2  }
0x2f: {  	s15 =	sor.u32 $0x190, s17;
	s17 =	simm.s32 $0x0;
	s14 =	sor.u32 $0x190, s14  }
.LBB2_3:
0x30: {  	s18 =	sshll.u32 s17, $0x4  }
0x31: {  	s18 =	sand.u32 $0x3FFFFFF0, s18  }
0x32: {  	s18 =	sadd.s32 s18, s16  }
0x33: {  	v0 =	vld.msk [tilespmem:s18+$0x0 ss:$0x1], $0xffff;
	_ =	sdelay $0x4  }
0x34: {  	vm2 =	vgt.s32 v0, $0x0  }
0x35: {  	v0 =	vnsel vm2, $0x0, v0  }
0x36: {  	v0 =	vmin.u32 v0, $0x270F  }
0x37: {  	s31 =	sshll.u32 s17, $0xC;
	v1 =	vshll.u32 v0, $0x5;
	v0 =	vshll.u32 v0, $0x4  }
0x38: {  	s18 =	sand.u32 $0x3FFFF000, s31;
	v1 =	vand.u32 $0x7FF00, v1;
	v0 =	vand.u32 $0x70, v0  }
0x39: {  	p1 =	por $0x1, $0x1;
	s19 =	simm.s32 $0x0;
	s18 =	sadd.s32 s18, s15;
	v0 =	vor.u32 v0, v1  }
.LBB2_4:
0x3a: {  	_ =	sdelay $0x1  }
0x3b: {  	s19 =	sshra.s32 s19, $0x2;
	p2 =	por p1, p1  }
.Ltmp3:
0x3c: {  	s19 =	sadd.s32 s19, s18;
	(pc) =	sbr.rel @p2 .LBB2_4-.Ltmp3, $4  }
0x3d: {  	[tilespmem:s19], [sflag:$0x1] =	stream.indirect_vreg.gather [hbm:s4], $0x80, v0, vm0, $0x38;
	[tilespmem:$0x19190] =	vst v63  }
0x3e: {  	s19 =	sadd.s32 $0x800, s19  }
0x3f: {  	[tilespmem:s19], [sflag:$0x1] =	stream.indirect_vreg.gather [hbm:s4], $0x80, v0, vm1, $0x38;
	[tilespmem:$0x19190] =	vst v63  }
0x40: {  	p1 =	por $0x0, $0x0;
	v0 =	vadd.s32 $0x80, v0;
	s19 =	simm.s32 $0x1000  }
0x41: {  	s17 =	sadd.s32 $0x1, s17  }
0x42: {  	p1 =	sne.s32 s17, $0xC  }
.Ltmp4:
0x43: {  	_ = 	snop;
	(pc) =	sbr.rel @p1 .LBB2_3-.Ltmp4, $1  }
0x44: {  	_ =	sdelay $0x3  }
0x45: {  	v0 =	vld.msk [tilespmem:s16+$0xC0 ss:$0x1], $0xff;
	_ =	sdelay $0x4  }
0x46: {  	vm2 =	vgt.s32 v0, $0x0  }
0x47: {  	v0 =	vnsel vm2, $0x0, v0  }
0x48: {  	v0 =	vmin.u32 v0, $0x270F  }
0x49: {  	v1 =	vshll.u32 v0, $0x5;
	v0 =	vshll.u32 v0, $0x4  }
0x4a: {  	v1 =	vand.u32 $0x7FF00, v1;
	v0 =	vand.u32 $0x70, v0  }
0x4b: {  	s16 =	simm.s32 $0x0;
	p1 =	por $0x1, $0x1;
	v0 =	vor.u32 v0, v1  }
.LBB2_7:
0x4c: {  	p2 =	por p1, p1  }
.Ltmp5:
0x4d: {  	s16 =	sshra.s32 s16, $0x2;
	(pc) =	sbr.rel @p2 .LBB2_7-.Ltmp5, $4  }
0x4e: {  	s16 =	sadd.s32 s16, s15  }
0x4f: {  	s16 =	sadd.s32 $0xC000, s16  }
0x50: {  	[tilespmem:s16], [sflag:$0x1] =	stream.indirect_vreg.gather [hbm:s4], $0x80, v0, vm0, $0x38;
	[tilespmem:$0x19190] =	vst v63  }
0x51: {  	p1 =	por $0x0, $0x0;
	v0 =	vadd.s32 $0x80, v0;
	s16 =	simm.s32 $0x1000  }
0x52: {  	s15 =	sshll.u32 s13, $0x5  }
0x53: {  	s31 =	sshll.u32 s13, $0x4;
	s15 =	sand.u32 $0xFFFFFF00, s15  }
0x54: {  	_ =	swait.ge [sflag:s6], $0xC800;
	s13 =	sand.u32 $0x70, s31;
	s15 =	sadd.s32 s15, s9  }
0x55: {  	s16 =	sadd.s32 $0x800, s14;
	[sflag:s6] =	ssyncset.done $0x0;
	s13 =	sadd.s32 s13, s15  }
0x56: {  	[sflag:s6] =	ssyncadd.s32 $0xFFFF3800;
	s15 =	simm.s32 $0x100;
	s17 =	sadd.s32 $0x0, s13  }
.LBB2_9:
0x57: {  	[hbm:s17] =	stream.linear.scatter [tilespmem:s14], [sflag:$0x3], $0x800, $0x38;
	[tilespmem:$0x19190] =	vst v63  }
0x58: {  	s17 =	smov.u32 s15;
	s14 =	smov.u32 s16;
	p1 =	sne.s32 s15, $0x1800  }
.Ltmp6:
0x59: {  	s15 =	sadd.s32 $0x100, s15;
	(pc) =	sbr.rel @p1 .LBB2_9-.Ltmp6, $2  }
0x5a: {  	_ =	sdelay $0x2  }
0x5b: {  	s16 =	sadd.s32 $0x800, s16;
	s17 =	sadd.s32 s17, s13  }
.Ltmp7:
0x5c: {  	_ = 	snop;
	(pc) =	sbr.rel .LBB2_10-.Ltmp7, $1  }
0x5d: {  	_ =	sdelay $0x3  }
.LBB2_12:
0x5e: {  	_ =	sfence.sel $0x180000  }
0x5f: {  	s1 =	simm.s32 $0x2;
	[bflag:$0x0] =	sbarrier.arrive $0xFFFF  }
0x60: {  	s30 =	simm.s32 $0x3;
	[sflag:s1] =	ssyncpa.u1 $0x1  }
0x61: {  	s31 =	simm.s32 $0x1;
	[sflag:s30] =	ssyncpa.u1 $0x1  }
0x62: {  	[sflag:s31] =	ssyncpa.u1 $0x1  }
0x63: {  	p0 =	sne.s32 s0, $0x0;
	_ =	strace $0x9000004D  }
0x64: {  	s0 =	sadd.s32 @!p0 $0x100000, s2;
	[bflag:$0x2] =	sbarrier.arrive $0xFFFF  }
0x65: {  	[sflag:s0] =	ssyncadd.tile.s32 @!p0 $0x1;
	_ =	shalt  }
.Lfunc_end2:
_tile_overlayer_lowered:
.L_overlay_start_2:
0x66: {  	(tag) =	ssettag $0x2  }
0x67: {  	s0 =	rddreg [dreg:$0x0];
	s2 =	stileid.u32  }
0x68: {  	s1 =	rddreg [dreg:$0x1];
	p0 =	sne.s32 s2, $0x0  }
0x69: {  	s3 =	rddreg [dreg:$0x2];
	[bflag:$0x3] =	sbarrier.arrive $0xFFFF;
	s2 =	simm.s32 @!p0 $0x1C01  }
0x6a: {  	[timem:s3], [sflag:s2] =	dma.local @!p0 [hbm:s0], s1  }
0x6b: {  	s0 =	simm.s32 @!p0 $0x1  }
0x6c: {  	_ =	swait.ge @!p0 [sflag:s0], s1  }
0x6d: {  	s1 =	ssub.s32 @!p0 $0x0, s1;
	[sflag:s0] =	ssyncset.done @!p0 $0x0  }
0x6e: {  	[sflag:s0] =	ssyncadd.s32 @!p0 s1  }
0x6f: {  	[bflag:$0x3] =	sbarrier.arrive $0xFFFF  }
0x70: {  	_ =	shalt  }

// kernel: kernel.13.cloned.1.call-start
scs
__scs_entry_jumppad:
0x0: {  	(pc) =	sbr.rel $0x88, $3  }
0x1: {  	(tag) =	ssettag $0x0;
	lr =	simm.s32 $0x1  }
0x2: {  	[smem:$0x3F80] =	sst lr;
	_ =	strace $0xD0000000  }
0x3: {  	_ = 	snop  }
0x4: {  	_ = 	snop  }
0x5: {  	_ = 	snop  }
0x6: {  	_ = 	snop  }
0x7: {  	_ = 	snop  }
__scs_overlays_trampoline_lowered:
0x8: {  	[smem:$0x3F8F] =	sst s0  }
0x9: {  	[smem:$0x3F90] =	sst s1  }
0xa: {  	[smem:$0x3F91] =	sst s2  }
0xb: {  	[smem:$0x3F92] =	sst s3  }
0xc: {  	[smem:$0x3F93] =	sst s4  }
0xd: {  	[smem:$0x3F94] =	sst s5  }
0xe: {  	[smem:$0x3F95] =	sst s6  }
0xf: {  	[smem:$0x3F96] =	sst s7  }
0x10: {  	[smem:$0x3F97] =	sst s8  }
0x11: {  	[smem:$0x3F98] =	sst s9;
	s0 =	simm.s32 @!p0 $0x0  }
0x12: {  	s1 =	sld [smem:$0x3F7E];
	s0 =	simm.s32 @p0 $0x1  }
0x13: {  	[smem:$0x3F99] =	sst s0;
	s0 =	simm.s32 @!p1 $0x0  }
0x14: {  	s2 =	sld [smem:$0x3F7D];
	s0 =	simm.s32 @p1 $0x1  }
0x15: {  	[smem:$0x3F9A] =	sst s0;
	s0 =	simm.s32 @!p2 $0x0  }
0x16: {  	s3 =	sld [smem:$0x3FDB];
	s0 =	simm.s32 @p2 $0x1  }
0x17: {  	s4 =	simm.s32 $0x1BF5;
	[smem:$0x3F9C] =	sst s0  }
0x18: {  	s0 =	sld [smem:$0x3F7F];
	_ =	swait.ge [sflag:s4], $0x0  }
0x19: {  	s7 =	sld [smem:$0x3F80]  }
0x1a: {  	s8 =	sadd.s32 $0xFFFFE003, lr  }
0x1b: {  	s9 =	sadd.s32 $0xFFFFFEF7, lr;
	s5 =	simm.s32 $0xFFFFFFFF;
	p2 =	slt.u32 s8, $0xFFFFF086  }
0x1c: {  	p1 =	slt.u32 s9, $0xF7A;
	s5 =	simm.s32 @!p2 $0x0  }
0x1d: {  	s5 =	simm.s32 @p1 $0x1;
	p0 =	seq.s32 s7, s2  }
0x1e: {  	s7 =	smul.u32 @!p0 $0xF7A, s2;
	p2 =	seq.s32 @!p0 s5, $0x0  }
0x1f: {  	s9 =	smul.u32 $0xF7A, s1;
	s8 =	simm.s32 @!p0 $0x1BF5;
	p2 =	por !p2, p0  }
0x20: {  	[sflag:s8] =	ssyncset.s32 @!p0 $0xFFFFF086;
	s6 =	sadd.s32 @!p0 s3, s7;
	s7 =	simm.s32 @!p0 $0x108  }
0x21: {  	s3 =	sadd.s32 s3, s9;
	s6 =	sadd.s32 @!p0 $0x88, s6;
	s7 =	simm.s32 @p2 $0x1082  }
0x22: {  	[simem:s7], [sflag:s8] =	dma.local @!p0 [hbm:s6], $0xF7A  }
0x23: {  	s9 =	sor.u32 $0xD0000000, s2;
	s6 =	simm.s32 $0x108;
	_ =	swait.ge @!p0 [sflag:s8], $0x0  }
0x24: {  	s3 =	sadd.s32 $0x88, s3;
	s6 =	simm.s32 @!p1 $0x1082;
	[sflag:s4] =	ssyncset.s32 $0xFFFFF086  }
0x25: {  	[simem:s6], [sflag:s4] =	dma.local [hbm:s3], $0xF7A  }
0x26: {  	[smem:$0x3F80] =	sst s1;
	(tag) =	ssettag s2;
	_ =	strace s9  }
0x27: {  	s1 =	sld [smem:$0x3F90]  }
0x28: {  	s2 =	sld [smem:$0x3F91]  }
0x29: {  	s4 =	sld [smem:$0x3F93]  }
0x2a: {  	p0 =	seq.s32 s5, $0x0;
	s5 =	sld [smem:$0x3F94]  }
0x2b: {  	s6 =	sld [smem:$0x3F95]  }
0x2c: {  	s7 =	sld [smem:$0x3F96]  }
0x2d: {  	s3 =	simm.s32 $0x108;
	s8 =	sld [smem:$0x3F97]  }
0x2e: {  	s3 =	simm.s32 @!p0 $0x1082;
	s9 =	sld [smem:$0x3F98]  }
0x2f: {  	lr =	sadd.s32 s0, s3;
	s0 =	sld [smem:$0x3F8F]  }
0x30: {  	s3 =	sld [smem:$0x3F92]  }
0x31: {  	[smem:$0x3F9B] =	sst s10  }
0x32: {  	s10 =	sld [smem:$0x3F99];
	_ =	sdelay $0x3  }
0x33: {  	p0 =	seq.s32 s10, $0x1;
	s10 =	sld [smem:$0x3F9B];
	_ =	sdelay $0x3  }
0x34: {  	[smem:$0x3F9B] =	sst s10  }
0x35: {  	s10 =	sld [smem:$0x3F9A];
	_ =	sdelay $0x3  }
0x36: {  	p1 =	seq.s32 s10, $0x1;
	s10 =	sld [smem:$0x3F9B];
	_ =	sdelay $0x3  }
0x37: {  	[smem:$0x3F9B] =	sst s10  }
0x38: {  	s10 =	sld [smem:$0x3F9C]  }
0x39: {  	_ = 	snop;
	(pc) =	sbr.ind lr, $3  }
0x3a: {  	_ = 	snop  }
0x3b: {  	_ = 	snop  }
0x3c: {  	p2 =	seq.s32 s10, $0x1;
	s10 =	sld [smem:$0x3F9B]  }
0x3d: {  	_ =	shalt  }
0x3e: {  	_ =	shalt  }
0x3f: {  	_ =	shalt  }
0x40: {  	_ =	shalt  }
0x41: {  	_ =	shalt  }
0x42: {  	_ =	shalt  }
0x43: {  	_ =	shalt  }
0x44: {  	_ =	shalt  }
0x45: {  	_ =	shalt  }
0x46: {  	_ =	shalt  }
0x47: {  	_ =	shalt  }
0x48: {  	_ =	shalt  }
0x49: {  	_ =	shalt  }
0x4a: {  	_ =	shalt  }
0x4b: {  	_ =	shalt  }
0x4c: {  	_ =	shalt  }
0x4d: {  	_ =	shalt  }
0x4e: {  	_ =	shalt  }
0x4f: {  	_ =	shalt  }
0x50: {  	_ =	shalt  }
0x51: {  	_ =	shalt  }
0x52: {  	_ =	shalt  }
0x53: {  	_ =	shalt  }
0x54: {  	_ =	shalt  }
0x55: {  	_ =	shalt  }
0x56: {  	_ =	shalt  }
0x57: {  	_ =	shalt  }
0x58: {  	_ =	shalt  }
0x59: {  	_ =	shalt  }
0x5a: {  	_ =	shalt  }
0x5b: {  	_ =	shalt  }
0x5c: {  	_ =	shalt  }
0x5d: {  	_ =	shalt  }
0x5e: {  	_ =	shalt  }
0x5f: {  	_ =	shalt  }
0x60: {  	_ =	shalt  }
0x61: {  	_ =	shalt  }
0x62: {  	_ =	shalt  }
0x63: {  	_ =	shalt  }
0x64: {  	_ =	shalt  }
0x65: {  	_ =	shalt  }
0x66: {  	_ =	shalt  }
0x67: {  	_ =	shalt  }
0x68: {  	_ =	shalt  }
0x69: {  	_ =	shalt  }
0x6a: {  	_ =	shalt  }
0x6b: {  	_ =	shalt  }
0x6c: {  	_ =	shalt  }
0x6d: {  	_ =	shalt  }
0x6e: {  	_ =	shalt  }
0x6f: {  	_ =	shalt  }
0x70: {  	_ =	shalt  }
0x71: {  	_ =	shalt  }
0x72: {  	_ =	shalt  }
0x73: {  	_ =	shalt  }
0x74: {  	_ =	shalt  }
0x75: {  	_ =	shalt  }
0x76: {  	_ =	shalt  }
0x77: {  	_ =	shalt  }
0x78: {  	_ =	shalt  }
0x79: {  	_ =	shalt  }
0x7a: {  	_ =	shalt  }
0x7b: {  	_ =	shalt  }
0x7c: {  	_ =	shalt  }
0x7d: {  	_ =	shalt  }
0x7e: {  	_ =	shalt  }
0x7f: {  	_ =	shalt  }
0x80: {  	_ =	shalt  }
0x81: {  	_ =	shalt  }
0x82: {  	_ =	shalt  }
0x83: {  	_ =	shalt  }
0x84: {  	_ =	shalt  }
0x85: {  	_ =	shalt  }
0x86: {  	_ =	shalt  }
0x87: {  	_ =	shalt  }
.Lfunc_end0:
.L_simem_size_0:
called_computation.3_lowered:
.L_overlay_start_0:
0x88: {  	s2 =	sld [smem:$0x3FD9]  }
0x89: {  	s3 =	sld [smem:$0x3FFE];
	_ =	sdelay $0x1  }
0x8a: {  	s1 =	srdreg.scid  }
0x8b: {  	s0 =	sand.u32 $0x1, s1  }
0x8c: {  	s16 =	sshll.u32 s0, $0xA;
	s2 =	sadd.s32 s3, s2  }
0x8d: {  	s2 =	sadd.s32 s2, s16  }
0x8e: {  	[smem:$0x3FA7] =	sst s2  }
0x8f: {  	_ = 	snop  }
0x90: {  	(tm) =	ssettm $0x1  }
0x91: {  	s17 =	sld [smem:$0x3FFB];
	_ =	sdelay $0x3  }
0x92: {  	_ =	strace s17  }
0x93: {  	s2 =	sld [smem:$0x3FFC];
	_ =	sdelay $0x3  }
0x94: {  	_ =	strace s2  }
0x95: {  	s2 =	sld [smem:$0x3FFD];
	_ =	sdelay $0x3  }
0x96: {  	_ =	strace s2  }
0x97: {  	_ =	strace $0x8FFFFFFF  }
0x98: {  	s18 =	sld [smem:$0x3FDB];
	_ =	sdelay $0x1  }
0x99: {  	s19 =	simm.s32 $_scs_section_size  }
0x9a: {  	s4 =	simm.s32 $_size__tile_overlayer_lowered;
	s5 =	simm.s32 $_tile_overlayer_lowered  }
0x9b: {  	s22 =	simm.s32 $0x1BFF;
	s21 =	sshll.u32 s5, $0x1;
	s2 =	sadd.s32 s19, s18  }
0x9c: {  	s6 =	simm.s32 $0x0;
	s20 =	sshll.u32 s4, $0x1;
	s4 =	sadd.s32 s21, s2  }
0x9d: {  	[timem:s6], [sflag:s22] =	dma.local [hbm:s4], s20  }
0x9e: {  	_ =	swait.ge [sflag:s22], s20  }
0x9f: {  	s3 =	ssub.s32 $0x0, s20;
	[sflag:s22] =	ssyncset.done $0x0  }
0xa0: {  	[sflag:s22] =	ssyncadd.s32 s3;
	_ =	sdelay $0x1  }
0xa1: {  	s23 =	simm.s32 $0x1B8B  }
0xa2: {  	_ =	swait.ge [sflag:s23], $0x1  }
0xa3: {  	[sflag:s23] =	ssyncset.done $0x0  }
0xa4: {  	s25 =	simm.s32 $0x1B8E;
	s24 =	sld [smem:$0x3FFE];
	[sflag:s23] =	ssyncadd.s32 $0xFFFFFFFF  }
0xa5: {  	s26 =	simm.s32 $execute0_lowered;
	[smem:$0x3FD2] =	sst s25  }
0xa6: {  	s4 =	sshll.u32 s26, $0x1;
	_ =	strace $0x8000004F;
	[dreg:$0x1] =	wrdreg $0xFFFFFFFF  }
0xa7: {  	s28 =	simm.s32 $_size_execute0_lowered;
	s2 =	sadd.s32 s2, s4;
	[dreg:$0x0] =	wrdreg $0x0  }
0xa8: {  	s4 =	sshll.u32 s28, $0x1;
	[dreg:$0x2] =	wrdreg s2  }
0xa9: {  	[dreg:$0x3] =	wrdreg s4  }
0xaa: {  	[dreg:$0x4] =	wrdreg $0xC0  }
0xab: {  	_ =	task [dreg:s6], $0x5FFFF  }
0xac: {  	[dreg:$0x1] =	wrdreg $0xFFFFFFFF  }
0xad: {  	[dreg:$0x0] =	wrdreg $0x60  }
0xae: {  	[dreg:$0x2] =	wrdreg s24  }
0xaf: {  	[dreg:$0x3] =	wrdreg $0x9  }
0xb0: {  	_ =	task.clear_ibuf [dreg:s6], $0x4FFFF;
	_ =	strace $0x9000004F  }
0xb1: {  	s29 =	simm.s32 $0x9;
	_ =	strace $0x80000051  }
0xb2: {  	_ =	swait.ge [sflag:s29], $0x1  }
0xb3: {  	[sflag:s29] =	ssyncadd.s32 $0xFFFFFFFF  }
0xb4: {  	_ =	strace $0x90000051  }
0xb5: {  	_ =	sfence  }
0xb6: {  	s30 =	sld [smem:$0x0];
	_ =	sdelay $0x2  }
0xb7: {  	s31 =	sshll.u32 s1, $0xD;
	s1 =	sshrl.u32 s1, $0x2  }
0xb8: {  	s3 =	sand.u32 $0x4000, s31;
	s1 =	sadd.s32 s1, s30  }
0xb9: {  	s0 =	sor.u32 s3, s0;
	s1 =	sshll.u32 s1, $0x11  }
0xba: {  	s0 =	sor.u32 s1, s0  }
0xbb: {  	s0 =	sadd.s32 $0x8F2B, s0  }
0xbc: {  	[sflag:s0] =	ssyncadd.remote.s32 $0x1  }
0xbd: {  	_ =	sfence.sel $0xFFFF  }
0xbe: {  	[dreg:$0x0] =	wrdreg $0xFFFFFFFF;
	(pc) =	sbr.abs _section_cstart, $3  }
0xbf: {  	[dreg:$0x1] =	wrdreg $0xFFFFFFFF  }
0xc0: {  	_ =	task.clear_ibuf [dreg:s6], $0x2FFFF;
	_ =	strace $0x9FFFFFFF  }
0xc1: {  	(tm) =	ssettm $0x7FFFFFFF  }
tec
execute0_lowered:
.L_overlay_start_1:
0x0: {  	(tag) =	ssettag $0x1  }
0x1: {  	s6 =	rddreg [dreg:$0x0]  }
0x2: {  	s3 =	srdreg.scid;
	s1 =	stileid.u32  }
0x3: {  	s2 =	simm.s32 $0x0;
	s13 =	simm.s32 $0x880;
	s14 =	simm.s32 $0x1080  }
0x4: {  	s15 =	simm.s32 $0x1880;
	s16 =	simm.s32 $0x2080;
	s17 =	simm.s32 $0x2880  }
0x5: {  	s18 =	simm.s32 $0x3080;
	s19 =	simm.s32 $0x3880;
	s20 =	simm.s32 $0x4080  }
0x6: {  	s21 =	simm.s32 $0x4880;
	s22 =	simm.s32 $0x28;
	s4 =	smul.u32 $0x2710, s1  }
0x7: {  	s23 =	simm.s32 $0x5080;
	s24 =	simm.s32 $0x1;
	s8 =	smul.u32 $0x4E200, s1  }
0x8: {  	s25 =	simm.s32 $0x2;
	s7 =	sand.u32 $0x1, s3;
	s10 =	smul.u32 $0x27100, s1  }
0x9: {  	s28 =	simm.s32 $0x0;
	[smem:$0x7FF] =	sst s2;
	s5 =	smul.u32 $0x1388, s7  }
0xa: {  	s3 =	sadd.s32 $0x77400, s6;
	_ =	strace $0x80000050;
	s26 =	smul.u32 $0x13880, s7  }
0xb: {  	s12 =	ssub.s32 $0x2, s7;
	s7 =	smul.u32 $0x27100, s7;
	s10 =	sadd.s32 s10, s6  }
0xc: {  	s8 =	sadd.s32 s8, s6;
	s29 =	sshrl.u32 s12, $0x1;
	s5 =	sadd.s32 s5, s4  }
0xd: {  	s4 =	sadd.s32 $0x50200, s6;
	s30 =	ssub.s32 s12, s29;
	s31 =	sadd.s32 s7, s8  }
0xe: {  	s12 =	simm.s32 $0x80;
	s9 =	sshrl.u32 s5, $0x3;
	s5 =	sadd.s32 $0x3C800, s6  }
0xf: {  	v2 =	vlaneseq.u32;
	s7 =	smax.u32 s30, $0x1;
	s11 =	sadd.s32 s9, s6;
	s9 =	sadd.s32 s26, s10  }
0x10: {  	vm0 =	vmmov $0xffff;
	v1 =	vshrl.u32 v2, $0x3;
	s8 =	sadd.s32 $0x314600, s31;
	s26 =	simm.s32 $0x3;
	s6 =	sadd.s32 $0xA3600, s9  }
0x11: {  	v0 =	vand.u32 $0x7, v2;
	v2 =	vor.u32 $0x8, v2;
	v1 =	vmul.u32 $0x8, v1;
	s9 =	sadd.s32 $0x7F6600, s31;
	s10 =	sadd.s32 $0x9E600, s11;
	s11 =	simm.s32 $0x4  }
.LBB2_1:
0x12: {  	s29 =	smov.u32 s10;
	s30 =	smov.u32 s6;
	s31 =	simm.s32 $0x0  }
.LBB2_2:
0x13: {  	[tilespmem:s2], [sflag:$0x4] =	stream.linear.gather [hbm4b:s29+s2], $0x28, $0x38;
	[tilespmem:$0x6480] =	vst v63  }
0x14: {  	_ =	swait.ge [sflag:s11], $0x28  }
0x15: {  	[sflag:s11] =	ssyncset.done $0x0  }
0x16: {  	[sflag:s11] =	ssyncadd.s32 $0xFFFFFFD8  }
0x17: {  	v3 =	vld [tilespmem:$0x0];
	_ =	sdelay $0x4  }
0x18: {  	v4 =	vshll.u32 v3, $0x1  }
0x19: {  	v3 =	vand.u32 $0x7, v3;
	v4 =	vand.u32 $0xFFFFFFF0, v4  }
0x1a: {  	v3 =	vor.u32 v3, v4  }
0x1b: {  	v4 =	vperm.xlane v3, v0;
	_ =	sdelay $0x1  }
0x1c: {  	v3 =	vperm.xlane v3, v2;
	v4 =	vadd.s32 v1, v4;
	_ =	sdelay $0x1  }
0x1d: {  	v3 =	vadd.s32 v1, v3;
	_ =	sdelay $0x2  }
0x1e: {  	[tilespmem:s12], [sflag:$0x1] =	stream.indirect_vreg.gather [hbm4b:s3+s2], $0x80, v4, vm0, $0xb8;
	[tilespmem:$0x6480] =	vst v63  }
0x1f: {  	_ = 	snop  }
0x20: {  	[tilespmem:s13], [sflag:$0x1] =	stream.indirect_vreg.gather [hbm4b:s3+s2], $0x80, v3, vm0, $0xb8;
	[tilespmem:$0x6480] =	vst v63  }
0x21: {  	v3 =	vld [tilespmem:$0x10];
	_ =	sdelay $0x4  }
0x22: {  	v59 =	vshll.u32 v3, $0x1  }
0x23: {  	v3 =	vand.u32 $0x7, v3;
	v4 =	vand.u32 $0xFFFFFFF0, v59  }
0x24: {  	v3 =	vor.u32 v3, v4  }
0x25: {  	v4 =	vperm.xlane v3, v0;
	_ =	sdelay $0x1  }
0x26: {  	v3 =	vperm.xlane v3, v2;
	v4 =	vadd.s32 v1, v4;
	_ =	sdelay $0x1  }
0x27: {  	v3 =	vadd.s32 v1, v3;
	_ =	sdelay $0x2  }
0x28: {  	[tilespmem:s14], [sflag:$0x1] =	stream.indirect_vreg.gather [hbm4b:s3+s2], $0x80, v4, vm0, $0xb8;
	[tilespmem:$0x6480] =	vst v63  }
0x29: {  	_ = 	snop  }
0x2a: {  	[tilespmem:s15], [sflag:$0x1] =	stream.indirect_vreg.gather [hbm4b:s3+s2], $0x80, v3, vm0, $0xb8;
	[tilespmem:$0x6480] =	vst v63  }
0x2b: {  	v3 =	vld.msk [tilespmem:$0x20], $0xff;
	_ =	sdelay $0x4  }
0x2c: {  	v60 =	vshll.u32 v3, $0x1  }
0x2d: {  	v3 =	vand.u32 $0x7, v3;
	v4 =	vand.u32 $0xFFFFFFF0, v60  }
0x2e: {  	v3 =	vor.u32 v3, v4  }
0x2f: {  	v3 =	vperm.xlane v3, v0;
	_ =	sdelay $0x1  }
0x30: {  	v3 =	vadd.s32 v1, v3;
	_ =	sdelay $0x4  }
0x31: {  	[tilespmem:s16], [sflag:$0x1] =	stream.indirect_vreg.gather [hbm4b:s3+s2], $0x80, v3, vm0, $0xb8;
	[tilespmem:$0x6480] =	vst v63  }
0x32: {  	v3 =	vld [tilespmem:$0x0];
	_ =	sdelay $0x4  }
0x33: {  	v61 =	vshll.u32 v3, $0x1  }
0x34: {  	v3 =	vand.u32 $0x7, v3;
	v4 =	vand.u32 $0xFFFFFFF0, v61  }
0x35: {  	v3 =	vor.u32 v3, v4  }
0x36: {  	v4 =	vperm.xlane v3, v0;
	_ =	sdelay $0x1  }
0x37: {  	v3 =	vperm.xlane v3, v2;
	v4 =	vadd.s32 v1, v4;
	_ =	sdelay $0x1  }
0x38: {  	v3 =	vadd.s32 v1, v3;
	_ =	sdelay $0x2  }
0x39: {  	[tilespmem:s17], [sflag:$0x2] =	stream.indirect_vreg.gather [hbm4b:s4+s2], $0x80, v4, vm0, $0xb8;
	[tilespmem:$0x6480] =	vst v63  }
0x3a: {  	_ = 	snop  }
0x3b: {  	[tilespmem:s18], [sflag:$0x2] =	stream.indirect_vreg.gather [hbm4b:s4+s2], $0x80, v3, vm0, $0xb8;
	[tilespmem:$0x6480] =	vst v63  }
0x3c: {  	v3 =	vld [tilespmem:$0x10];
	_ =	sdelay $0x4  }
0x3d: {  	v62 =	vshll.u32 v3, $0x1  }
0x3e: {  	v3 =	vand.u32 $0x7, v3;
	v4 =	vand.u32 $0xFFFFFFF0, v62  }
0x3f: {  	v3 =	vor.u32 v3, v4  }
0x40: {  	v4 =	vperm.xlane v3, v0;
	_ =	sdelay $0x1  }
0x41: {  	v3 =	vperm.xlane v3, v2;
	v4 =	vadd.s32 v1, v4;
	_ =	sdelay $0x1  }
0x42: {  	v3 =	vadd.s32 v1, v3;
	_ =	sdelay $0x2  }
0x43: {  	[tilespmem:s19], [sflag:$0x2] =	stream.indirect_vreg.gather [hbm4b:s4+s2], $0x80, v4, vm0, $0xb8;
	[tilespmem:$0x6480] =	vst v63  }
0x44: {  	_ = 	snop  }
0x45: {  	[tilespmem:s20], [sflag:$0x2] =	stream.indirect_vreg.gather [hbm4b:s4+s2], $0x80, v3, vm0, $0xb8;
	[tilespmem:$0x6480] =	vst v63  }
0x46: {  	v3 =	vld.msk [tilespmem:$0x20], $0xff;
	_ =	sdelay $0x4  }
0x47: {  	v63 =	vshll.u32 v3, $0x1  }
0x48: {  	v3 =	vand.u32 $0x7, v3;
	v4 =	vand.u32 $0xFFFFFFF0, v63  }
0x49: {  	v3 =	vor.u32 v3, v4  }
0x4a: {  	v3 =	vperm.xlane v3, v0;
	_ =	sdelay $0x1  }
0x4b: {  	v3 =	vadd.s32 v1, v3;
	_ =	sdelay $0x4  }
0x4c: {  	[tilespmem:s21], [sflag:$0x2] =	stream.indirect_vreg.gather [hbm4b:s4+s2], $0x80, v3, vm0, $0xb8;
	[tilespmem:$0x6480] =	vst v63  }
0x4d: {  	_ = 	snop  }
0x4e: {  	[tilespmem:s23], [sflag:$0x3] =	stream.indirect.gather [hbm4b:s5+s22], $0x80, s2, s22, $0xb8;
	[tilespmem:$0x6480] =	vst v63  }
0x4f: {  	_ =	swait.ge [sflag:s24], $0x2800  }
0x50: {  	[sflag:s24] =	ssyncset.done $0x0  }
0x51: {  	[sflag:s24] =	ssyncadd.s32 $0xFFFFD800  }
0x52: {  	_ =	swait.ge [sflag:s25], $0x2800  }
0x53: {  	[sflag:s25] =	ssyncset.done $0x0  }
0x54: {  	[sflag:s25] =	ssyncadd.s32 $0xFFFFD800  }
0x55: {  	_ =	swait.ge [sflag:s26], $0x1400  }
0x56: {  	[sflag:s26] =	ssyncset.done $0x0  }
0x57: {  	s0 =	sadd.s32 s31, s8;
	[sflag:s26] =	ssyncadd.s32 $0xFFFFEC00  }
0x58: {  	[hbm4b:s0+s2] =	stream.linear.scatter [tilespmem:s12], [sflag:$0x4], $0x2800, $0x38;
	[tilespmem:$0x6480] =	vst v63  }
0x59: {  	_ =	swait.ge [sflag:s11], $0x2800  }
0x5a: {  	[sflag:s11] =	ssyncset.done $0x0  }
0x5b: {  	s0 =	sadd.s32 s31, s9;
	[sflag:s11] =	ssyncadd.s32 $0xFFFFD800  }
0x5c: {  	[hbm4b:s0+s2] =	stream.linear.scatter [tilespmem:s17], [sflag:$0x4], $0x2800, $0x38;
	[tilespmem:$0x6480] =	vst v63  }
0x5d: {  	_ =	swait.ge [sflag:s11], $0x2800  }
0x5e: {  	p0 =	sne.s32 s31, $0x26C00;
	[sflag:s11] =	ssyncset.done $0x0  }
.Ltmp0:
0x5f: {  	[sflag:s11] =	ssyncadd.s32 $0xFFFFD800;
	(pc) =	sbr.rel @p0 .LBB2_2-.Ltmp0, $4  }
0x60: {  	[hbm4b:s30+s2] =	stream.linear.scatter [tilespmem:s23], [sflag:$0x4], $0x1400, $0x38;
	[tilespmem:$0x6480] =	vst v63  }
0x61: {  	_ =	swait.ge [sflag:s11], $0x1400  }
0x62: {  	s29 =	sadd.s32 $0x5, s29;
	[sflag:s11] =	ssyncset.done $0x0  }
0x63: {  	s31 =	sadd.s32 $0x500, s31;
	s30 =	sadd.s32 $0x280, s30;
	[sflag:s11] =	ssyncadd.s32 $0xFFFFEC00  }
0x64: {  	s28 =	sadd.s32 $0x1, s28  }
0x65: {  	p0 =	sne.s32 s28, s7  }
.Ltmp1:
0x66: {  	_ = 	snop;
	(pc) =	sbr.rel @p0 .LBB2_1-.Ltmp1, $1  }
0x67: {  	_ =	sdelay $0x3  }
0x68: {  	_ =	sfence.sel $0x180000  }
0x69: {  	[bflag:$0x0] =	sbarrier.arrive $0xFFFF  }
0x6a: {  	_ =	strace $0x90000050  }
0x6b: {  	[bflag:$0x2] =	sbarrier.arrive $0xFFFF  }
0x6c: {  	p0 =	sne.s32 s1, $0x0;
	s0 =	rddreg [dreg:$0x1]  }
0x6d: {  	s0 =	sadd.s32 @!p0 $0x100000, s0  }
0x6e: {  	[sflag:s0] =	ssyncadd.tile.s32 @!p0 $0x1;
	_ =	shalt  }
.Lfunc_end2:
_tile_overlayer_lowered:
.L_overlay_start_2:
0x6f: {  	(tag) =	ssettag $0x2  }
0x70: {  	s0 =	rddreg [dreg:$0x0];
	s2 =	stileid.u32  }
0x71: {  	s1 =	rddreg [dreg:$0x1];
	p0 =	sne.s32 s2, $0x0  }
0x72: {  	s3 =	rddreg [dreg:$0x2];
	[bflag:$0x3] =	sbarrier.arrive $0xFFFF;
	s2 =	simm.s32 @!p0 $0x1C04  }
0x73: {  	[timem:s3], [sflag:s2] =	dma.local @!p0 [hbm:s0], s1  }
0x74: {  	s0 =	simm.s32 @!p0 $0x4  }
0x75: {  	_ =	swait.ge @!p0 [sflag:s0], s1  }
0x76: {  	s1 =	ssub.s32 @!p0 $0x0, s1;
	[sflag:s0] =	ssyncset.done @!p0 $0x0  }
0x77: {  	[sflag:s0] =	ssyncadd.s32 @!p0 s1  }
0x78: {  	[bflag:$0x3] =	sbarrier.arrive $0xFFFF  }
0x79: {  	_ =	shalt  }

// kernel: scatter_offload_async_start
scs
__scs_entry_jumppad:
0x0: {  	(pc) =	sbr.rel $0x88, $3  }
0x1: {  	(tag) =	ssettag $0x0;
	lr =	simm.s32 $0x1  }
0x2: {  	[smem:$0x3F80] =	sst lr;
	_ =	strace $0xD0000000  }
0x3: {  	_ = 	snop  }
0x4: {  	_ = 	snop  }
0x5: {  	_ = 	snop  }
0x6: {  	_ = 	snop  }
0x7: {  	_ = 	snop  }
__scs_overlays_trampoline_lowered:
0x8: {  	[smem:$0x3F8F] =	sst s0  }
0x9: {  	[smem:$0x3F90] =	sst s1  }
0xa: {  	[smem:$0x3F91] =	sst s2  }
0xb: {  	[smem:$0x3F92] =	sst s3  }
0xc: {  	[smem:$0x3F93] =	sst s4  }
0xd: {  	[smem:$0x3F94] =	sst s5  }
0xe: {  	[smem:$0x3F95] =	sst s6  }
0xf: {  	[smem:$0x3F96] =	sst s7  }
0x10: {  	[smem:$0x3F97] =	sst s8  }
0x11: {  	[smem:$0x3F98] =	sst s9;
	s0 =	simm.s32 @!p0 $0x0  }
0x12: {  	s1 =	sld [smem:$0x3F7E];
	s0 =	simm.s32 @p0 $0x1  }
0x13: {  	[smem:$0x3F99] =	sst s0;
	s0 =	simm.s32 @!p1 $0x0  }
0x14: {  	s2 =	sld [smem:$0x3F7D];
	s0 =	simm.s32 @p1 $0x1  }
0x15: {  	[smem:$0x3F9A] =	sst s0;
	s0 =	simm.s32 @!p2 $0x0  }
0x16: {  	s3 =	sld [smem:$0x3FDB];
	s0 =	simm.s32 @p2 $0x1  }
0x17: {  	s4 =	simm.s32 $0x1BF5;
	[smem:$0x3F9C] =	sst s0  }
0x18: {  	s0 =	sld [smem:$0x3F7F];
	_ =	swait.ge [sflag:s4], $0x0  }
0x19: {  	s7 =	sld [smem:$0x3F80]  }
0x1a: {  	s8 =	sadd.s32 $0xFFFFE003, lr  }
0x1b: {  	s9 =	sadd.s32 $0xFFFFFEF7, lr;
	s5 =	simm.s32 $0xFFFFFFFF;
	p2 =	slt.u32 s8, $0xFFFFF086  }
0x1c: {  	p1 =	slt.u32 s9, $0xF7A;
	s5 =	simm.s32 @!p2 $0x0  }
0x1d: {  	s5 =	simm.s32 @p1 $0x1;
	p0 =	seq.s32 s7, s2  }
0x1e: {  	s7 =	smul.u32 @!p0 $0xF7A, s2;
	p2 =	seq.s32 @!p0 s5, $0x0  }
0x1f: {  	s9 =	smul.u32 $0xF7A, s1;
	s8 =	simm.s32 @!p0 $0x1BF5;
	p2 =	por !p2, p0  }
0x20: {  	[sflag:s8] =	ssyncset.s32 @!p0 $0xFFFFF086;
	s6 =	sadd.s32 @!p0 s3, s7;
	s7 =	simm.s32 @!p0 $0x108  }
0x21: {  	s3 =	sadd.s32 s3, s9;
	s6 =	sadd.s32 @!p0 $0x88, s6;
	s7 =	simm.s32 @p2 $0x1082  }
0x22: {  	[simem:s7], [sflag:s8] =	dma.local @!p0 [hbm:s6], $0xF7A  }
0x23: {  	s9 =	sor.u32 $0xD0000000, s2;
	s6 =	simm.s32 $0x108;
	_ =	swait.ge @!p0 [sflag:s8], $0x0  }
0x24: {  	s3 =	sadd.s32 $0x88, s3;
	s6 =	simm.s32 @!p1 $0x1082;
	[sflag:s4] =	ssyncset.s32 $0xFFFFF086  }
0x25: {  	[simem:s6], [sflag:s4] =	dma.local [hbm:s3], $0xF7A  }
0x26: {  	[smem:$0x3F80] =	sst s1;
	(tag) =	ssettag s2;
	_ =	strace s9  }
0x27: {  	s1 =	sld [smem:$0x3F90]  }
0x28: {  	s2 =	sld [smem:$0x3F91]  }
0x29: {  	s4 =	sld [smem:$0x3F93]  }
0x2a: {  	p0 =	seq.s32 s5, $0x0;
	s5 =	sld [smem:$0x3F94]  }
0x2b: {  	s6 =	sld [smem:$0x3F95]  }
0x2c: {  	s7 =	sld [smem:$0x3F96]  }
0x2d: {  	s3 =	simm.s32 $0x108;
	s8 =	sld [smem:$0x3F97]  }
0x2e: {  	s3 =	simm.s32 @!p0 $0x1082;
	s9 =	sld [smem:$0x3F98]  }
0x2f: {  	lr =	sadd.s32 s0, s3;
	s0 =	sld [smem:$0x3F8F]  }
0x30: {  	s3 =	sld [smem:$0x3F92]  }
0x31: {  	[smem:$0x3F9B] =	sst s10  }
0x32: {  	s10 =	sld [smem:$0x3F99];
	_ =	sdelay $0x3  }
0x33: {  	p0 =	seq.s32 s10, $0x1;
	s10 =	sld [smem:$0x3F9B];
	_ =	sdelay $0x3  }
0x34: {  	[smem:$0x3F9B] =	sst s10  }
0x35: {  	s10 =	sld [smem:$0x3F9A];
	_ =	sdelay $0x3  }
0x36: {  	p1 =	seq.s32 s10, $0x1;
	s10 =	sld [smem:$0x3F9B];
	_ =	sdelay $0x3  }
0x37: {  	[smem:$0x3F9B] =	sst s10  }
0x38: {  	s10 =	sld [smem:$0x3F9C]  }
0x39: {  	_ = 	snop;
	(pc) =	sbr.ind lr, $3  }
0x3a: {  	_ = 	snop  }
0x3b: {  	_ = 	snop  }
0x3c: {  	p2 =	seq.s32 s10, $0x1;
	s10 =	sld [smem:$0x3F9B]  }
0x3d: {  	_ =	shalt  }
0x3e: {  	_ =	shalt  }
0x3f: {  	_ =	shalt  }
0x40: {  	_ =	shalt  }
0x41: {  	_ =	shalt  }
0x42: {  	_ =	shalt  }
0x43: {  	_ =	shalt  }
0x44: {  	_ =	shalt  }
0x45: {  	_ =	shalt  }
0x46: {  	_ =	shalt  }
0x47: {  	_ =	shalt  }
0x48: {  	_ =	shalt  }
0x49: {  	_ =	shalt  }
0x4a: {  	_ =	shalt  }
0x4b: {  	_ =	shalt  }
0x4c: {  	_ =	shalt  }
0x4d: {  	_ =	shalt  }
0x4e: {  	_ =	shalt  }
0x4f: {  	_ =	shalt  }
0x50: {  	_ =	shalt  }
0x51: {  	_ =	shalt  }
0x52: {  	_ =	shalt  }
0x53: {  	_ =	shalt  }
0x54: {  	_ =	shalt  }
0x55: {  	_ =	shalt  }
0x56: {  	_ =	shalt  }
0x57: {  	_ =	shalt  }
0x58: {  	_ =	shalt  }
0x59: {  	_ =	shalt  }
0x5a: {  	_ =	shalt  }
0x5b: {  	_ =	shalt  }
0x5c: {  	_ =	shalt  }
0x5d: {  	_ =	shalt  }
0x5e: {  	_ =	shalt  }
0x5f: {  	_ =	shalt  }
0x60: {  	_ =	shalt  }
0x61: {  	_ =	shalt  }
0x62: {  	_ =	shalt  }
0x63: {  	_ =	shalt  }
0x64: {  	_ =	shalt  }
0x65: {  	_ =	shalt  }
0x66: {  	_ =	shalt  }
0x67: {  	_ =	shalt  }
0x68: {  	_ =	shalt  }
0x69: {  	_ =	shalt  }
0x6a: {  	_ =	shalt  }
0x6b: {  	_ =	shalt  }
0x6c: {  	_ =	shalt  }
0x6d: {  	_ =	shalt  }
0x6e: {  	_ =	shalt  }
0x6f: {  	_ =	shalt  }
0x70: {  	_ =	shalt  }
0x71: {  	_ =	shalt  }
0x72: {  	_ =	shalt  }
0x73: {  	_ =	shalt  }
0x74: {  	_ =	shalt  }
0x75: {  	_ =	shalt  }
0x76: {  	_ =	shalt  }
0x77: {  	_ =	shalt  }
0x78: {  	_ =	shalt  }
0x79: {  	_ =	shalt  }
0x7a: {  	_ =	shalt  }
0x7b: {  	_ =	shalt  }
0x7c: {  	_ =	shalt  }
0x7d: {  	_ =	shalt  }
0x7e: {  	_ =	shalt  }
0x7f: {  	_ =	shalt  }
0x80: {  	_ =	shalt  }
0x81: {  	_ =	shalt  }
0x82: {  	_ =	shalt  }
0x83: {  	_ =	shalt  }
0x84: {  	_ =	shalt  }
0x85: {  	_ =	shalt  }
0x86: {  	_ =	shalt  }
0x87: {  	_ =	shalt  }
.Lfunc_end0:
.L_simem_size_0:
called_computation_lowered:
.L_overlay_start_0:
0x88: {  	s0 =	sld [smem:$0x3FD9]  }
0x89: {  	s1 =	sld [smem:$0x3FFE];
	_ =	sdelay $0x3  }
0x8a: {  	s0 =	sadd.s32 s1, s0  }
0x8b: {  	[smem:$0x3FA7] =	sst s0  }
0x8c: {  	_ = 	snop  }
0x8d: {  	(tm) =	ssettm $0x1  }
0x8e: {  	s15 =	sld [smem:$0x3FFB];
	_ =	sdelay $0x3  }
0x8f: {  	_ =	strace s15  }
0x90: {  	s0 =	sld [smem:$0x3FFC];
	_ =	sdelay $0x3  }
0x91: {  	_ =	strace s0  }
0x92: {  	s0 =	sld [smem:$0x3FFD];
	_ =	sdelay $0x3  }
0x93: {  	_ =	strace s0  }
0x94: {  	_ =	strace $0x8FFFFFFF  }
0x95: {  	s16 =	sld [smem:$0x3FDB];
	_ =	sdelay $0x1  }
0x96: {  	s17 =	simm.s32 $_scs_section_size  }
0x97: {  	s2 =	simm.s32 $_size__tile_overlayer_lowered;
	s3 =	simm.s32 $_tile_overlayer_lowered  }
0x98: {  	s20 =	simm.s32 $0x1BFF;
	s19 =	sshll.u32 s3, $0x1;
	s0 =	sadd.s32 s17, s16  }
0x99: {  	s4 =	simm.s32 $0x0;
	s18 =	sshll.u32 s2, $0x1;
	s2 =	sadd.s32 s19, s0  }
0x9a: {  	[timem:s4], [sflag:s20] =	dma.local [hbm:s2], s18  }
0x9b: {  	_ =	swait.ge [sflag:s20], s18  }
0x9c: {  	s1 =	ssub.s32 $0x0, s18;
	[sflag:s20] =	ssyncset.done $0x0  }
0x9d: {  	[sflag:s20] =	ssyncadd.s32 s1;
	_ =	sdelay $0x1  }
0x9e: {  	s21 =	simm.s32 $0x1B8B  }
0x9f: {  	_ =	swait.ge [sflag:s21], $0x1  }
0xa0: {  	[sflag:s21] =	ssyncset.done $0x0  }
0xa1: {  	s23 =	simm.s32 $0x1B8E;
	s22 =	sld [smem:$0x3FFE];
	[sflag:s21] =	ssyncadd.s32 $0xFFFFFFFF  }
0xa2: {  	s24 =	simm.s32 $execute0_lowered;
	[smem:$0x3FD2] =	sst s23  }
0xa3: {  	s2 =	sshll.u32 s24, $0x1;
	_ =	strace $0x80000049;
	[dreg:$0x1] =	wrdreg $0xFFFFFFFF  }
0xa4: {  	s25 =	simm.s32 $_size_execute0_lowered;
	s0 =	sadd.s32 s0, s2;
	[dreg:$0x0] =	wrdreg $0x0  }
0xa5: {  	s2 =	sshll.u32 s25, $0x1;
	[dreg:$0x2] =	wrdreg s0  }
0xa6: {  	[dreg:$0x3] =	wrdreg s2  }
0xa7: {  	[dreg:$0x4] =	wrdreg $0xC0  }
0xa8: {  	_ =	task [dreg:s4], $0x5FFFF  }
0xa9: {  	[dreg:$0x1] =	wrdreg $0xFFFFFFFF  }
0xaa: {  	[dreg:$0x0] =	wrdreg $0x60  }
0xab: {  	[dreg:$0x2] =	wrdreg s22  }
0xac: {  	[dreg:$0x3] =	wrdreg $0x9  }
0xad: {  	_ =	task.clear_ibuf [dreg:s4], $0x4FFFF;
	_ =	strace $0x90000049  }
0xae: {  	s26 =	simm.s32 $0x9;
	_ =	strace $0x8000004B  }
0xaf: {  	_ =	swait.ge [sflag:s26], $0x1  }
0xb0: {  	[sflag:s26] =	ssyncadd.s32 $0xFFFFFFFF  }
0xb1: {  	_ =	strace $0x9000004B  }
0xb2: {  	_ =	sfence  }
0xb3: {  	s28 =	sld [smem:$0x0];
	_ =	sdelay $0x1  }
0xb4: {  	s29 =	srdreg.scid  }
0xb5: {  	s30 =	sshll.u32 s29, $0xD;
	s31 =	sshrl.u32 s29, $0x2  }
0xb6: {  	s1 =	sand.u32 $0x1, s29;
	s2 =	sand.u32 $0x4000, s30;
	s0 =	sadd.s32 s31, s28  }
0xb7: {  	s1 =	sor.u32 s2, s1;
	s0 =	sshll.u32 s0, $0x11  }
0xb8: {  	s0 =	sor.u32 s0, s1  }
0xb9: {  	s0 =	sadd.s32 $0x8F2B, s0  }
0xba: {  	[sflag:s0] =	ssyncadd.remote.s32 $0x1  }
0xbb: {  	_ =	sfence.sel $0xFFFF  }
0xbc: {  	[dreg:$0x0] =	wrdreg $0xFFFFFFFF;
	(pc) =	sbr.abs _section_cstart, $3  }
0xbd: {  	[dreg:$0x1] =	wrdreg $0xFFFFFFFF  }
0xbe: {  	_ =	task.clear_ibuf [dreg:s4], $0x2FFFF;
	_ =	strace $0x9FFFFFFF  }
0xbf: {  	(tm) =	ssettm $0x7FFFFFFF  }
tec
execute0_lowered:
.L_overlay_start_1:
0x0: {  	(tag) =	ssettag $0x1  }
0x1: {  	s0 =	rddreg [dreg:$0x0];
	_ =	strace $0x8000004A;
	s1 =	simm.s32 $0x1  }
0x2: {  	s8 =	simm.s32 $0x208;
	v0 =	vimm.s32 $0x0;
	[sflag:s1] =	ssyncpa.u1 $0x0  }
0x3: {  	[tilespmem:s8+$0x70] =	vst v0  }
0x4: {  	[tilespmem:s8+$0x60] =	vst v0  }
0x5: {  	[tilespmem:s8+$0x50] =	vst v0  }
0x6: {  	[tilespmem:s8+$0x40] =	vst v0  }
0x7: {  	[tilespmem:s8+$0x30] =	vst v0  }
0x8: {  	s1 =	sadd.s32 $0x550000, s0;
	s10 =	sadd.s32 $0x15600, s0;
	[tilespmem:s8+$0x20] =	vst v0  }
0x9: {  	s4 =	sadd.s32 $0x1FE00, s0;
	s5 =	sadd.s32 $0x1AA00, s0;
	s0 =	simm.s32 $0x40;
	[tilespmem:s8+$0x10] =	vst v0  }
.LBB2_1:
0xa: {  	s0 =	sadd.s32 $0x40, s0;
	[tilespmem:s8+$0x0] =	vst v0;
	s8 =	sadd.s32 $0x80, s8  }
0xb: {  	p0 =	slt.u32 s0, $0x3880;
	[tilespmem:s8+$0x70] =	vst v0  }
0xc: {  	[tilespmem:s8+$0x60] =	vst v0  }
.Ltmp0:
0xd: {  	[tilespmem:s8+$0x50] =	vst v0;
	(pc) =	sbr.rel @p0 .LBB2_1-.Ltmp0, $4  }
0xe: {  	[tilespmem:s8+$0x40] =	vst v0  }
0xf: {  	[tilespmem:s8+$0x30] =	vst v0  }
0x10: {  	[tilespmem:s8+$0x20] =	vst v0  }
0x11: {  	[tilespmem:s8+$0x10] =	vst v0  }
0x12: {  	s3 =	stileid.u32  }
0x13: {  	s0 =	smul.u32 $0x5E, s3  }
0x14: {  	s2 =	smin.u32 s3, $0xE  }
0x15: {  	s0 =	sadd.s32 s2, s0  }
0x16: {  	p0 =	slt.u32 s3, $0xE;
	s6 =	smul.u32 $0x70, s0;
	s0 =	simm.s32 $0x2990  }
0x17: {  	s0 =	simm.s32 @!p0 $0x2920  }
0x18: {  	s0 =	sadd.s32 s0, s6  }
0x19: {  	s7 =	smin.u32 s0, $0x29810  }
0x1a: {  	s0 =	ssub.s32 s7, s6  }
0x1b: {  	p0 =	sgt.s32 s0, $0x0  }
0x1c: {  	s26 =	simm.s32 $0x2;
	s0 =	simm.s32 @!p0 $0x0  }
0x1d: {  	s29 =	simm.s32 $0x7;
	s30 =	simm.s32 $0x8;
	s28 =	smulhi.u32 $0x92492493, s0  }
0x1e: {  	s31 =	simm.s32 $0x9;
	s11 =	simm.s32 $0x1;
	s21 =	simm.s32 $0x0  }
0x1f: {  	p1 =	por $0x0, $0x0;
	s15 =	simm.s32 $0x80;
	s2 =	sshrl.u32 s28, $0x6  }
0x20: {  	s16 =	simm.s32 $0x400;
	s17 =	simm.s32 $0xA;
	s9 =	smul.u32 $0x70, s2  }
.Ltmp1:
0x21: {  	[tilespmem:s8+$0x0] =	vst v0;
	v0 =	vimm.s32 $0xFFFFFFFF;
	s18 =	simm.s32 $0x0;
	[sflag:s26] =	ssyncpa.u1 $0x0;
	(pc) =	sbr.rel .LBB2_3-.Ltmp1, $4  }
0x22: {  	[tilespmem:$0xE408] =	vst v0;
	[sflag:s29] =	ssyncpa.u1 $0x0;
	p0 =	sne.s32 s0, s9;
	s0 =	simm.s32 $0x1  }
0x23: {  	s20 =	simm.s32 $0x0;
	[sflag:s30] =	ssyncpa.u1 $0x0;
	s0 =	simm.s32 @!p0 $0x0  }
0x24: {  	s13 =	sshll.u32 s3, $0x9;
	[sflag:s31] =	ssyncpa.u1 $0x0;
	s12 =	sadd.s32 s0, s2  }
0x25: {  	v0 =	vlaneseq.u32;
	s19 =	smov.u32 s6;
	p0 =	por $0x1, $0x1;
	s14 =	sadd.s32 $0x1, s12  }
.LBB2_24:
0x26: {  	s0 =	sshrl.u32 s29, $0x2  }
.LBB2_26:
0x27: {  	_ =	swait.ge [sflag:s17], s0  }
0x28: {  	s31 =	ssub.s32 $0x0, s0;
	v1 =	vmov s23;
	vm0 =	veq.s32 v0, $0x0;
	[sflag:s17] =	ssyncset.done $0x0  }
0x29: {  	vm15 =	veq.s32 v0, $0x2;
	v1 =	vsel vm0, s28, v1;
	[sflag:s17] =	ssyncadd.s32 s31  }
0x2a: {  	v1 =	vsel vm15, s21, v1;
	[sflag:s17] =	ssyncpa.u1 $0x1  }
0x2b: {  	[tilespmem:$0xE408] =	vst v1  }
.LBB2_27:
0x2c: {  	s0 =	sadd.s32 $0x70, s19  }
0x2d: {  	s2 =	smov.u32 s6;
	p2 =	slt.s32 s0, s7  }
0x2e: {  	s2 =	smov.u32 @p2 s0;
	p2 =	sne.s32 s20, s14  }
.Ltmp2:
0x2f: {  	_ = 	snop;
	(pc) =	sbr.rel @!p2 .LBB2_28-.Ltmp2, $4  }
0x30: {  	_ = 	snop  }
0x31: {  	s21 =	smov.u32 s18  }
0x32: {  	s31 =	sadd.s32 $0x1, s20;
	s18 =	smov.u32 s19;
	p0 =	por !p0, !p0  }
0x33: {  	p1 =	por !p1, !p1;
	s20 =	smov.u32 s31;
	s19 =	smov.u32 s2  }
.LBB2_3:
0x34: {  	p2 =	sge.u32 s20, s12  }
0x35: {  	s0 =	smulhi.u32 @!p2 $0xAAAAAAAB, s20  }
0x36: {  	s2 =	smov.u32 s19;
	p3 =	sgt.s32 @!p2 s19, $0x297A0  }
0x37: {  	s8 =	sshra.s32 @!p2 s19, $0x1F;
	p3 =	por !p3, p2;
	s0 =	sshrl.u32 @!p2 s0, $0x1  }
0x38: {  	s8 =	sand.u32 @!p2 s8, s19;
	s2 =	simm.s32 @p3 $0x297A0;
	s0 =	smul.u32 @!p2 $0x3, s0  }
0x39: {  	s2 =	ssub.s32 @!p2 s2, s8  }
0x3a: {  	s2 =	sadd.s32 @!p2 $0xFFFD6860, s2;
	s0 =	ssub.s32 @!p2 s20, s0  }
0x3b: {  	s8 =	sshll.u32 @!p2 s2, $0x2;
	p3 =	sgt.s32 @!p2 s2, $0x6F;
	s0 =	smul.u32 @!p2 $0x1C0, s0  }
0x3c: {  	s9 =	sand.u32 @!p2 $0x7, s19;
	s2 =	ssub.s32 @!p2 $0x1C0, s8;
	p3 =	por !p3, p2  }
0x3d: {  	s8 =	sshrl.u32 @!p2 s19, $0x3;
	s2 =	sshrl.u32 @!p2 s2, $0x2;
	s0 =	sshrl.u32 @!p2 s0, $0x2  }
0x3e: {  	s8 =	sadd.s32 @!p2 s5, s8;
	s2 =	simm.s32 @!p3 $0x0;
	s0 =	sadd.s32 @!p2 $0x10438, s0  }
0x3f: {  	[tilespmem:s0], [sflag:$0x8] =	stream.linear.gather @!p2 [hbm4b:s8+s9], s2, $0x38;
	[tilespmem:$0x1E668] =	vst v63  }
0x40: {  	s0 =	sadd.s32 $0xFFFFFFFF, s20  }
0x41: {  	p2 =	sge.u32 s0, s12  }
0x42: {  	p3 =	sgt.s32 @!p2 s18, $0x297A0  }
0x43: {  	s2 =	smov.u32 s18;
	s8 =	sshra.s32 @!p2 s18, $0x1F;
	p3 =	por !p3, p2  }
0x44: {  	s8 =	sand.u32 @!p2 s8, s18;
	s2 =	simm.s32 @p3 $0x297A0  }
0x45: {  	s2 =	ssub.s32 @!p2 s2, s8  }
0x46: {  	s2 =	sadd.s32 @!p2 $0xFFFD6860, s2  }
0x47: {  	s8 =	sshll.u32 @!p2 s2, $0x2  }
0x48: {  	p3 =	sgt.s32 @!p2 s2, $0x6F;
	s2 =	ssub.s32 @!p2 $0x1C0, s8  }
0x49: {  	p3 =	por !p3, p2;
	s2 =	sshrl.u32 @!p2 s2, $0x2  }
0x4a: {  	s9 =	simm.s32 @!p2 $0x8;
	s8 =	sand.u32 @!p2 $0x1, s0;
	s2 =	simm.s32 @!p3 $0x0  }
0x4b: {  	s8 =	smul.u32 @!p2 $0x1C0, s8;
	_ =	swait.ge @!p2 [sflag:s9], s2  }
0x4c: {  	s22 =	ssub.s32 @!p2 $0x0, s2;
	[sflag:s9] =	ssyncset.done @!p2 $0x0  }
0x4d: {  	s8 =	sshrl.u32 @!p2 s8, $0x2;
	[sflag:s9] =	ssyncadd.s32 @!p2 s22;
	s9 =	sshrl.u32 @!p2 s18, $0x3  }
0x4e: {  	s8 =	sor.u32 @!p2 $0x10588, s8;
	s22 =	sand.u32 @!p2 $0x7, s18;
	s9 =	sadd.s32 @!p2 s10, s9  }
0x4f: {  	[tilespmem:s8], [sflag:$0x9] =	stream.linear.gather @!p2 [hbm4b:s9+s22], s2, $0x38;
	[tilespmem:$0x1E668] =	vst v63  }
0x50: {  	s22 =	ssub.s32 @!p2 $0x29810, s18  }
0x51: {  	p3 =	slt.s32 @!p2 s22, $0x1  }
0x52: {  	p3 =	por p2, p3  }
.Ltmp3:
0x53: {  	_ = 	snop;
	(pc) =	sbr.rel @p3 .LBB2_9-.Ltmp3, $1  }
0x54: {  	_ =	sdelay $0x3  }
0x55: {  	s2 =	smulhi.u32 $0xAAAAAAAB, s0;
	_ =	sdelay $0x1  }
0x56: {  	s2 =	sshrl.u32 s2, $0x1  }
0x57: {  	s2 =	smul.u32 $0x3, s2;
	_ =	sdelay $0x1  }
0x58: {  	s29 =	ssub.s32 s0, s2  }
0x59: {  	s8 =	simm.s32 $0x1;
	s0 =	smul.u32 $0x1C0, s29  }
.Ltmp4:
0x5a: {  	s8 =	simm.s32 @!p0 $0x0;
	(pc) =	sbr.rel .LBB2_6-.Ltmp4, $4  }
0x5b: {  	s30 =	smul.u32 $0x1C000, s8  }
0x5c: {  	p3 =	slt.s32 @!p2 s22, $0x70;
	s0 =	sshrl.u32 s0, $0x2  }
0x5d: {  	p2 =	por !p3, p2;
	s2 =	sshrl.u32 s30, $0x2;
	s31 =	sadd.s32 $0x10438, s0  }
0x5e: {  	s22 =	simm.s32 @p2 $0x70;
	s23 =	sor.u32 $0x10668, s2;
	s0 =	simm.s32 $0x0;
	v1 =	vmov s31  }
.LBB2_5:
0x5f: {  	p2 =	sge.s32 s0, s22  }
.Ltmp5:
0x60: {  	_ = 	snop;
	(pc) =	sbr.rel @p2 .LBB2_9-.Ltmp5, $2  }
0x61: {  	_ =	sdelay $0x2  }
0x62: {  	s23 =	sadd.s32 $0x1000, s23  }
.LBB2_6:
0x63: {  	p2 =	sle.s32 s22, s0  }
.Ltmp6:
0x64: {  	_ = 	snop;
	(pc) =	sbr.rel @p2 .LBB2_5-.Ltmp6, $2  }
0x65: {  	_ =	sdelay $0x2  }
0x66: {  	s24 =	smov.u32 s0;
	s0 =	sadd.s32 $0x10, s0  }
0x67: {  	s2 =	ssub.s32 s22, s24  }
0x68: {  	p2 =	slt.s32 s2, $0x10  }
0x69: {  	s2 =	simm.s32 @!p2 $0x10  }
0x6a: {  	v2 =	vmov s2  }
0x6b: {  	vm0 =	vgt.s32 v2, v0;
	_ =	sdelay $0x5  }
0x6c: {  	v2 =	vld.idx.msk [tilespmem:v1+s24+$0x0 ss:$0x1], vm0;
	_ =	sdelay $0x2  }
0x6d: {  	p2 =	slt.s32 s0, s22;
	s2 =	smov.u32 s22  }
0x6e: {  	s8 =	smov.u32 s23;
	s25 =	simm.s32 $0x0;
	s2 =	smov.u32 @p2 s0  }
.LBB2_8:
0x6f: {  	(v2sf) =	vpush v2, s25;
	_ =	sdelay $0xe  }
0x70: {  	s25 =	sadd.s32 $0x1, s25;
	s9 =	spop (v2sf)  }
0x71: {  	s31 =	sadd.s32 s25, s24;
	s26 =	sshll.u32 s9, $0x8;
	s9 =	sshll.u32 s9, $0x7  }
0x72: {  	p2 =	slt.s32 s31, s2;
	s26 =	sand.u32 $0xFFFFF800, s26;
	s9 =	sand.u32 $0x380, s9  }
.Ltmp7:
0x73: {  	s9 =	sor.u32 s9, s26;
	(pc) =	sbr.rel @p2 .LBB2_8-.Ltmp7, $4  }
0x74: {  	s9 =	sshrl.u32 s9, $0x3  }
0x75: {  	s9 =	sadd.s32 s4, s9  }
0x76: {  	[tilespmem:s8], [sflag:$0x7] =	stream.strided.gather [hbm4b:s9+s15], $0x100, s16, s15, $0x38;
	[tilespmem:$0x1E668] =	vst v63  }
0x77: {  	s8 =	sadd.s32 $0x100, s8  }
.Ltmp8:
0x78: {  	_ = 	snop;
	(pc) =	sbr.rel .LBB2_5-.Ltmp8, $1  }
0x79: {  	_ =	sdelay $0x3  }
.LBB2_9:
0x7a: {  	p2 =	slt.u32 s20, $0x2  }
.Ltmp9:
0x7b: {  	_ = 	snop;
	(pc) =	sbr.rel @p2 .LBB2_27-.Ltmp9, $1  }
0x7c: {  	_ =	sdelay $0x3  }
0x7d: {  	p2 =	sgt.s32 s21, $0x297A0;
	s0 =	smov.u32 s21  }
0x7e: {  	s2 =	sshra.s32 s21, $0x1F;
	s8 =	ssub.s32 $0x29810, s21;
	s0 =	simm.s32 @!p2 $0x297A0  }
0x7f: {  	s2 =	sand.u32 s2, s21;
	p2 =	slt.s32 s8, $0x70;
	s9 =	smov.u32 s8  }
0x80: {  	s0 =	ssub.s32 s0, s2;
	s9 =	simm.s32 @!p2 $0x70  }
0x81: {  	s0 =	sadd.s32 $0xFFFD6860, s0;
	s25 =	sshll.u32 s9, $0x8  }
0x82: {  	s3 =	simm.s32 $0x7;
	s26 =	sshll.u32 s0, $0x2;
	s2 =	sand.u32 $0x3FFFFF00, s25  }
0x83: {  	p2 =	sgt.s32 s0, $0x6F;
	s29 =	ssub.s32 $0x1C0, s26;
	_ =	swait.ge [sflag:s3], s2  }
0x84: {  	s2 =	ssub.s32 $0x0, s2;
	[sflag:s3] =	ssyncset.done $0x0;
	s0 =	sshrl.u32 s29, $0x2  }
0x85: {  	s30 =	simm.s32 $0x9;
	[sflag:s3] =	ssyncadd.s32 s2;
	s0 =	simm.s32 @p2 $0x0  }
0x86: {  	_ =	swait.ge [sflag:s30], s0  }
0x87: {  	s0 =	ssub.s32 $0x0, s0;
	[sflag:s30] =	ssyncset.done $0x0  }
0x88: {  	[sflag:s30] =	ssyncadd.s32 s0  }
0x89: {  	v1 =	vld [tilespmem:$0xE408];
	_ =	sdelay $0x4  }
0x8a: {  	(v2sf) =	vpush v1, $0x0  }
0x8b: {  	(v2sf) =	vpush v1, $0x1  }
0x8c: {  	(v2sf) =	vpush v1, $0x2;
	_ =	sdelay $0x3  }
0x8d: {  	s0 =	sadd.s32 $0x70, s21  }
0x8e: {  	p2 =	slt.s32 s7, s0  }
0x8f: {  	s0 =	smov.u32 @p2 s7;
	p2 =	sgt.s32 s8, $0x0  }
0x90: {  	s25 =	ssub.s32 s0, s21;
	s8 =	simm.s32 @!p2 $0x0  }
0x91: {  	p2 =	slt.s32 s8, s25  }
0x92: {  	s25 =	smov.u32 @p2 s8  }
0x93: {  	s24 =	simm.s32 $0x1;
	p2 =	slt.s32 s25, $0x1  }
.Ltmp10:
0x94: {  	s24 =	simm.s32 @!p1 $0x0;
	(pc) =	sbr.rel @p2 .LBB2_14-.Ltmp10, $4  }
0x95: {  	s31 =	smul.u32 $0x1C0, s24  }
0x96: {  	s26 =	spop (v2sf)  }
0x97: {  	s0 =	sshrl.u32 s31, $0x2;
	s28 =	spop (v2sf)  }
0x98: {  	s22 =	sor.u32 $0x10588, s0;
	s21 =	spop (v2sf)  }
0x99: {  	s0 =	smin.u32 s25, $0x10  }
0x9a: {  	v1 =	vmov s0  }
0x9b: {  	vm1 =	vgt.u32 v1, v0  }
0x9c: {  	p3 =	sgt.s32 s25, $0x10  }
.Ltmp11:
0x9d: {  	_ = 	snop;
	(pc) =	sbr.rel @!p3 .LBB2_13-.Ltmp11, $2  }
0x9e: {  	_ =	sdelay $0x2  }
0x9f: {  	s23 =	simm.s32 $0x10;
	s29 =	sadd.s32 $0xFFFFFFF0, s25;
	s0 =	smov.u32 s22;
	vm0 =	vmmov vm1;
	v1 =	vld.msk [tilespmem:s22+$0x0 ss:$0x1], vm1  }
.LBB2_12:
0xa0: {  	s2 =	smin.u32 s29, $0x10;
	s23 =	sadd.s32 $0x10, s23  }
0xa1: {  	v2 =	vmov s2;
	p3 =	slt.s32 s23, s25  }
0xa2: {  	vm1 =	vgt.u32 v2, v0;
	_ =	sdelay $0x1  }
0xa3: {  	v2 =	vshll.u32 v1, $0x5;
	v1 =	vshll.u32 v1, $0x4  }
.Ltmp12:
0xa4: {  	v2 =	vand.u32 $0xFFFFFF00, v2;
	v1 =	vand.u32 $0x70, v1;
	(pc) =	sbr.rel @p3 .LBB2_12-.Ltmp12, $4  }
0xa5: {  	v1 =	vor.u32 v1, v2  }
0xa6: {  	[tilespmem:s0+$0x0] =	vst.msk vm0, v1;
	s0 =	sadd.s32 $0x10, s0;
	vm0 =	vmmov vm1  }
0xa7: {  	v1 =	vld.msk [tilespmem:s0+$0x0 ss:$0x1], vm1  }
0xa8: {  	s29 =	sadd.s32 $0xFFFFFFF0, s29  }
.LBB2_13:
0xa9: {  	_ =	sdelay $0x3  }
0xaa: {  	v2 =	vshll.u32 v1, $0x5;
	v1 =	vshll.u32 v1, $0x4  }
0xab: {  	v2 =	vand.u32 $0xFFFFFF00, v2;
	v1 =	vand.u32 $0x70, v1  }
0xac: {  	v1 =	vor.u32 v1, v2  }
0xad: {  	[tilespmem:s0+$0x0] =	vst.msk vm0, v1  }
.LBB2_14:
0xae: {  	s0 =	sand.u32 $0x1, s20  }
0xaf: {  	s2 =	smul.u32 $0x7000, s0  }
0xb0: {  	p3 =	sne.s32 s28, $0xFFFFFFFF  }
0xb1: {  	v1 =	vld @!p3 [tilespmem:s2+$0x10668];
	_ =	sdelay $0x2  }
0xb2: {  	s0 =	smul.u32 $0x70, s0;
	_ =	sdelay $0x1  }
0xb3: {  	v2 =	vld.msk @!p3 [tilespmem:s0+$0x10588], $0x1;
	[tilespmem:$0x208] =	vst @!p3 v1  }
0xb4: {  	v1 =	vld @!p3 [tilespmem:s2+$0x10678];
	_ =	sdelay $0x4  }
0xb5: {  	[tilespmem:$0x218] =	vst @!p3 v1  }
0xb6: {  	v1 =	vld @!p3 [tilespmem:s2+$0x10688];
	_ =	sdelay $0x4  }
0xb7: {  	[tilespmem:$0x228] =	vst @!p3 v1  }
0xb8: {  	v1 =	vld @!p3 [tilespmem:s2+$0x10698];
	_ =	sdelay $0x4  }
0xb9: {  	[tilespmem:$0x238] =	vst @!p3 v1  }
0xba: {  	v1 =	vld @!p3 [tilespmem:s2+$0x106A8];
	_ =	sdelay $0x4  }
0xbb: {  	[tilespmem:$0x248] =	vst @!p3 v1  }
0xbc: {  	v1 =	vld @!p3 [tilespmem:s2+$0x106B8];
	_ =	sdelay $0x4  }
0xbd: {  	[tilespmem:$0x258] =	vst @!p3 v1  }
0xbe: {  	v1 =	vld @!p3 [tilespmem:s2+$0x106C8];
	_ =	sdelay $0x4  }
0xbf: {  	[tilespmem:$0x268] =	vst @!p3 v1  }
0xc0: {  	v1 =	vld @!p3 [tilespmem:s2+$0x106D8];
	_ =	sdelay $0x4  }
0xc1: {  	[tilespmem:$0x278] =	vst @!p3 v1  }
0xc2: {  	v1 =	vld @!p3 [tilespmem:s2+$0x106E8];
	_ =	sdelay $0x4  }
0xc3: {  	[tilespmem:$0x288] =	vst @!p3 v1  }
0xc4: {  	v1 =	vld @!p3 [tilespmem:s2+$0x106F8];
	_ =	sdelay $0x4  }
0xc5: {  	[tilespmem:$0x298] =	vst @!p3 v1  }
0xc6: {  	v1 =	vld @!p3 [tilespmem:s2+$0x10708];
	_ =	sdelay $0x4  }
0xc7: {  	[tilespmem:$0x2A8] =	vst @!p3 v1  }
0xc8: {  	v1 =	vld @!p3 [tilespmem:s2+$0x10718];
	_ =	sdelay $0x4  }
0xc9: {  	[tilespmem:$0x2B8] =	vst @!p3 v1  }
0xca: {  	v1 =	vld @!p3 [tilespmem:s2+$0x10728];
	_ =	sdelay $0x4  }
0xcb: {  	[tilespmem:$0x2C8] =	vst @!p3 v1  }
0xcc: {  	(v2sf) =	vpush @!p3 v2, $0x0;
	v1 =	vld @!p3 [tilespmem:s2+$0x10738];
	_ =	sdelay $0x4  }
0xcd: {  	[tilespmem:$0x2D8] =	vst @!p3 v1  }
0xce: {  	v1 =	vld @!p3 [tilespmem:s2+$0x10748];
	_ =	sdelay $0x4  }
0xcf: {  	[tilespmem:$0x2E8] =	vst @!p3 v1  }
0xd0: {  	v1 =	vld @!p3 [tilespmem:s2+$0x10758]  }
.Ltmp13:
0xd1: {  	_ = 	snop;
	(pc) =	sbr.rel @p2 .LBB2_25-.Ltmp13, $4  }
0xd2: {  	_ = 	snop  }
0xd3: {  	s30 =	spop @!p3 (v2sf)  }
0xd4: {  	s21 =	simm.s32 @!p3 $0x0;
	s23 =	smov.u32 s30  }
0xd5: {  	s30 =	smov.u32 @p3 s26;
	s23 =	smov.u32 @p3 s28;
	[tilespmem:$0x2F8] =	vst @!p3 v1;
	[sflag:s17] =	ssyncpa.u1 $0x0  }
0xd6: {  	v1 =	vld.msk [tilespmem:s22+$0x0], $0x1;
	_ =	sdelay $0x4  }
0xd7: {  	(v2sf) =	vpush v1, $0x0;
	_ =	sdelay $0xd  }
0xd8: {  	s17 =	smov.u32 s6  }
0xd9: {  	s6 =	smov.u32 s14;
	s14 =	smov.u32 s5;
	s29 =	spop (v2sf)  }
0xda: {  	s5 =	smov.u32 s10;
	s0 =	smul.u32 $0x1C000, s24;
	p2 =	seq.s32 s30, s29  }
0xdb: {  	s2 =	smov.u32 s30;
	s25 =	ssub.s32 $0x0, s25;
	p3 =	sgt.s32 @!p2 s30, $0x0  }
0xdc: {  	s26 =	simm.s32 $0x0;
	s0 =	sshrl.u32 s0, $0x2;
	p3 =	por !p3, p2  }
0xdd: {  	s28 =	sadd.s32 $0x1, s25;
	s24 =	sor.u32 $0x106E8, s0;
	s2 =	simm.s32 @p3 $0x0  }
0xde: {  	s0 =	simm.s32 @!p2 $0x1;
	p3 =	seq.s32 s28, $0x0;
	s2 =	smin.u32 @!p2 s2, $0x4E170  }
.Ltmp14:
0xdf: {  	s9 =	simm.s32 @!p2 $0x7308;
	s8 =	sand.u32 @!p2 $0x7FFF8, s2;
	(pc) =	sbr.rel @p3 .LBB2_17-.Ltmp14, $4  }
0xe0: {  	s31 =	sadd.s32 @!p2 $0x80, s2;
	s10 =	sadd.s32 @!p2 s1, s8;
	s8 =	sand.u32 @!p2 $0x7, s2  }
0xe1: {  	[tilespmem:s9], [sflag:$0x2] =	stream.linear.gather @!p2 [hbm4b:s10+s8], $0x80, $0x38;
	[tilespmem:$0x1E668] =	vst v63  }
0xe2: {  	s0 =	smov.u32 @p2 s26;
	s9 =	sand.u32 @!p2 $0xFFFF8, s31  }
0xe3: {  	s2 =	simm.s32 @!p2 $0x7388;
	s31 =	sadd.s32 $0x1, s22;
	s9 =	sadd.s32 @!p2 s1, s9  }
.LBB2_16:
0xe4: {  	s10 =	smov.u32 s0  }
0xe5: {  	[tilespmem:s2], [sflag:$0x2] =	stream.linear.gather @!p2 [hbm4b:s9+s8], $0x80, $0x38;
	[tilespmem:$0x1E668] =	vst v63  }
0xe6: {  	s28 =	sadd.s32 $0x1, s28;
	s8 =	smov.u32 s29;
	v1 =	vld.msk [tilespmem:s31+$0x0], $0x1  }
0xe7: {  	p3 =	seq.s32 s28, $0x0;
	_ =	sdelay $0x3  }
0xe8: {  	(v2sf) =	vpush v1, $0x0;
	_ =	sdelay $0xe  }
0xe9: {  	s29 =	spop (v2sf)  }
0xea: {  	p2 =	seq.s32 s8, s29  }
0xeb: {  	p4 =	sgt.s32 @!p2 s8, $0x0;
	s2 =	sshll.u32 @!p2 s0, $0xA;
	s0 =	sadd.s32 @!p2 $0x1, s0  }
0xec: {  	p4 =	por !p4, p2;
	s2 =	sshra.s32 @!p2 s2, $0x2;
	s0 =	smov.u32 @p2 s10  }
0xed: {  	s8 =	simm.s32 @p4 $0x0;
	s9 =	sadd.s32 @!p2 $0x7308, s2;
	s2 =	sadd.s32 @!p2 $0x7388, s2  }
.Ltmp15:
0xee: {  	s8 =	smin.u32 @!p2 s8, $0x4E170;
	(pc) =	sbr.rel @!p3 .LBB2_16-.Ltmp15, $4  }
0xef: {  	s10 =	sand.u32 @!p2 $0x7FFF8, s8;
	s3 =	sadd.s32 @!p2 $0x80, s8  }
0xf0: {  	s8 =	sand.u32 @!p2 $0x7, s8;
	s10 =	sadd.s32 @!p2 s1, s10;
	s3 =	sand.u32 @!p2 $0xFFFF8, s3  }
0xf1: {  	[tilespmem:s9], [sflag:$0x2] =	stream.linear.gather @!p2 [hbm4b:s10+s8], $0x80, $0x38;
	[tilespmem:$0x1E668] =	vst v63  }
0xf2: {  	s31 =	sadd.s32 $0x1, s31;
	s9 =	sadd.s32 @!p2 s1, s3  }
.LBB2_17:
0xf3: {  	[tilespmem:s2], [sflag:$0x2] =	stream.linear.gather @!p2 [hbm4b:s9+s8], $0x80, $0x38;
	[tilespmem:$0x1E668] =	vst v63  }
.Ltmp16:
0xf4: {  	s0 =	sshll.u32 s0, $0x8;
	(pc) =	sbr.rel .LBB2_18-.Ltmp16, $4  }
0xf5: {  	s31 =	simm.s32 $0x2;
	s29 =	simm.s32 $0x0;
	s0 =	sand.u32 $0x3FFFFF00, s0  }
0xf6: {  	s10 =	smov.u32 s5;
	s5 =	smov.u32 s14;
	_ =	swait.ge [sflag:s31], s0  }
0xf7: {  	s14 =	smov.u32 s6;
	s0 =	ssub.s32 $0x0, s0;
	[sflag:s31] =	ssyncset.done $0x0  }
0xf8: {  	s6 =	smov.u32 s17;
	s17 =	simm.s32 $0xA;
	[sflag:s31] =	ssyncadd.s32 s0  }
.LBB2_19:
0xf9: {  	v1 =	vld [tilespmem:s24+$0xFFFFFF80]  }
0xfa: {  	v2 =	vld [tilespmem:s31+$0x208];
	_ =	sdelay $0x4  }
0xfb: {  	v1 =	vmax.f32 v1, v2  }
0xfc: {  	v2 =	vld [tilespmem:s31+$0x218];
	[tilespmem:s31+$0x208] =	vst v1  }
0xfd: {  	v1 =	vld [tilespmem:s24+$0xFFFFFF90];
	_ =	sdelay $0x4  }
0xfe: {  	v1 =	vmax.f32 v1, v2  }
0xff: {  	v2 =	vld [tilespmem:s31+$0x228];
	[tilespmem:s31+$0x218] =	vst v1  }
0x100: {  	v1 =	vld [tilespmem:s24+$0xFFFFFFA0];
	_ =	sdelay $0x4  }
0x101: {  	v1 =	vmax.f32 v1, v2  }
0x102: {  	v2 =	vld [tilespmem:s31+$0x238];
	[tilespmem:s31+$0x228] =	vst v1  }
0x103: {  	v1 =	vld [tilespmem:s24+$0xFFFFFFB0];
	_ =	sdelay $0x4  }
0x104: {  	v1 =	vmax.f32 v1, v2  }
0x105: {  	v2 =	vld [tilespmem:s31+$0x248];
	[tilespmem:s31+$0x238] =	vst v1  }
0x106: {  	v1 =	vld [tilespmem:s24+$0xFFFFFFC0];
	_ =	sdelay $0x4  }
0x107: {  	v1 =	vmax.f32 v1, v2  }
0x108: {  	v2 =	vld [tilespmem:s31+$0x258];
	[tilespmem:s31+$0x248] =	vst v1  }
0x109: {  	v1 =	vld [tilespmem:s24+$0xFFFFFFD0];
	_ =	sdelay $0x4  }
0x10a: {  	v1 =	vmax.f32 v1, v2  }
0x10b: {  	v2 =	vld [tilespmem:s31+$0x268];
	[tilespmem:s31+$0x258] =	vst v1  }
0x10c: {  	v1 =	vld [tilespmem:s24+$0xFFFFFFE0];
	_ =	sdelay $0x4  }
0x10d: {  	v1 =	vmax.f32 v1, v2  }
0x10e: {  	v2 =	vld [tilespmem:s31+$0x278];
	[tilespmem:s31+$0x268] =	vst v1  }
0x10f: {  	v1 =	vld [tilespmem:s24+$0xFFFFFFF0];
	_ =	sdelay $0x4  }
0x110: {  	v1 =	vmax.f32 v1, v2  }
0x111: {  	v2 =	vld [tilespmem:s31+$0x288];
	[tilespmem:s31+$0x278] =	vst v1  }
0x112: {  	v1 =	vld [tilespmem:s24+$0x0];
	_ =	sdelay $0x4  }
0x113: {  	v1 =	vmax.f32 v1, v2  }
0x114: {  	v2 =	vld [tilespmem:s31+$0x298];
	[tilespmem:s31+$0x288] =	vst v1  }
0x115: {  	v1 =	vld [tilespmem:s24+$0x10];
	_ =	sdelay $0x4  }
0x116: {  	v1 =	vmax.f32 v1, v2  }
0x117: {  	v2 =	vld [tilespmem:s31+$0x2A8];
	[tilespmem:s31+$0x298] =	vst v1  }
0x118: {  	v1 =	vld [tilespmem:s24+$0x20];
	_ =	sdelay $0x4  }
0x119: {  	v1 =	vmax.f32 v1, v2  }
0x11a: {  	v2 =	vld [tilespmem:s31+$0x2B8];
	[tilespmem:s31+$0x2A8] =	vst v1  }
0x11b: {  	v1 =	vld [tilespmem:s24+$0x30];
	_ =	sdelay $0x4  }
0x11c: {  	v1 =	vmax.f32 v1, v2  }
0x11d: {  	v2 =	vld [tilespmem:s31+$0x2C8];
	[tilespmem:s31+$0x2B8] =	vst v1  }
0x11e: {  	v1 =	vld [tilespmem:s24+$0x40];
	_ =	sdelay $0x4  }
0x11f: {  	v1 =	vmax.f32 v1, v2  }
0x120: {  	v2 =	vld [tilespmem:s31+$0x2D8];
	[tilespmem:s31+$0x2C8] =	vst v1  }
0x121: {  	v1 =	vld [tilespmem:s24+$0x50];
	_ =	sdelay $0x4  }
0x122: {  	v1 =	vmax.f32 v1, v2  }
0x123: {  	v2 =	vld [tilespmem:s31+$0x2E8];
	[tilespmem:s31+$0x2D8] =	vst v1  }
0x124: {  	v1 =	vld [tilespmem:s24+$0x60];
	_ =	sdelay $0x4  }
0x125: {  	v1 =	vmax.f32 v1, v2  }
0x126: {  	v2 =	vld [tilespmem:s31+$0x2F8];
	[tilespmem:s31+$0x2E8] =	vst v1  }
0x127: {  	v1 =	vld [tilespmem:s24+$0x70];
	_ =	sdelay $0x4  }
0x128: {  	v1 =	vmax.f32 v1, v2  }
0x129: {  	[tilespmem:s31+$0x2F8] =	vst v1  }
.LBB2_23:
0x12a: {  	s25 =	sadd.s32 $0x1, s25  }
0x12b: {  	p2 =	seq.s32 s25, $0x0  }
.Ltmp17:
0x12c: {  	_ = 	snop;
	(pc) =	sbr.rel @p2 .LBB2_24-.Ltmp17, $2  }
0x12d: {  	_ =	sdelay $0x2  }
0x12e: {  	s22 =	sadd.s32 $0x1, s22;
	s24 =	sadd.s32 $0x100, s24;
	s30 =	smov.u32 s28  }
.LBB2_18:
0x12f: {  	v1 =	vld.msk [tilespmem:s22+$0x0], $0x1;
	_ =	sdelay $0x4  }
0x130: {  	(v2sf) =	vpush v1, $0x0;
	_ =	sdelay $0xe  }
0x131: {  	s28 =	spop (v2sf)  }
0x132: {  	p2 =	sne.s32 s30, s28  }
.Ltmp18:
0x133: {  	_ = 	snop;
	(pc) =	sbr.rel @!p2 .LBB2_19-.Ltmp18, $3  }
0x134: {  	_ =	sdelay $0x1  }
0x135: {  	s0 =	sshll.u32 s21, $0xA  }
0x136: {  	s31 =	sshra.s32 s0, $0x2  }
0x137: {  	p2 =	seq.s32 s30, s23  }
.Ltmp19:
0x138: {  	_ = 	snop;
	(pc) =	sbr.rel @!p2 .LBB2_21-.Ltmp19, $1  }
0x139: {  	_ =	sdelay $0x3  }
.Ltmp20:
0x13a: {  	s0 =	sadd.s32 $0x208, s31;
	(pc) =	sbr.rel .LBB2_22-.Ltmp20, $4  }
0x13b: {  	[spmem:s13] =	stream.linear.scatter [tilespmem:s0], [sflag:$0x1], $0x100, $0x38;
	[tilespmem:$0x1E668] =	vst v63  }
0x13c: {  	_ =	swait.ge [sflag:s11], $0x100  }
0x13d: {  	[sflag:s11] =	ssyncset.done $0x0  }
0x13e: {  	[sflag:s11] =	ssyncadd.s32 $0xFFFFFF00  }
.LBB2_21:
0x13f: {  	s0 =	sshll.u32 s26, $0xA  }
0x140: {  	v2 =	vld [tilespmem:s31+$0x208];
	s0 =	sshra.s32 s0, $0x2  }
0x141: {  	v1 =	vld [tilespmem:s0+$0x7308];
	_ =	sdelay $0x4  }
0x142: {  	v1 =	vmax.f32 v1, v2  }
0x143: {  	v2 =	vld [tilespmem:s31+$0x218];
	[tilespmem:s31+$0x208] =	vst v1  }
0x144: {  	v1 =	vld [tilespmem:s0+$0x7318];
	_ =	sdelay $0x4  }
0x145: {  	v1 =	vmax.f32 v1, v2  }
0x146: {  	v2 =	vld [tilespmem:s31+$0x228];
	[tilespmem:s31+$0x218] =	vst v1  }
0x147: {  	v1 =	vld [tilespmem:s0+$0x7328];
	_ =	sdelay $0x4  }
0x148: {  	v1 =	vmax.f32 v1, v2  }
0x149: {  	v2 =	vld [tilespmem:s31+$0x238];
	[tilespmem:s31+$0x228] =	vst v1  }
0x14a: {  	v1 =	vld [tilespmem:s0+$0x7338];
	_ =	sdelay $0x4  }
0x14b: {  	v1 =	vmax.f32 v1, v2  }
0x14c: {  	v2 =	vld [tilespmem:s31+$0x248];
	[tilespmem:s31+$0x238] =	vst v1  }
0x14d: {  	v1 =	vld [tilespmem:s0+$0x7348];
	_ =	sdelay $0x4  }
0x14e: {  	v1 =	vmax.f32 v1, v2  }
0x14f: {  	v2 =	vld [tilespmem:s31+$0x258];
	[tilespmem:s31+$0x248] =	vst v1  }
0x150: {  	v1 =	vld [tilespmem:s0+$0x7358];
	_ =	sdelay $0x4  }
0x151: {  	v1 =	vmax.f32 v1, v2  }
0x152: {  	v2 =	vld [tilespmem:s31+$0x268];
	[tilespmem:s31+$0x258] =	vst v1  }
0x153: {  	v1 =	vld [tilespmem:s0+$0x7368];
	_ =	sdelay $0x4  }
0x154: {  	v1 =	vmax.f32 v1, v2  }
0x155: {  	v2 =	vld [tilespmem:s31+$0x278];
	[tilespmem:s31+$0x268] =	vst v1  }
0x156: {  	v1 =	vld [tilespmem:s0+$0x7378];
	_ =	sdelay $0x4  }
0x157: {  	v1 =	vmax.f32 v1, v2  }
0x158: {  	v2 =	vld [tilespmem:s31+$0x288];
	[tilespmem:s31+$0x278] =	vst v1  }
0x159: {  	v1 =	vld [tilespmem:s0+$0x7388];
	_ =	sdelay $0x4  }
0x15a: {  	v1 =	vmax.f32 v1, v2  }
0x15b: {  	v2 =	vld [tilespmem:s31+$0x298];
	[tilespmem:s31+$0x288] =	vst v1  }
0x15c: {  	v1 =	vld [tilespmem:s0+$0x7398];
	_ =	sdelay $0x4  }
0x15d: {  	v1 =	vmax.f32 v1, v2  }
0x15e: {  	v2 =	vld [tilespmem:s31+$0x2A8];
	[tilespmem:s31+$0x298] =	vst v1  }
0x15f: {  	v1 =	vld [tilespmem:s0+$0x73A8];
	_ =	sdelay $0x4  }
0x160: {  	v1 =	vmax.f32 v1, v2  }
0x161: {  	v2 =	vld [tilespmem:s31+$0x2B8];
	[tilespmem:s31+$0x2A8] =	vst v1  }
0x162: {  	v1 =	vld [tilespmem:s0+$0x73B8];
	_ =	sdelay $0x4  }
0x163: {  	v1 =	vmax.f32 v1, v2  }
0x164: {  	v2 =	vld [tilespmem:s31+$0x2C8];
	[tilespmem:s31+$0x2B8] =	vst v1  }
0x165: {  	v1 =	vld [tilespmem:s0+$0x73C8];
	_ =	sdelay $0x4  }
0x166: {  	v1 =	vmax.f32 v1, v2  }
0x167: {  	v2 =	vld [tilespmem:s31+$0x2D8];
	[tilespmem:s31+$0x2C8] =	vst v1  }
0x168: {  	v1 =	vld [tilespmem:s0+$0x73D8];
	_ =	sdelay $0x4  }
0x169: {  	v1 =	vmax.f32 v1, v2  }
0x16a: {  	v2 =	vld [tilespmem:s31+$0x2E8];
	[tilespmem:s31+$0x2D8] =	vst v1  }
0x16b: {  	v1 =	vld [tilespmem:s0+$0x73E8];
	_ =	sdelay $0x4  }
0x16c: {  	v1 =	vmax.f32 v1, v2  }
0x16d: {  	v2 =	vld [tilespmem:s31+$0x2F8];
	[tilespmem:s31+$0x2E8] =	vst v1  }
0x16e: {  	v1 =	vld [tilespmem:s0+$0x73F8];
	_ =	sdelay $0x3  }
0x16f: {  	p2 =	sgt.u32 s30, $0x4E170  }
0x170: {  	s0 =	sand.u32 @!p2 $0x7FFF8, s30;
	v1 =	vmax.f32 v1, v2  }
0x171: {  	s2 =	sadd.s32 $0x208, s31;
	s3 =	sand.u32 @!p2 $0x7, s30;
	s0 =	sadd.s32 @!p2 s1, s0;
	[tilespmem:s31+$0x2F8] =	vst v1  }
0x172: {  	[hbm4b:s0+s3] =	stream.linear.scatter @!p2 [tilespmem:s2], [sflag:$0xA], $0x80, $0x38;
	[tilespmem:$0x1E668] =	vst v63  }
0x173: {  	s0 =	sadd.s32 @!p2 $0x80, s30  }
0x174: {  	s0 =	sand.u32 @!p2 $0xFFFF8, s0  }
0x175: {  	s2 =	sadd.s32 $0x288, s31;
	s0 =	sadd.s32 @!p2 s1, s0  }
0x176: {  	[hbm4b:s0+s3] =	stream.linear.scatter @!p2 [tilespmem:s2], [sflag:$0xA], $0x80, $0x38;
	[tilespmem:$0x1E668] =	vst v63  }
0x177: {  	s0 =	simm.s32 $0x0  }
0x178: {  	s0 =	simm.s32 @!p2 $0x400  }
0x179: {  	s29 =	sadd.s32 s0, s29  }
.LBB2_22:
0x17a: {  	s0 =	sadd.s32 $0x1, s21  }
0x17b: {  	s2 =	sshrl.u32 s0, $0x4  }
0x17c: {  	s2 =	smulhi.u32 $0x24924925, s2  }
0x17d: {  	v1 =	vld [tilespmem:s24+$0xFFFFFF80]  }
0x17e: {  	s2 =	smul.u32 $0x70, s2;
	_ =	sdelay $0x1  }
0x17f: {  	s21 =	ssub.s32 s0, s2  }
0x180: {  	s0 =	sshll.u32 s21, $0x8  }
0x181: {  	[tilespmem:s0+$0x208] =	vst v1  }
0x182: {  	v1 =	vld [tilespmem:s24+$0xFFFFFF90];
	_ =	sdelay $0x4  }
0x183: {  	[tilespmem:s0+$0x218] =	vst v1  }
0x184: {  	v1 =	vld [tilespmem:s24+$0xFFFFFFA0];
	_ =	sdelay $0x4  }
0x185: {  	[tilespmem:s0+$0x228] =	vst v1  }
0x186: {  	v1 =	vld [tilespmem:s24+$0xFFFFFFB0];
	_ =	sdelay $0x4  }
0x187: {  	[tilespmem:s0+$0x238] =	vst v1  }
0x188: {  	v1 =	vld [tilespmem:s24+$0xFFFFFFC0];
	_ =	sdelay $0x4  }
0x189: {  	[tilespmem:s0+$0x248] =	vst v1  }
0x18a: {  	v1 =	vld [tilespmem:s24+$0xFFFFFFD0];
	_ =	sdelay $0x4  }
0x18b: {  	[tilespmem:s0+$0x258] =	vst v1  }
0x18c: {  	v1 =	vld [tilespmem:s24+$0xFFFFFFE0];
	_ =	sdelay $0x4  }
0x18d: {  	[tilespmem:s0+$0x268] =	vst v1  }
0x18e: {  	v1 =	vld [tilespmem:s24+$0xFFFFFFF0];
	_ =	sdelay $0x4  }
0x18f: {  	[tilespmem:s0+$0x278] =	vst v1  }
0x190: {  	v1 =	vld [tilespmem:s24+$0x0];
	_ =	sdelay $0x4  }
0x191: {  	[tilespmem:s0+$0x288] =	vst v1  }
0x192: {  	v1 =	vld [tilespmem:s24+$0x10];
	_ =	sdelay $0x4  }
0x193: {  	[tilespmem:s0+$0x298] =	vst v1  }
0x194: {  	v1 =	vld [tilespmem:s24+$0x20];
	_ =	sdelay $0x4  }
0x195: {  	[tilespmem:s0+$0x2A8] =	vst v1  }
0x196: {  	v1 =	vld [tilespmem:s24+$0x30];
	_ =	sdelay $0x4  }
0x197: {  	[tilespmem:s0+$0x2B8] =	vst v1  }
0x198: {  	v1 =	vld [tilespmem:s24+$0x40];
	_ =	sdelay $0x4  }
0x199: {  	[tilespmem:s0+$0x2C8] =	vst v1  }
0x19a: {  	v1 =	vld [tilespmem:s24+$0x50];
	_ =	sdelay $0x4  }
0x19b: {  	[tilespmem:s0+$0x2D8] =	vst v1  }
0x19c: {  	v1 =	vld [tilespmem:s24+$0x60];
	_ =	sdelay $0x4  }
0x19d: {  	[tilespmem:s0+$0x2E8] =	vst v1  }
0x19e: {  	v1 =	vld [tilespmem:s24+$0x70]  }
.Ltmp21:
0x19f: {  	_ = 	snop;
	(pc) =	sbr.rel .LBB2_23-.Ltmp21, $2  }
0x1a0: {  	_ =	sdelay $0x2  }
0x1a1: {  	s26 =	sadd.s32 $0x1, s26;
	[tilespmem:s0+$0x2F8] =	vst v1  }
.LBB2_25:
.Ltmp22:
0x1a2: {  	(pc) =	sbr.rel .LBB2_26-.Ltmp22, $4  }
0x1a3: {  	_ = 	snop  }
0x1a4: {  	s0 =	simm.s32 $0x2  }
0x1a5: {  	_ =	swait.ge [sflag:s0], $0x0  }
0x1a6: {  	s28 =	smov.u32 s30;
	[sflag:s0] =	ssyncset.done $0x0;
	s0 =	simm.s32 $0x0  }
.LBB2_28:
0x1a7: {  	_ =	sfence.sel $0x180000  }
0x1a8: {  	s0 =	simm.s32 $0x7;
	[bflag:$0x0] =	sbarrier.arrive $0xFFFF  }
0x1a9: {  	s25 =	simm.s32 $0x8;
	[sflag:s0] =	ssyncpa.u1 $0x1  }
0x1aa: {  	s26 =	simm.s32 $0x9;
	[sflag:s25] =	ssyncpa.u1 $0x1  }
0x1ab: {  	s28 =	simm.s32 $0x2;
	[sflag:s26] =	ssyncpa.u1 $0x1  }
0x1ac: {  	[sflag:s28] =	ssyncpa.u1 $0x1  }
0x1ad: {  	v0 =	vld [tilespmem:$0xE408];
	_ =	sdelay $0x4  }
0x1ae: {  	(v2sf) =	vpush v0, $0x0  }
0x1af: {  	(v2sf) =	vpush v0, $0x1;
	_ =	sdelay $0x1  }
0x1b0: {  	(v2sf) =	vpush v0, $0x2;
	_ =	sdelay $0xb  }
0x1b1: {  	s0 =	spop (v2sf)  }
0x1b2: {  	s2 =	spop (v2sf)  }
0x1b3: {  	s3 =	smov.u32 s0;
	p0 =	sne.s32 s0, s2  }
0x1b4: {  	s4 =	spop (v2sf);
	s3 =	simm.s32 @!p0 $0xFFFFFFFF  }
0x1b5: {  	v2 =	vimm.s32 $0x1;
	v3 =	vlaneseq.u32;
	p0 =	seq.s32 s4, $0xFFFFFFFF;
	v1 =	vmov s3  }
0x1b6: {  	s7 =	stileid.u32;
	v0 =	vperm.xlane v0, v2;
	p1 =	sne.s32 @!p0 s0, s2;
	v1 =	vperm.xlane v1, v3  }
0x1b7: {  	vm0 =	vcmask $0x3F04;
	s6 =	simm.s32 $0xE408;
	s0 =	simm.s32 @!p0 $0x1;
	p1 =	por !p1, p0  }
0x1b8: {  	s3 =	sshll.u32 s7, $0x1;
	s2 =	sshll.u32 @!p0 s4, $0xA;
	s0 =	simm.s32 @p1 $0x0;
	v0 =	vsel vm0, v1, v0  }
0x1b9: {  	s5 =	sor.u32 $0x2000, s3;
	s2 =	sshra.s32 @!p0 s2, $0x2;
	s0 =	sor.u32 @!p0 s0, s3;
	[tilespmem:$0xE408] =	vst v0  }
0x1ba: {  	[spmem:s5] =	stream.linear.scatter [tilespmem:s6], [sflag:$0x1], $0x2, $0x38;
	[tilespmem:$0x1E668] =	vst v63  }
0x1bb: {  	s2 =	sadd.s32 @!p0 $0x208, s2;
	s0 =	sshll.u32 @!p0 s0, $0x8  }
0x1bc: {  	[spmem:s0] =	stream.linear.scatter @!p0 [tilespmem:s2], [sflag:$0x1], $0x100, $0x38;
	[tilespmem:$0x1E668] =	vst v63  }
0x1bd: {  	s2 =	simm.s32 @!p0 $0x102  }
0x1be: {  	s0 =	simm.s32 $0x1;
	s2 =	simm.s32 @p0 $0x2  }
0x1bf: {  	_ =	swait.ge [sflag:s0], s2  }
0x1c0: {  	s2 =	ssub.s32 $0x0, s2;
	[sflag:s0] =	ssyncset.done $0x0  }
0x1c1: {  	[sflag:s0] =	ssyncadd.s32 s2  }
0x1c2: {  	_ =	sfence.stream.spmem  }
0x1c3: {  	s29 =	simm.s32 $0x3;
	[bflag:$0x0] =	sbarrier.arrive $0xFFFF  }
0x1c4: {  	s30 =	simm.s32 $0x4;
	[sflag:s29] =	ssyncpa.u1 $0x1  }
0x1c5: {  	s31 =	simm.s32 $0x3C;
	[sflag:s30] =	ssyncpa.u1 $0x1  }
0x1c6: {  	p0 =	sne.s32 s7, $0x0;
	[sflag:s31] =	ssyncpa.u1 $0x1  }
0x1c7: {  	_ =	sfence @p0  }
0x1c8: {  	[sflag:s0] =	ssyncpa.u1 @p0 $0x1  }
0x1c9: {  	_ =	strace @p0 $0x9000004A  }
0x1ca: {  	[bflag:$0x2] =	sbarrier.arrive @p0 $0xFFFF  }
0x1cb: {  	_ =	shalt @p0  }
.LBB2_29:
0x1cc: {  	_ =	sfence.stream.spmem;
	s0 =	simm.s32 $0x5  }
0x1cd: {  	s2 =	simm.s32 $0x2000;
	s3 =	simm.s32 $0xE418;
	[sflag:s0] =	ssyncpa.u1 $0x0  }
0x1ce: {  	[tilespmem:s3], [sflag:$0x5] =	stream.linear.gather [spmem:s2], $0x20, $0x38;
	[tilespmem:$0x1E668] =	vst v63  }
0x1cf: {  	s31 =	simm.s32 $0xE438;
	s2 =	simm.s32 $0x0  }
0x1d0: {  	[tilespmem:s31], [sflag:$0x5] =	stream.linear.gather [spmem:s2], $0x2000, $0x38;
	[tilespmem:$0x1E668] =	vst v63  }
.Ltmp23:
0x1d1: {  	_ = 	snop;
	(pc) =	sbr.rel .LBB2_30-.Ltmp23, $4  }
0x1d2: {  	_ =	swait.ge [sflag:s0], $0x2020  }
0x1d3: {  	[sflag:s0] =	ssyncset.done $0x0  }
0x1d4: {  	s4 =	simm.s32 $0xE308;
	s3 =	simm.s32 $0x6;
	[sflag:s0] =	ssyncadd.s32 $0xFFFFDFE0  }
0x1d5: {  	s5 =	simm.s32 $0xE388;
	s6 =	simm.s32 $0x0;
	[sflag:s3] =	ssyncpa.u1 $0x0  }
.LBB2_38:
0x1d6: {  	s0 =	sand.u32 $0x7FFF8, s7  }
0x1d7: {  	s8 =	sand.u32 $0x7, s7;
	s30 =	sadd.s32 $0x80, s7;
	s0 =	sadd.s32 s1, s0  }
0x1d8: {  	[tilespmem:s4], [sflag:$0x6] =	stream.linear.gather [hbm4b:s0+s8], $0x80, $0x38;
	[tilespmem:$0x1E668] =	vst v63  }
0x1d9: {  	s0 =	sand.u32 $0xFFFF8, s30  }
0x1da: {  	s0 =	sadd.s32 s1, s0  }
0x1db: {  	[tilespmem:s5], [sflag:$0x6] =	stream.linear.gather [hbm4b:s0+s8], $0x80, $0x38;
	[tilespmem:$0x1E668] =	vst v63  }
0x1dc: {  	_ =	swait.ge [sflag:s3], $0x100  }
0x1dd: {  	[sflag:s3] =	ssyncset.done $0x0  }
0x1de: {  	s7 =	sshll.u32 s6, $0xA;
	[sflag:s3] =	ssyncadd.s32 $0xFFFFFF00  }
0x1df: {  	s31 =	sshrl.u32 s7, $0x2;
	v1 =	vld [tilespmem:$0xE308]  }
0x1e0: {  	v2 =	vld [tilespmem:s31+$0xE438];
	_ =	sdelay $0x4  }
0x1e1: {  	v1 =	vmax.f32 v1, v2  }
0x1e2: {  	v2 =	vld [tilespmem:s31+$0xE448];
	[tilespmem:s31+$0xE438] =	vst v1  }
0x1e3: {  	v1 =	vld [tilespmem:$0xE318];
	_ =	sdelay $0x4  }
0x1e4: {  	v1 =	vmax.f32 v1, v2  }
0x1e5: {  	v2 =	vld [tilespmem:s31+$0xE458];
	[tilespmem:s31+$0xE448] =	vst v1  }
0x1e6: {  	v1 =	vld [tilespmem:$0xE328];
	_ =	sdelay $0x4  }
0x1e7: {  	v1 =	vmax.f32 v1, v2  }
0x1e8: {  	v2 =	vld [tilespmem:s31+$0xE468];
	[tilespmem:s31+$0xE458] =	vst v1  }
0x1e9: {  	v1 =	vld [tilespmem:$0xE338];
	_ =	sdelay $0x4  }
0x1ea: {  	v1 =	vmax.f32 v1, v2  }
0x1eb: {  	v2 =	vld [tilespmem:s31+$0xE478];
	[tilespmem:s31+$0xE468] =	vst v1  }
0x1ec: {  	v1 =	vld [tilespmem:$0xE348];
	_ =	sdelay $0x4  }
0x1ed: {  	v1 =	vmax.f32 v1, v2  }
0x1ee: {  	v2 =	vld [tilespmem:s31+$0xE488];
	[tilespmem:s31+$0xE478] =	vst v1  }
0x1ef: {  	v1 =	vld [tilespmem:$0xE358];
	_ =	sdelay $0x4  }
0x1f0: {  	v1 =	vmax.f32 v1, v2  }
0x1f1: {  	v2 =	vld [tilespmem:s31+$0xE498];
	[tilespmem:s31+$0xE488] =	vst v1  }
0x1f2: {  	v1 =	vld [tilespmem:$0xE368];
	_ =	sdelay $0x4  }
0x1f3: {  	v1 =	vmax.f32 v1, v2  }
0x1f4: {  	v2 =	vld [tilespmem:s31+$0xE4A8];
	[tilespmem:s31+$0xE498] =	vst v1  }
0x1f5: {  	v1 =	vld [tilespmem:$0xE378];
	_ =	sdelay $0x4  }
0x1f6: {  	v1 =	vmax.f32 v1, v2  }
0x1f7: {  	v2 =	vld [tilespmem:s31+$0xE4B8];
	[tilespmem:s31+$0xE4A8] =	vst v1  }
0x1f8: {  	v1 =	vld [tilespmem:$0xE388];
	_ =	sdelay $0x4  }
0x1f9: {  	v1 =	vmax.f32 v1, v2  }
0x1fa: {  	v2 =	vld [tilespmem:s31+$0xE4C8];
	[tilespmem:s31+$0xE4B8] =	vst v1  }
0x1fb: {  	v1 =	vld [tilespmem:$0xE398];
	_ =	sdelay $0x4  }
0x1fc: {  	v1 =	vmax.f32 v1, v2  }
0x1fd: {  	v2 =	vld [tilespmem:s31+$0xE4D8];
	[tilespmem:s31+$0xE4C8] =	vst v1  }
0x1fe: {  	v1 =	vld [tilespmem:$0xE3A8];
	_ =	sdelay $0x4  }
0x1ff: {  	v1 =	vmax.f32 v1, v2  }
0x200: {  	v2 =	vld [tilespmem:s31+$0xE4E8];
	[tilespmem:s31+$0xE4D8] =	vst v1  }
0x201: {  	v1 =	vld [tilespmem:$0xE3B8];
	_ =	sdelay $0x4  }
0x202: {  	v1 =	vmax.f32 v1, v2  }
0x203: {  	v2 =	vld [tilespmem:s31+$0xE4F8];
	[tilespmem:s31+$0xE4E8] =	vst v1  }
0x204: {  	v1 =	vld [tilespmem:$0xE3C8];
	_ =	sdelay $0x4  }
0x205: {  	v1 =	vmax.f32 v1, v2  }
0x206: {  	v2 =	vld [tilespmem:s31+$0xE508];
	[tilespmem:s31+$0xE4F8] =	vst v1  }
0x207: {  	v1 =	vld [tilespmem:$0xE3D8];
	_ =	sdelay $0x4  }
0x208: {  	v1 =	vmax.f32 v1, v2  }
0x209: {  	v2 =	vld [tilespmem:s31+$0xE518];
	[tilespmem:s31+$0xE508] =	vst v1  }
0x20a: {  	v1 =	vld [tilespmem:$0xE3E8];
	_ =	sdelay $0x4  }
0x20b: {  	v1 =	vmax.f32 v1, v2  }
0x20c: {  	v2 =	vld [tilespmem:s31+$0xE528];
	[tilespmem:s31+$0xE518] =	vst v1  }
0x20d: {  	v1 =	vld [tilespmem:$0xE3F8];
	_ =	sdelay $0x4  }
0x20e: {  	v1 =	vmax.f32 v1, v2  }
0x20f: {  	[tilespmem:s31+$0xE528] =	vst v1  }
.LBB2_39:
0x210: {  	[tilespmem:s2+$0xE418] =	vst.msk $0x1, v0;
	s0 =	sshrl.u32 s7, $0x2  }
0x211: {  	v0 =	vld [tilespmem:s0+$0xE438];
	_ =	sdelay $0x2  }
0x212: {  	s31 =	sshll.u32 s2, $0xA  }
0x213: {  	s7 =	sshra.s32 s31, $0x2  }
0x214: {  	[tilespmem:s7+$0xE438] =	vst v0  }
0x215: {  	v0 =	vld [tilespmem:s0+$0xE448];
	_ =	sdelay $0x4  }
0x216: {  	[tilespmem:s7+$0xE448] =	vst v0  }
0x217: {  	v0 =	vld [tilespmem:s0+$0xE458];
	_ =	sdelay $0x4  }
0x218: {  	[tilespmem:s7+$0xE458] =	vst v0  }
0x219: {  	v0 =	vld [tilespmem:s0+$0xE468];
	_ =	sdelay $0x4  }
0x21a: {  	[tilespmem:s7+$0xE468] =	vst v0  }
0x21b: {  	v0 =	vld [tilespmem:s0+$0xE478];
	_ =	sdelay $0x4  }
0x21c: {  	[tilespmem:s7+$0xE478] =	vst v0  }
0x21d: {  	v0 =	vld [tilespmem:s0+$0xE488];
	_ =	sdelay $0x4  }
0x21e: {  	[tilespmem:s7+$0xE488] =	vst v0  }
0x21f: {  	v0 =	vld [tilespmem:s0+$0xE498];
	_ =	sdelay $0x4  }
0x220: {  	[tilespmem:s7+$0xE498] =	vst v0  }
0x221: {  	v0 =	vld [tilespmem:s0+$0xE4A8];
	_ =	sdelay $0x4  }
0x222: {  	[tilespmem:s7+$0xE4A8] =	vst v0  }
0x223: {  	v0 =	vld [tilespmem:s0+$0xE4B8];
	_ =	sdelay $0x4  }
0x224: {  	[tilespmem:s7+$0xE4B8] =	vst v0  }
0x225: {  	v0 =	vld [tilespmem:s0+$0xE4C8];
	_ =	sdelay $0x4  }
0x226: {  	[tilespmem:s7+$0xE4C8] =	vst v0  }
0x227: {  	v0 =	vld [tilespmem:s0+$0xE4D8];
	_ =	sdelay $0x4  }
0x228: {  	[tilespmem:s7+$0xE4D8] =	vst v0  }
0x229: {  	v0 =	vld [tilespmem:s0+$0xE4E8];
	_ =	sdelay $0x4  }
0x22a: {  	[tilespmem:s7+$0xE4E8] =	vst v0  }
0x22b: {  	v0 =	vld [tilespmem:s0+$0xE4F8];
	_ =	sdelay $0x4  }
0x22c: {  	[tilespmem:s7+$0xE4F8] =	vst v0  }
0x22d: {  	v0 =	vld [tilespmem:s0+$0xE508];
	_ =	sdelay $0x4  }
0x22e: {  	[tilespmem:s7+$0xE508] =	vst v0  }
0x22f: {  	v0 =	vld [tilespmem:s0+$0xE518];
	_ =	sdelay $0x4  }
0x230: {  	[tilespmem:s7+$0xE518] =	vst v0  }
0x231: {  	v0 =	vld [tilespmem:s0+$0xE528];
	_ =	sdelay $0x4  }
0x232: {  	s2 =	sadd.s32 $0x1, s2;
	[tilespmem:s7+$0xE528] =	vst v0  }
.LBB2_40:
0x233: {  	s6 =	sadd.s32 $0x1, s6  }
0x234: {  	p0 =	sne.s32 s6, $0x20  }
.Ltmp24:
0x235: {  	_ = 	snop;
	(pc) =	sbr.rel @!p0 .LBB2_41-.Ltmp24, $1  }
0x236: {  	_ =	sdelay $0x3  }
.LBB2_30:
0x237: {  	v0 =	vld.msk [tilespmem:s6+$0xE418], $0x1;
	_ =	sdelay $0x4  }
0x238: {  	(v2sf) =	vpush v0, $0x0;
	_ =	sdelay $0xe  }
0x239: {  	s7 =	spop (v2sf)  }
0x23a: {  	p0 =	seq.s32 s7, $0xFFFFFFFF  }
.Ltmp25:
0x23b: {  	_ = 	snop;
	(pc) =	sbr.rel @p0 .LBB2_40-.Ltmp25, $1  }
0x23c: {  	_ =	sdelay $0x3  }
0x23d: {  	p0 =	slt.s32 s2, $0x1  }
.Ltmp26:
0x23e: {  	_ = 	snop;
	(pc) =	sbr.rel @p0 .LBB2_36-.Ltmp26, $1  }
0x23f: {  	_ =	sdelay $0x3  }
0x240: {  	s8 =	simm.s32 $0xE418;
	p0 =	por $0x0, $0x0  }
0x241: {  	v1 =	vld.msk @!p0 [tilespmem:s8+$0x0], $0x1;
	_ =	sdelay $0x4  }
0x242: {  	(v2sf) =	vpush @!p0 v1, $0x0;
	_ =	sdelay $0xd  }
0x243: {  	p2 =	sne.s32 s2, $0x1  }
.Ltmp27:
0x244: {  	s0 =	spop @!p0 (v2sf);
	(pc) =	sbr.rel @!p2 .LBB2_34-.Ltmp27, $4  }
0x245: {  	p1 =	seq.s32 @!p0 s7, s0  }
0x246: {  	s9 =	simm.s32 $0x0;
	p1 =	por !p1, p0  }
0x247: {  	s0 =	simm.s32 $0xFFFFFFFF;
	s9 =	simm.s32 @p1 $0xFFFFFFFF  }
0x248: {  	s10 =	simm.s32 $0x1;
	s9 =	smov.u32 @p0 s0  }
.LBB2_33:
0x249: {  	s0 =	smov.u32 s9;
	p0 =	sne.s32 s9, $0xFFFFFFFF  }
0x24a: {  	s8 =	sadd.s32 $0x1, s8;
	s9 =	smov.u32 s10;
	s10 =	sadd.s32 $0x1, s10  }
0x24b: {  	p1 =	sne.s32 s2, s10;
	v1 =	vld.msk @!p0 [tilespmem:s8+$0x0], $0x1;
	_ =	sdelay $0x4  }
0x24c: {  	(v2sf) =	vpush @!p0 v1, $0x0;
	_ =	sdelay $0xe  }
.Ltmp28:
0x24d: {  	s11 =	spop @!p0 (v2sf);
	(pc) =	sbr.rel @p1 .LBB2_33-.Ltmp28, $4  }
0x24e: {  	p2 =	seq.s32 @!p0 s7, s11  }
0x24f: {  	p2 =	por !p2, p0  }
0x250: {  	s9 =	simm.s32 @p2 $0xFFFFFFFF  }
0x251: {  	s9 =	smov.u32 @p0 s0  }
.LBB2_34:
0x252: {  	p0 =	seq.s32 s9, $0xFFFFFFFF  }
.Ltmp29:
0x253: {  	_ = 	snop;
	(pc) =	sbr.rel @p0 .LBB2_36-.Ltmp29, $1  }
0x254: {  	_ =	sdelay $0x3  }
0x255: {  	s0 =	sshll.u32 s6, $0x8  }
0x256: {  	s31 =	sshll.u32 s9, $0xA;
	s8 =	sand.u32 $0x3FFFFF00, s0  }
0x257: {  	s7 =	sshra.s32 s31, $0x2;
	v0 =	vld [tilespmem:s8+$0xE438]  }
0x258: {  	v1 =	vld [tilespmem:s7+$0xE438];
	_ =	sdelay $0x4  }
0x259: {  	v0 =	vmax.f32 v0, v1  }
0x25a: {  	v49 =	vld [tilespmem:s7+$0xE448];
	[tilespmem:s7+$0xE438] =	vst v0  }
0x25b: {  	v0 =	vld [tilespmem:s8+$0xE448];
	_ =	sdelay $0x4  }
0x25c: {  	v0 =	vmax.f32 v0, v49  }
0x25d: {  	v50 =	vld [tilespmem:s7+$0xE458];
	[tilespmem:s7+$0xE448] =	vst v0  }
0x25e: {  	v0 =	vld [tilespmem:s8+$0xE458];
	_ =	sdelay $0x4  }
0x25f: {  	v0 =	vmax.f32 v0, v50  }
0x260: {  	v51 =	vld [tilespmem:s7+$0xE468];
	[tilespmem:s7+$0xE458] =	vst v0  }
0x261: {  	v0 =	vld [tilespmem:s8+$0xE468];
	_ =	sdelay $0x4  }
0x262: {  	v0 =	vmax.f32 v0, v51  }
0x263: {  	v52 =	vld [tilespmem:s7+$0xE478];
	[tilespmem:s7+$0xE468] =	vst v0  }
0x264: {  	v0 =	vld [tilespmem:s8+$0xE478];
	_ =	sdelay $0x4  }
0x265: {  	v0 =	vmax.f32 v0, v52  }
0x266: {  	v53 =	vld [tilespmem:s7+$0xE488];
	[tilespmem:s7+$0xE478] =	vst v0  }
0x267: {  	v0 =	vld [tilespmem:s8+$0xE488];
	_ =	sdelay $0x4  }
0x268: {  	v0 =	vmax.f32 v0, v53  }
0x269: {  	v54 =	vld [tilespmem:s7+$0xE498];
	[tilespmem:s7+$0xE488] =	vst v0  }
0x26a: {  	v0 =	vld [tilespmem:s8+$0xE498];
	_ =	sdelay $0x4  }
0x26b: {  	v0 =	vmax.f32 v0, v54  }
0x26c: {  	v55 =	vld [tilespmem:s7+$0xE4A8];
	[tilespmem:s7+$0xE498] =	vst v0  }
0x26d: {  	v0 =	vld [tilespmem:s8+$0xE4A8];
	_ =	sdelay $0x4  }
0x26e: {  	v0 =	vmax.f32 v0, v55  }
0x26f: {  	v56 =	vld [tilespmem:s7+$0xE4B8];
	[tilespmem:s7+$0xE4A8] =	vst v0  }
0x270: {  	v0 =	vld [tilespmem:s8+$0xE4B8];
	_ =	sdelay $0x4  }
0x271: {  	v0 =	vmax.f32 v0, v56  }
0x272: {  	v57 =	vld [tilespmem:s7+$0xE4C8];
	[tilespmem:s7+$0xE4B8] =	vst v0  }
0x273: {  	v0 =	vld [tilespmem:s8+$0xE4C8];
	_ =	sdelay $0x4  }
0x274: {  	v0 =	vmax.f32 v0, v57  }
0x275: {  	v58 =	vld [tilespmem:s7+$0xE4D8];
	[tilespmem:s7+$0xE4C8] =	vst v0  }
0x276: {  	v0 =	vld [tilespmem:s8+$0xE4D8];
	_ =	sdelay $0x4  }
0x277: {  	v0 =	vmax.f32 v0, v58  }
0x278: {  	v59 =	vld [tilespmem:s7+$0xE4E8];
	[tilespmem:s7+$0xE4D8] =	vst v0  }
0x279: {  	v0 =	vld [tilespmem:s8+$0xE4E8];
	_ =	sdelay $0x4  }
0x27a: {  	v0 =	vmax.f32 v0, v59  }
0x27b: {  	v60 =	vld [tilespmem:s7+$0xE4F8];
	[tilespmem:s7+$0xE4E8] =	vst v0  }
0x27c: {  	v0 =	vld [tilespmem:s8+$0xE4F8];
	_ =	sdelay $0x4  }
0x27d: {  	v0 =	vmax.f32 v0, v60  }
0x27e: {  	v61 =	vld [tilespmem:s7+$0xE508];
	[tilespmem:s7+$0xE4F8] =	vst v0  }
0x27f: {  	v0 =	vld [tilespmem:s8+$0xE508];
	_ =	sdelay $0x4  }
0x280: {  	v0 =	vmax.f32 v0, v61  }
0x281: {  	v62 =	vld [tilespmem:s7+$0xE518];
	[tilespmem:s7+$0xE508] =	vst v0  }
0x282: {  	v0 =	vld [tilespmem:s8+$0xE518];
	_ =	sdelay $0x4  }
0x283: {  	v0 =	vmax.f32 v0, v62  }
0x284: {  	v63 =	vld [tilespmem:s7+$0xE528];
	[tilespmem:s7+$0xE518] =	vst v0  }
0x285: {  	v0 =	vld [tilespmem:s8+$0xE528];
	_ =	sdelay $0x1  }
.Ltmp30:
0x286: {  	_ = 	snop;
	(pc) =	sbr.rel .LBB2_40-.Ltmp30, $3  }
0x287: {  	_ =	sdelay $0x1  }
0x288: {  	v0 =	vmax.f32 v0, v63  }
0x289: {  	[tilespmem:s7+$0xE528] =	vst v0  }
.LBB2_36:
0x28a: {  	p0 =	slt.u32 s7, $0x4E171  }
.Ltmp31:
0x28b: {  	_ = 	snop;
	(pc) =	sbr.rel @p0 .LBB2_38-.Ltmp31, $1  }
0x28c: {  	_ =	sdelay $0x3  }
.Ltmp32:
0x28d: {  	(pc) =	sbr.rel .LBB2_39-.Ltmp32, $2  }
0x28e: {  	_ =	sdelay $0x2  }
0x28f: {  	s7 =	sshll.u32 s6, $0xA  }
.LBB2_41:
0x290: {  	p0 =	slt.s32 s2, $0x1  }
.Ltmp33:
0x291: {  	_ = 	snop;
	(pc) =	sbr.rel @p0 .LBB2_45-.Ltmp33, $3  }
0x292: {  	_ =	sdelay $0x1  }
0x293: {  	s0 =	simm.s32 $0x6  }
0x294: {  	[sflag:s0] =	ssyncpa.u1 $0x1;
	s0 =	simm.s32 $0x0  }
0x295: {  	s3 =	simm.s32 $0xE418  }
0x296: {  	v0 =	vld.msk [tilespmem:s3+$0x0], $0x1;
	_ =	sdelay $0x4  }
0x297: {  	(v2sf) =	vpush v0, $0x0;
	_ =	sdelay $0xe  }
0x298: {  	s2 =	sadd.s32 $0xFFFFFFFF, s2;
	s4 =	spop (v2sf)  }
0x299: {  	s5 =	simm.s32 $0xE438;
	p0 =	sne.s32 s2, $0x0;
	p1 =	sgt.u32 s4, $0x4E170  }
.Ltmp34:
0x29a: {  	s3 =	simm.s32 $0xE538;
	s6 =	sand.u32 @!p1 $0x7FFF8, s4;
	(pc) =	sbr.rel @!p0 .LBB2_44-.Ltmp34, $4  }
0x29b: {  	s7 =	sadd.s32 @!p1 $0x80, s4;
	s8 =	sadd.s32 @!p1 s1, s6;
	s6 =	sand.u32 @!p1 $0x7, s4  }
0x29c: {  	[hbm4b:s8+s6] =	stream.linear.scatter @!p1 [tilespmem:s5], [sflag:$0x5], $0x80, $0x38;
	[tilespmem:$0x1E668] =	vst v63  }
0x29d: {  	s0 =	simm.s32 @!p1 $0x400;
	s4 =	simm.s32 $0xE419;
	s5 =	sand.u32 @!p1 $0xFFFF8, s7  }
0x29e: {  	s7 =	simm.s32 @!p1 $0xE4B8;
	s8 =	sadd.s32 @!p1 s1, s5;
	s5 =	sadd.s32 $0x0, s0  }
.LBB2_43:
0x29f: {  	[hbm4b:s8+s6] =	stream.linear.scatter @!p1 [tilespmem:s7], [sflag:$0x5], $0x80, $0x38;
	[tilespmem:$0x1E668] =	vst v63  }
0x2a0: {  	s2 =	sadd.s32 $0xFFFFFFFF, s2;
	s0 =	smov.u32 s3;
	v0 =	vld.msk [tilespmem:s4+$0x0], $0x1  }
0x2a1: {  	p0 =	sne.s32 s2, $0x0;
	_ =	sdelay $0x3  }
0x2a2: {  	(v2sf) =	vpush v0, $0x0;
	_ =	sdelay $0xe  }
0x2a3: {  	s3 =	sadd.s32 $0x100, s3;
	s9 =	simm.s32 $0x0;
	s6 =	spop (v2sf)  }
.Ltmp35:
0x2a4: {  	s4 =	sadd.s32 $0x1, s4;
	p1 =	sgt.u32 s6, $0x4E170;
	(pc) =	sbr.rel @p0 .LBB2_43-.Ltmp35, $4  }
0x2a5: {  	s9 =	simm.s32 @!p1 $0x400;
	s7 =	sand.u32 @!p1 $0x7FFF8, s6;
	s8 =	sadd.s32 @!p1 $0x80, s6  }
0x2a6: {  	s6 =	sand.u32 @!p1 $0x7, s6;
	s7 =	sadd.s32 @!p1 s1, s7;
	s8 =	sand.u32 @!p1 $0xFFFF8, s8  }
0x2a7: {  	[hbm4b:s7+s6] =	stream.linear.scatter @!p1 [tilespmem:s0], [sflag:$0x5], $0x80, $0x38;
	[tilespmem:$0x1E668] =	vst v63  }
0x2a8: {  	s5 =	sadd.s32 s5, s9;
	s7 =	sadd.s32 @!p1 $0x80, s0;
	s8 =	sadd.s32 @!p1 s1, s8  }
.LBB2_44:
0x2a9: {  	[hbm4b:s8+s6] =	stream.linear.scatter @!p1 [tilespmem:s7], [sflag:$0x5], $0x80, $0x38;
	[tilespmem:$0x1E668] =	vst v63  }
0x2aa: {  	s0 =	sshrl.u32 s5, $0x2  }
.LBB2_45:
0x2ab: {  	s1 =	simm.s32 $0x5  }
0x2ac: {  	_ =	swait.ge [sflag:s1], s0  }
0x2ad: {  	s29 =	ssub.s32 $0x0, s0;
	[sflag:s1] =	ssyncset.done $0x0  }
0x2ae: {  	[sflag:s1] =	ssyncadd.s32 s29  }
0x2af: {  	[sflag:s1] =	ssyncpa.u1 $0x1  }
0x2b0: {  	s30 =	simm.s32 $0x1;
	_ =	sfence  }
0x2b1: {  	[sflag:s30] =	ssyncpa.u1 $0x1  }
0x2b2: {  	_ =	strace $0x9000004A  }
0x2b3: {  	[bflag:$0x2] =	sbarrier.arrive $0xFFFF  }
0x2b4: {  	s31 =	rddreg [dreg:$0x1]  }
0x2b5: {  	s0 =	sadd.s32 $0x100000, s31  }
0x2b6: {  	[sflag:s0] =	ssyncadd.tile.s32 $0x1;
	_ =	shalt  }
.Lfunc_end2:
_tile_overlayer_lowered:
.L_overlay_start_2:
0x2b7: {  	(tag) =	ssettag $0x2  }
0x2b8: {  	s0 =	rddreg [dreg:$0x0];
	s2 =	stileid.u32  }
0x2b9: {  	s1 =	rddreg [dreg:$0x1];
	p0 =	sne.s32 s2, $0x0  }
0x2ba: {  	s3 =	rddreg [dreg:$0x2];
	[bflag:$0x3] =	sbarrier.arrive $0xFFFF;
	s2 =	simm.s32 @!p0 $0x1C01  }
0x2bb: {  	[timem:s3], [sflag:s2] =	dma.local @!p0 [hbm:s0], s1  }
0x2bc: {  	s0 =	simm.s32 @!p0 $0x1  }
0x2bd: {  	_ =	swait.ge @!p0 [sflag:s0], s1  }
0x2be: {  	s1 =	ssub.s32 @!p0 $0x0, s1;
	[sflag:s0] =	ssyncset.done @!p0 $0x0  }
0x2bf: {  	[sflag:s0] =	ssyncadd.s32 @!p0 s1  }
0x2c0: {  	[bflag:$0x3] =	sbarrier.arrive $0xFFFF  }
0x2c1: {  	_ =	shalt  }

</sc_bundles>
